<compile_context>
chip_gen: v7x
topology: tpu7x:2x2x1
jax: 0.10.2.dev20260603
libtpu: 0.0.44.dev20260713+nightly
codegen_flags: <defaults>
</compile_context>

<pallas_src>
import functools

import jax
import jax.numpy as jnp
from jax import lax
from jax.experimental import pallas as pl
from jax.experimental.pallas import tpu as pltpu
from jax.experimental.pallas import tpu_sc as plsc

F32 = jnp.float32

NC = 2
NS = 16
LANES = 16
NW = NC * NS

CH = 128
DH = 64
DW = 64


def _precompute_body(x_ref, w1_ref, b1_ref, a_ref, b_ref):
    x = x_ref[...]
    w1 = w1_ref[...]
    wa = w1[0:2, :] - w1[2:4, :]
    wb = w1[2:4, :]
    a_ref[...] = jnp.dot(x, wa, preferred_element_type=F32, precision=lax.Precision.HIGHEST) + b1_ref[...][None, :]
    b_ref[...] = jnp.dot(x, wb, preferred_element_type=F32, precision=lax.Precision.HIGHEST)


def _edge_body(epw, n_nodes, a_hbm, b_hbm, ei_hbm, hp_hbm,
               dsti, srci, ga, gb, zbuf, hsh, sem_a, sem_b, sem_s):
    c = lax.axis_index("c")
    s = lax.axis_index("s")
    wid = s * NC + c
    nchunk = epw // CH
    nslot = 3
    rows_per_tile = n_nodes // NS

    zeros16 = jnp.zeros((LANES,), F32)

    @plsc.parallel_loop(0, rows_per_tile, unroll=2)
    def _zero_zbuf(i):
        for q in range(DW // LANES):
            zbuf[i, pl.ds(q * LANES, LANES)] = zeros16

    pltpu.sync_copy(zbuf, hsh.at[pl.ds(s * rows_per_tile, rows_per_tile)])
    plsc.subcore_barrier()

    pltpu.sync_copy(ei_hbm.at[1, wid], dsti)
    pltpu.sync_copy(ei_hbm.at[0, wid], srci)

    def _start_gathers(j, slot):
        return (pltpu.async_copy(a_hbm.at[dsti.at[j]], ga.at[slot], sem_a),
                pltpu.async_copy(b_hbm.at[srci.at[j]], gb.at[slot], sem_b))

    pend = [None] * nslot
    scat = [None] * nslot
    pend[0] = _start_gathers(0, 0)
    if nchunk > 1:
        pend[1] = _start_gathers(1, 1)
    for j in range(nchunk):
        slot = j % nslot
        pend[slot][0].wait()
        pend[slot][1].wait()

        @plsc.parallel_loop(0, CH, unroll=4)
        def _relu_add(e):
            for q in range(DH // LANES):
                va = ga[slot, e, pl.ds(q * LANES, LANES)]
                vb = gb[slot, e, pl.ds(q * LANES, LANES)]
                ga[slot, e, pl.ds(q * LANES, LANES)] = jnp.maximum(va + vb, 0.0)

        scat[slot] = pltpu.async_copy(ga.at[slot], hsh.at[dsti.at[j]],
                                      sem_s, add=True)
        if j + 2 < nchunk:
            ns = (j + 2) % nslot
            if scat[ns] is not None:
                scat[ns].wait()
            pend[ns] = _start_gathers(j + 2, ns)

    for d in scat:
        if d is not None:
            d.wait()
    plsc.subcore_barrier()

    pltpu.sync_copy(hsh.at[pl.ds(s * rows_per_tile, rows_per_tile)],
                    hp_hbm.at[c, pl.ds(s * rows_per_tile, rows_per_tile)])


def _tail_body(hp_ref, w2_ref, b2_ref, wm1_ref, bm1_ref,
               wm2_ref, bm2_ref, wv_ref, bv_ref, war_ref, bar_ref, q_ref):
    n_nodes, d_out = hp_ref.shape[1], w2_ref.shape[1]
    pooled_d = d_out // 4
    na_ac = war_ref.shape[1]
    ac = 16

    hext = hp_ref[0] + hp_ref[1]

    ri = lax.broadcasted_iota(jnp.int32, (d_out, pooled_d), 0)
    ci = lax.broadcasted_iota(jnp.int32, (d_out, pooled_d), 1)
    pool = jnp.where(ri // 4 == ci, jnp.array(0.25, F32), jnp.array(0.0, F32))

    w2pe = jnp.dot(w2_ref[...], pool, preferred_element_type=F32, precision=lax.Precision.HIGHEST)

    pooled = jnp.dot(hext, w2pe, preferred_element_type=F32, precision=lax.Precision.HIGHEST)
    t = jnp.maximum(pooled, 0.0)

    h1 = lax.dot_general(t, wm1_ref[...], (((0,), (0,)), ((), ())),
                         preferred_element_type=F32) + bm1_ref[...][None, :]
    h1 = jnp.where(h1 > 0, h1, 0.01 * h1)
    h2 = jnp.dot(h1, wm2_ref[...], preferred_element_type=F32) + bm2_ref[...][None, :]
    h2 = jnp.where(h2 > 0, h2, 0.01 * h2)

    value = jnp.dot(h2, wv_ref[...], preferred_element_type=F32) + bv_ref[...][None, :]
    adv = jnp.dot(h2, war_ref[...], preferred_element_type=F32) + bar_ref[...][None, :]

    mi = lax.broadcasted_iota(jnp.int32, (na_ac, na_ac), 0)
    mj = lax.broadcasted_iota(jnp.int32, (na_ac, na_ac), 1)
    mavg = jnp.where(mi // ac == mj // ac, jnp.array(1.0 / ac, F32),
                     jnp.array(0.0, F32))
    adv_mean = jnp.dot(adv, mavg, preferred_element_type=F32, precision=lax.Precision.HIGHEST)

    q_ref[...] = value + adv - adv_mean


def kernel(x, edge_index, W1, b1, W2, b2, Wm1, bm1, Wm2, bm2, Wv, bv, Wa, ba):
    n_nodes = x.shape[0]
    n_edges = edge_index.shape[1]
    d_out = W2.shape[1]
    na, ac = Wa.shape[0], Wa.shape[2]
    epw = n_edges // NW

    a_nodes, b_nodes = pl.pallas_call(
        _precompute_body,
        out_shape=(jax.ShapeDtypeStruct((n_nodes, DH), F32),
                   jax.ShapeDtypeStruct((n_nodes, DH), F32)),
    )(x, W1, b1)

    mesh = plsc.VectorSubcoreMesh(core_axis_name="c", subcore_axis_name="s",
                                  num_cores=NC, num_subcores=NS)
    edge_agg = functools.partial(
        pl.kernel,
        out_type=jax.ShapeDtypeStruct((NC, n_nodes, DW), F32),
        mesh=mesh,
        compiler_params=pltpu.CompilerParams(use_tc_tiling_on_sc=False),
        scratch_types=[
            pltpu.VMEM((epw // CH, CH), jnp.int32),
            pltpu.VMEM((epw // CH, CH), jnp.int32),
            pltpu.VMEM((3, CH, DH), F32),
            pltpu.VMEM((3, CH, DH), F32),
            pltpu.VMEM((n_nodes // NS, DW), F32),
            pltpu.VMEM_SHARED((n_nodes, DW), F32),
            pltpu.SemaphoreType.DMA,
            pltpu.SemaphoreType.DMA,
            pltpu.SemaphoreType.DMA,
        ],
    )(functools.partial(_edge_body, epw, n_nodes))
    ei4 = edge_index.reshape(2, NW, epw // CH, CH)
    h_parts = edge_agg(a_nodes, b_nodes, ei4)

    war = jnp.transpose(Wa, (1, 0, 2)).reshape(DH, na * ac)
    bar = ba.reshape(na * ac)
    q_flat = pl.pallas_call(
        _tail_body,
        out_shape=jax.ShapeDtypeStruct((d_out // 4, na * ac), F32),
    )(h_parts, W2, b2, Wm1, bm1, Wm2, bm2, Wv, bv, war, bar)
    return q_flat.reshape(d_out // 4, na, ac)

# --- scband reference (transcript-rebuilt; emitter-appended) ---
"""Pipeline reference for scband-gcn-15487652069593 (READ-ONLY COPY).

The authoritative reference and input builder live on the scoring server;
editing this copy changes nothing except your own understanding.
"""

import jax, jax.numpy as jnp
import numpy as np

N = 1024          # n_nodes == observation[0] (forced equal by the transpose + Linear(observation[0],128))
E = 32768         # edges, avg degree 32
D_OUT = 1024      # EdgeConv output dim == observation[0]
AC = 16           # action_space_dimension
NA = 8            # number_of_actions


def setup_inputs(seed: int = 0) -> dict:
    key = jax.random.key(seed)
    ks = jax.random.split(key, 16)
    x = jax.random.normal(ks[0], (N, 2), dtype=jnp.float32)
    edge_index = jax.random.randint(ks[1], (2, E), 0, N, dtype=jnp.int32)
    # EdgeConv inner MLP: Linear(4,64) -> ReLU -> Linear(64, D_OUT)
    W1 = jax.random.normal(ks[2], (4, 64), dtype=jnp.float32) * (1.0 / np.sqrt(4))
    b1 = jnp.zeros((64,), dtype=jnp.float32)
    W2 = jax.random.normal(ks[3], (64, D_OUT), dtype=jnp.float32) * (1.0 / np.sqrt(64))
    b2 = jnp.zeros((D_OUT,), dtype=jnp.float32)
    # model: Linear(D_OUT,128) -> LeakyReLU -> Linear(128,64) -> LeakyReLU
    Wm1 = jax.random.normal(ks[4], (D_OUT, 128), dtype=jnp.float32) * (1.0 / np.sqrt(D_OUT))
    bm1 = jnp.zeros((128,), dtype=jnp.float32)
    Wm2 = jax.random.normal(ks[5], (128, 64), dtype=jnp.float32) * (1.0 / np.sqrt(128))
    bm2 = jnp.zeros((64,), dtype=jnp.float32)
    # value head
    Wv = jax.random.normal(ks[6], (64, 1), dtype=jnp.float32) * (1.0 / np.sqrt(64))
    bv = jnp.zeros((1,), dtype=jnp.float32)
    # advantage heads stacked: [NA, 64, AC]
    Wa = jax.random.normal(ks[7], (NA, 64, AC), dtype=jnp.float32) * (1.0 / np.sqrt(64))
    ba = jnp.zeros((NA, AC), dtype=jnp.float32)
    return {"x": x, "edge_index": edge_index, "W1": W1, "b1": b1, "W2": W2, "b2": b2,
            "Wm1": Wm1, "bm1": bm1, "Wm2": Wm2, "bm2": bm2, "Wv": Wv, "bv": bv,
            "Wa": Wa, "ba": ba}


def reference(x, edge_index, W1, b1, W2, b2, Wm1, bm1, Wm2, bm2, Wv, bv, Wa, ba):
    src = edge_index[0]
    dst = edge_index[1]
    # PyG EdgeConv (flow source_to_target): x_i = x[dst], x_j = x[src]
    x_i = jnp.take(x, dst, axis=0)          # [E, 2]
    x_j = jnp.take(x, src, axis=0)          # [E, 2]
    m_in = jnp.concatenate([x_i, x_j - x_i], axis=-1)   # [E, 4]
    h = jax.nn.relu(m_in @ W1 + b1)                      # [E, 64]
    msg = h @ W2 + b2                                    # [E, D_OUT]
    agg = jax.ops.segment_sum(msg, dst, num_segments=N) # [N, D_OUT] sum aggregation
    # AvgPool1d(kernel=4, stride=4) over last dim
    pooled = agg.reshape(N, D_OUT // 4, 4).mean(axis=-1)  # [N, D_OUT//4]
    t = jax.nn.relu(pooled).T                              # [D_OUT//4, N]
    h1 = jax.nn.leaky_relu(t @ Wm1 + bm1, negative_slope=0.01)   # [D_OUT//4, 128]
    h2 = jax.nn.leaky_relu(h1 @ Wm2 + bm2, negative_slope=0.01)  # [D_OUT//4, 64]
    value = h2 @ Wv + bv                                   # [D_OUT//4, 1]
    adv = jnp.einsum('bd,ndk->bnk', h2, Wa) + ba           # [D_OUT//4, NA, AC]
    q_val = value[:, :, None] + adv - adv.mean(axis=2, keepdims=True)
    return q_val

if __name__ == "__main__":
    import jax
    _d = setup_inputs()
    print(jax.jit(kernel)(*tuple(_d.values())))

</pallas_src>

<mosaic_0001>
#map = affine_map<(d0, d1) -> (0, 0)>
#map1 = affine_map<(d0, d1) -> (0, 0, 0, 0)>
#map2 = affine_map<(d0, d1) -> (0, 0, 0)>
module attributes {stable_mosaic.version = 14 : i64} {
  func.func @_edge_body(%arg0: i32, %arg1: i32, %arg2: memref<1024x64xf32, #tpu.memory_space<hbm>>, %arg3: memref<1024x64xf32, #tpu.memory_space<hbm>>, %arg4: memref<2x32x8x128xi32, #tpu.memory_space<hbm>>, %arg5: memref<2x1024x64xf32, #tpu.memory_space<hbm>>, %arg6: memref<8x128xi32, #tpu.memory_space<vmem>>, %arg7: memref<8x128xi32, #tpu.memory_space<vmem>>, %arg8: memref<3x128x64xf32, #tpu.memory_space<vmem>>, %arg9: memref<3x128x64xf32, #tpu.memory_space<vmem>>, %arg10: memref<64x64xf32, #tpu.memory_space<vmem>>, %arg11: memref<1024x64xf32, #tpu.memory_space<vmem_shared>>, %arg12: memref<!tpu.dma_semaphore, #tpu.memory_space<semaphore_mem>>, %arg13: memref<!tpu.dma_semaphore, #tpu.memory_space<semaphore_mem>>, %arg14: memref<!tpu.dma_semaphore, #tpu.memory_space<semaphore_mem>>) attributes {dimension_semantics = [#tpu.dimension_semantics<core_parallel>, #tpu.dimension_semantics<subcore_parallel>], iteration_bounds = array<i64: 2, 16>, scalar_prefetch = 0 : i64, scratch_operands = 9 : i64, tpu.core_type = #tpu.core_type<sc_vector_subcore>, window_params = [{transform_indices = #map}, {transform_indices = #map}, {transform_indices = #map1}, {transform_indices = #map2}]} {
    %mul3A = arith.constant 2 : i32
    %mul3A_0 = arith.muli %arg1, %mul3A : i32
    %add3A = arith.addi %mul3A_0, %arg0 : i32
    %broadcast_in_dim3A = arith.constant 0.000000e+00 : f32
    %broadcast_in_dim3A_1 = vector.broadcast %broadcast_in_dim3A : f32 to vector<16xf32>
    %parallel_loop3A = arith.constant 0 : i32
    %parallel_loop3A_2 = arith.constant 64 : i32
    %parallel_loop3A_3 = arith.constant 1 : i32
    scf.for %parallel_loop3A_610 = %parallel_loop3A to %parallel_loop3A_2 step %parallel_loop3A_3  : i32 {
      %parallel_loop3A_611 = arith.index_cast %parallel_loop3A_610 : i32 to index
      %parallel_loop3A_612 = arith.constant 0 : index
      %parallel_loop3A_613 = tpu.vector_load %arg10[%parallel_loop3A_611, %parallel_loop3A_612] {strides = array<i32>} : memref<64x64xf32, #tpu.memory_space<vmem>>, vector<1x16xf32>,
      %parallel_loop3A_614 = vector.shape_cast %parallel_loop3A_613 : vector<1x16xf32> to vector<16xf32>
      %parallel_loop3A_615 = vector.shape_cast %broadcast_in_dim3A_1 : vector<16xf32> to vector<1x16xf32>
      tpu.vector_store %arg10[%parallel_loop3A_611, %parallel_loop3A_612], %parallel_loop3A_615 {strides = array<i32>} : memref<64x64xf32, #tpu.memory_space<vmem>>, vector<1x16xf32>,
      %parallel_loop3A_616 = arith.index_cast %parallel_loop3A_610 : i32 to index
      %parallel_loop3A_617 = arith.constant 16 : index
      %parallel_loop3A_618 = tpu.vector_load %arg10[%parallel_loop3A_616, %parallel_loop3A_617] {strides = array<i32>} : memref<64x64xf32, #tpu.memory_space<vmem>>, vector<1x16xf32>,
      %parallel_loop3A_619 = vector.shape_cast %parallel_loop3A_618 : vector<1x16xf32> to vector<16xf32>
      %parallel_loop3A_620 = vector.shape_cast %broadcast_in_dim3A_1 : vector<16xf32> to vector<1x16xf32>
      tpu.vector_store %arg10[%parallel_loop3A_616, %parallel_loop3A_617], %parallel_loop3A_620 {strides = array<i32>} : memref<64x64xf32, #tpu.memory_space<vmem>>, vector<1x16xf32>,
      %parallel_loop3A_621 = arith.index_cast %parallel_loop3A_610 : i32 to index
      %parallel_loop3A_622 = arith.constant 32 : index
      %parallel_loop3A_623 = tpu.vector_load %arg10[%parallel_loop3A_621, %parallel_loop3A_622] {strides = array<i32>} : memref<64x64xf32, #tpu.memory_space<vmem>>, vector<1x16xf32>,
      %parallel_loop3A_624 = vector.shape_cast %parallel_loop3A_623 : vector<1x16xf32> to vector<16xf32>
      %parallel_loop3A_625 = vector.shape_cast %broadcast_in_dim3A_1 : vector<16xf32> to vector<1x16xf32>
      tpu.vector_store %arg10[%parallel_loop3A_621, %parallel_loop3A_622], %parallel_loop3A_625 {strides = array<i32>} : memref<64x64xf32, #tpu.memory_space<vmem>>, vector<1x16xf32>,
      %parallel_loop3A_626 = arith.index_cast %parallel_loop3A_610 : i32 to index
      %parallel_loop3A_627 = arith.constant 48 : index
      %parallel_loop3A_628 = tpu.vector_load %arg10[%parallel_loop3A_626, %parallel_loop3A_627] {strides = array<i32>} : memref<64x64xf32, #tpu.memory_space<vmem>>, vector<1x16xf32>,
      %parallel_loop3A_629 = vector.shape_cast %parallel_loop3A_628 : vector<1x16xf32> to vector<16xf32>
      %parallel_loop3A_630 = vector.shape_cast %broadcast_in_dim3A_1 : vector<16xf32> to vector<1x16xf32>
      tpu.vector_store %arg10[%parallel_loop3A_626, %parallel_loop3A_627], %parallel_loop3A_630 {strides = array<i32>} : memref<64x64xf32, #tpu.memory_space<vmem>>, vector<1x16xf32>,
    } {sc.loop_unroll_factor = 2 : i64, sc.parallel_access}
    %mul3A_4 = arith.constant 64 : i32
    %mul3A_5 = arith.muli %arg1, %mul3A_4 : i32
    "tpu.region"() ({
      %run_scoped3A_610 = tpu.sem_alloc : memref<!tpu.dma_semaphore, #tpu.memory_space<semaphore_mem>>
      %dma_start3A_611 = arith.constant 0 : i32
      %dma_start3A_612 = tpu.memref_slice %arg11[%mul3A_5, %dma_start3A_611] : memref<1024x64xf32, #tpu.memory_space<vmem_shared>> -> memref<64x64xf32, #tpu.memory_space<vmem_shared>>
      %dma_start3A_613 = arith.constant 0 : i32
      %dma_start3A_614 = tpu.memref_slice %arg11[%mul3A_5, %dma_start3A_613] : memref<1024x64xf32, #tpu.memory_space<vmem_shared>> -> memref<64x64xf32, #tpu.memory_space<vmem_shared>>
      tpu.enqueue_dma source(%arg10 : memref<64x64xf32, #tpu.memory_space<vmem>>) target(%dma_start3A_614 : memref<64x64xf32, #tpu.memory_space<vmem_shared>>) target_semaphore(%run_scoped3A_610 : memref<!tpu.dma_semaphore, #tpu.memory_space<semaphore_mem>>)
      %dma_wait3A_615 = arith.constant 0 : i32
      %dma_wait3A_616 = tpu.memref_slice %arg11[%mul3A_5, %dma_wait3A_615] : memref<1024x64xf32, #tpu.memory_space<vmem_shared>> -> memref<64x64xf32, #tpu.memory_space<vmem_shared>>
      %dma_wait3A_617 = arith.constant 0 : i32
      %dma_wait3A_618 = tpu.memref_slice %arg11[%mul3A_5, %dma_wait3A_617] : memref<1024x64xf32, #tpu.memory_space<vmem_shared>> -> memref<64x64xf32, #tpu.memory_space<vmem_shared>>
      tpu.wait_dma2 semaphore(%run_scoped3A_610 : memref<!tpu.dma_semaphore, #tpu.memory_space<semaphore_mem>>) src(%arg10 : memref<64x64xf32, #tpu.memory_space<vmem>>) dst(%dma_wait3A_618 : memref<64x64xf32, #tpu.memory_space<vmem_shared>>)
      tpu.yield
    }) : () -> ()
    %barrier3A = arith.constant 0 : index
    tpu.barrier barrier_id(%barrier3A)
    %run_scoped3A = arith.constant 1 : i32
    "tpu.region"() ({
      %run_scoped3A_610 = tpu.sem_alloc : memref<!tpu.dma_semaphore, #tpu.memory_space<semaphore_mem>>
      %dma_start3A_611 = arith.constant 0 : i32
      %dma_start3A_612 = arith.constant 0 : i32
      %dma_start3A_613 = tpu.memref_slice %arg4[%run_scoped3A, %add3A, %dma_start3A_611, %dma_start3A_612] : memref<2x32x8x128xi32, #tpu.memory_space<hbm>> -> memref<1x1x8x128xi32, #tpu.memory_space<hbm>>
      %dma_start3A_614 = tpu.memref_squeeze %dma_start3A_613 : memref<1x1x8x128xi32, #tpu.memory_space<hbm>> -> memref<8x128xi32, #tpu.memory_space<hbm>>
      %dma_start3A_615 = arith.constant 0 : i32
      %dma_start3A_616 = arith.constant 0 : i32
      %dma_start3A_617 = tpu.memref_slice %arg4[%run_scoped3A, %add3A, %dma_start3A_615, %dma_start3A_616] : memref<2x32x8x128xi32, #tpu.memory_space<hbm>> -> memref<1x1x8x128xi32, #tpu.memory_space<hbm>>
      %dma_start3A_618 = tpu.memref_squeeze %dma_start3A_617 : memref<1x1x8x128xi32, #tpu.memory_space<hbm>> -> memref<8x128xi32, #tpu.memory_space<hbm>>
      tpu.enqueue_dma source(%dma_start3A_618 : memref<8x128xi32, #tpu.memory_space<hbm>>) target(%arg6 : memref<8x128xi32, #tpu.memory_space<vmem>>) target_semaphore(%run_scoped3A_610 : memref<!tpu.dma_semaphore, #tpu.memory_space<semaphore_mem>>)
      %dma_wait3A_619 = arith.constant 0 : i32
      %dma_wait3A_620 = arith.constant 0 : i32
      %dma_wait3A_621 = tpu.memref_slice %arg4[%run_scoped3A, %add3A, %dma_wait3A_619, %dma_wait3A_620] : memref<2x32x8x128xi32, #tpu.memory_space<hbm>> -> memref<1x1x8x128xi32, #tpu.memory_space<hbm>>
      %dma_wait3A_622 = tpu.memref_squeeze %dma_wait3A_621 : memref<1x1x8x128xi32, #tpu.memory_space<hbm>> -> memref<8x128xi32, #tpu.memory_space<hbm>>
      %dma_wait3A_623 = arith.constant 0 : i32
      %dma_wait3A_624 = arith.constant 0 : i32
      %dma_wait3A_625 = tpu.memref_slice %arg4[%run_scoped3A, %add3A, %dma_wait3A_623, %dma_wait3A_624] : memref<2x32x8x128xi32, #tpu.memory_space<hbm>> -> memref<1x1x8x128xi32, #tpu.memory_space<hbm>>
      %dma_wait3A_626 = tpu.memref_squeeze %dma_wait3A_625 : memref<1x1x8x128xi32, #tpu.memory_space<hbm>> -> memref<8x128xi32, #tpu.memory_space<hbm>>
      tpu.wait_dma2 semaphore(%run_scoped3A_610 : memref<!tpu.dma_semaphore, #tpu.memory_space<semaphore_mem>>) src(%dma_wait3A_626 : memref<8x128xi32, #tpu.memory_space<hbm>>) dst(%arg6 : memref<8x128xi32, #tpu.memory_space<vmem>>)
      tpu.yield
    }) : () -> ()
    %run_scoped3A_6 = arith.constant 0 : i32
    "tpu.region"() ({
      %run_scoped3A_610 = tpu.sem_alloc : memref<!tpu.dma_semaphore, #tpu.memory_space<semaphore_mem>>
      %dma_start3A_611 = arith.constant 0 : i32
      %dma_start3A_612 = arith.constant 0 : i32
      %dma_start3A_613 = tpu.memref_slice %arg4[%run_scoped3A_6, %add3A, %dma_start3A_611, %dma_start3A_612] : memref<2x32x8x128xi32, #tpu.memory_space<hbm>> -> memref<1x1x8x128xi32, #tpu.memory_space<hbm>>
      %dma_start3A_614 = tpu.memref_squeeze %dma_start3A_613 : memref<1x1x8x128xi32, #tpu.memory_space<hbm>> -> memref<8x128xi32, #tpu.memory_space<hbm>>
      %dma_start3A_615 = arith.constant 0 : i32
      %dma_start3A_616 = arith.constant 0 : i32
      %dma_start3A_617 = tpu.memref_slice %arg4[%run_scoped3A_6, %add3A, %dma_start3A_615, %dma_start3A_616] : memref<2x32x8x128xi32, #tpu.memory_space<hbm>> -> memref<1x1x8x128xi32, #tpu.memory_space<hbm>>
      %dma_start3A_618 = tpu.memref_squeeze %dma_start3A_617 : memref<1x1x8x128xi32, #tpu.memory_space<hbm>> -> memref<8x128xi32, #tpu.memory_space<hbm>>
      tpu.enqueue_dma source(%dma_start3A_618 : memref<8x128xi32, #tpu.memory_space<hbm>>) target(%arg7 : memref<8x128xi32, #tpu.memory_space<vmem>>) target_semaphore(%run_scoped3A_610 : memref<!tpu.dma_semaphore, #tpu.memory_space<semaphore_mem>>)
      %dma_wait3A_619 = arith.constant 0 : i32
      %dma_wait3A_620 = arith.constant 0 : i32
      %dma_wait3A_621 = tpu.memref_slice %arg4[%run_scoped3A_6, %add3A, %dma_wait3A_619, %dma_wait3A_620] : memref<2x32x8x128xi32, #tpu.memory_space<hbm>> -> memref<1x1x8x128xi32, #tpu.memory_space<hbm>>
      %dma_wait3A_622 = tpu.memref_squeeze %dma_wait3A_621 : memref<1x1x8x128xi32, #tpu.memory_space<hbm>> -> memref<8x128xi32, #tpu.memory_space<hbm>>
      %dma_wait3A_623 = arith.constant 0 : i32
      %dma_wait3A_624 = arith.constant 0 : i32
      %dma_wait3A_625 = tpu.memref_slice %arg4[%run_scoped3A_6, %add3A, %dma_wait3A_623, %dma_wait3A_624] : memref<2x32x8x128xi32, #tpu.memory_space<hbm>> -> memref<1x1x8x128xi32, #tpu.memory_space<hbm>>
      %dma_wait3A_626 = tpu.memref_squeeze %dma_wait3A_625 : memref<1x1x8x128xi32, #tpu.memory_space<hbm>> -> memref<8x128xi32, #tpu.memory_space<hbm>>
      tpu.wait_dma2 semaphore(%run_scoped3A_610 : memref<!tpu.dma_semaphore, #tpu.memory_space<semaphore_mem>>) src(%dma_wait3A_626 : memref<8x128xi32, #tpu.memory_space<hbm>>) dst(%arg7 : memref<8x128xi32, #tpu.memory_space<vmem>>)
      tpu.yield
    }) : () -> ()
    %dma_start3A = arith.constant 0 : i32
    %dma_start3A_7 = arith.constant 0 : i32
    %dma_start3A_8 = arith.constant 0 : i32
    %dma_start3A_9 = arith.constant 0 : i32
    %dma_start3A_10 = tpu.memref_slice %arg8[%dma_start3A_7, %dma_start3A_8, %dma_start3A_9] : memref<3x128x64xf32, #tpu.memory_space<vmem>> -> memref<1x128x64xf32, #tpu.memory_space<vmem>>
    %dma_start3A_11 = tpu.memref_squeeze %dma_start3A_10 : memref<1x128x64xf32, #tpu.memory_space<vmem>> -> memref<128x64xf32, #tpu.memory_space<vmem>>
    %dma_start3A_12 = arith.constant 0 : i32
    %dma_start3A_13 = tpu.memref_slice %arg6[%dma_start3A, %dma_start3A_12] : memref<8x128xi32, #tpu.memory_space<vmem>> -> memref<1x128xi32, #tpu.memory_space<vmem>>
    %dma_start3A_14 = tpu.memref_squeeze %dma_start3A_13 : memref<1x128xi32, #tpu.memory_space<vmem>> -> memref<128xi32, #tpu.memory_space<vmem>>
    %dma_start3A_15 = arith.constant 0 : i32
    %dma_start3A_16 = arith.constant 0 : i32
    %dma_start3A_17 = tpu.memref_slice %arg2[%dma_start3A_15, %dma_start3A_16] : memref<1024x64xf32, #tpu.memory_space<hbm>> -> memref<1024x64xf32, #tpu.memory_space<hbm>>
    tpu.enqueue_indirect_dma source(%dma_start3A_17 : memref<1024x64xf32, #tpu.memory_space<hbm>>) target(%dma_start3A_11 : memref<128x64xf32, #tpu.memory_space<vmem>>) offsets(%dma_start3A_14 : memref<128xi32, #tpu.memory_space<vmem>>) semaphore(%arg12 : memref<!tpu.dma_semaphore, #tpu.memory_space<semaphore_mem>>)
    %dma_start3A_18 = arith.constant 0 : i32
    %dma_start3A_19 = arith.constant 0 : i32
    %dma_start3A_20 = arith.constant 0 : i32
    %dma_start3A_21 = arith.constant 0 : i32
    %dma_start3A_22 = tpu.memref_slice %arg9[%dma_start3A_19, %dma_start3A_20, %dma_start3A_21] : memref<3x128x64xf32, #tpu.memory_space<vmem>> -> memref<1x128x64xf32, #tpu.memory_space<vmem>>
    %dma_start3A_23 = tpu.memref_squeeze %dma_start3A_22 : memref<1x128x64xf32, #tpu.memory_space<vmem>> -> memref<128x64xf32, #tpu.memory_space<vmem>>
    %dma_start3A_24 = arith.constant 0 : i32
    %dma_start3A_25 = tpu.memref_slice %arg7[%dma_start3A_18, %dma_start3A_24] : memref<8x128xi32, #tpu.memory_space<vmem>> -> memref<1x128xi32, #tpu.memory_space<vmem>>
    %dma_start3A_26 = tpu.memref_squeeze %dma_start3A_25 : memref<1x128xi32, #tpu.memory_space<vmem>> -> memref<128xi32, #tpu.memory_space<vmem>>
    %dma_start3A_27 = arith.constant 0 : i32
    %dma_start3A_28 = arith.constant 0 : i32
    %dma_start3A_29 = tpu.memref_slice %arg3[%dma_start3A_27, %dma_start3A_28] : memref<1024x64xf32, #tpu.memory_space<hbm>> -> memref<1024x64xf32, #tpu.memory_space<hbm>>
    tpu.enqueue_indirect_dma source(%dma_start3A_29 : memref<1024x64xf32, #tpu.memory_space<hbm>>) target(%dma_start3A_23 : memref<128x64xf32, #tpu.memory_space<vmem>>) offsets(%dma_start3A_26 : memref<128xi32, #tpu.memory_space<vmem>>) semaphore(%arg13 : memref<!tpu.dma_semaphore, #tpu.memory_space<semaphore_mem>>)
    %dma_start3A_30 = arith.constant 1 : i32
    %dma_start3A_31 = arith.constant 1 : i32
    %dma_start3A_32 = arith.constant 0 : i32
    %dma_start3A_33 = arith.constant 0 : i32
    %dma_start3A_34 = tpu.memref_slice %arg8[%dma_start3A_31, %dma_start3A_32, %dma_start3A_33] : memref<3x128x64xf32, #tpu.memory_space<vmem>> -> memref<1x128x64xf32, #tpu.memory_space<vmem>>
    %dma_start3A_35 = tpu.memref_squeeze %dma_start3A_34 : memref<1x128x64xf32, #tpu.memory_space<vmem>> -> memref<128x64xf32, #tpu.memory_space<vmem>>
    %dma_start3A_36 = arith.constant 0 : i32
    %dma_start3A_37 = tpu.memref_slice %arg6[%dma_start3A_30, %dma_start3A_36] : memref<8x128xi32, #tpu.memory_space<vmem>> -> memref<1x128xi32, #tpu.memory_space<vmem>>
    %dma_start3A_38 = tpu.memref_squeeze %dma_start3A_37 : memref<1x128xi32, #tpu.memory_space<vmem>> -> memref<128xi32, #tpu.memory_space<vmem>>
    %dma_start3A_39 = arith.constant 0 : i32
    %dma_start3A_40 = arith.constant 0 : i32
    %dma_start3A_41 = tpu.memref_slice %arg2[%dma_start3A_39, %dma_start3A_40] : memref<1024x64xf32, #tpu.memory_space<hbm>> -> memref<1024x64xf32, #tpu.memory_space<hbm>>
    tpu.enqueue_indirect_dma source(%dma_start3A_41 : memref<1024x64xf32, #tpu.memory_space<hbm>>) target(%dma_start3A_35 : memref<128x64xf32, #tpu.memory_space<vmem>>) offsets(%dma_start3A_38 : memref<128xi32, #tpu.memory_space<vmem>>) semaphore(%arg12 : memref<!tpu.dma_semaphore, #tpu.memory_space<semaphore_mem>>)
    %dma_start3A_42 = arith.constant 1 : i32
    %dma_start3A_43 = arith.constant 1 : i32
    %dma_start3A_44 = arith.constant 0 : i32
    %dma_start3A_45 = arith.constant 0 : i32
    %dma_start3A_46 = tpu.memref_slice %arg9[%dma_start3A_43, %dma_start3A_44, %dma_start3A_45] : memref<3x128x64xf32, #tpu.memory_space<vmem>> -> memref<1x128x64xf32, #tpu.memory_space<vmem>>
    %dma_start3A_47 = tpu.memref_squeeze %dma_start3A_46 : memref<1x128x64xf32, #tpu.memory_space<vmem>> -> memref<128x64xf32, #tpu.memory_space<vmem>>
    %dma_start3A_48 = arith.constant 0 : i32
    %dma_start3A_49 = tpu.memref_slice %arg7[%dma_start3A_42, %dma_start3A_48] : memref<8x128xi32, #tpu.memory_space<vmem>> -> memref<1x128xi32, #tpu.memory_space<vmem>>
    %dma_start3A_50 = tpu.memref_squeeze %dma_start3A_49 : memref<1x128xi32, #tpu.memory_space<vmem>> -> memref<128xi32, #tpu.memory_space<vmem>>
    %dma_start3A_51 = arith.constant 0 : i32
    %dma_start3A_52 = arith.constant 0 : i32
    %dma_start3A_53 = tpu.memref_slice %arg3[%dma_start3A_51, %dma_start3A_52] : memref<1024x64xf32, #tpu.memory_space<hbm>> -> memref<1024x64xf32, #tpu.memory_space<hbm>>
    tpu.enqueue_indirect_dma source(%dma_start3A_53 : memref<1024x64xf32, #tpu.memory_space<hbm>>) target(%dma_start3A_47 : memref<128x64xf32, #tpu.memory_space<vmem>>) offsets(%dma_start3A_50 : memref<128xi32, #tpu.memory_space<vmem>>) semaphore(%arg13 : memref<!tpu.dma_semaphore, #tpu.memory_space<semaphore_mem>>)
    %dma_wait3A = arith.constant 0 : i32
    %dma_wait3A_54 = arith.constant 0 : i32
    %dma_wait3A_55 = arith.constant 0 : i32
    %dma_wait3A_56 = arith.constant 0 : i32
    %dma_wait3A_57 = tpu.memref_slice %arg8[%dma_wait3A_54, %dma_wait3A_55, %dma_wait3A_56] : memref<3x128x64xf32, #tpu.memory_space<vmem>> -> memref<1x128x64xf32, #tpu.memory_space<vmem>>
    %dma_wait3A_58 = tpu.memref_squeeze %dma_wait3A_57 : memref<1x128x64xf32, #tpu.memory_space<vmem>> -> memref<128x64xf32, #tpu.memory_space<vmem>>
    %dma_wait3A_59 = arith.constant 0 : i32
    %dma_wait3A_60 = tpu.memref_slice %arg6[%dma_wait3A, %dma_wait3A_59] : memref<8x128xi32, #tpu.memory_space<vmem>> -> memref<1x128xi32, #tpu.memory_space<vmem>>
    %dma_wait3A_61 = tpu.memref_squeeze %dma_wait3A_60 : memref<1x128xi32, #tpu.memory_space<vmem>> -> memref<128xi32, #tpu.memory_space<vmem>>
    %dma_wait3A_62 = arith.constant 0 : i32
    %dma_wait3A_63 = arith.constant 0 : i32
    %dma_wait3A_64 = tpu.memref_slice %arg2[%dma_wait3A_62, %dma_wait3A_63] : memref<1024x64xf32, #tpu.memory_space<hbm>> -> memref<1024x64xf32, #tpu.memory_space<hbm>>
    tpu.wait_indirect_dma semaphore(%arg12 : memref<!tpu.dma_semaphore, #tpu.memory_space<semaphore_mem>>) src(%dma_wait3A_64 : memref<1024x64xf32, #tpu.memory_space<hbm>>) dst(%dma_wait3A_58 : memref<128x64xf32, #tpu.memory_space<vmem>>)
    %dma_wait3A_65 = arith.constant 0 : i32
    %dma_wait3A_66 = arith.constant 0 : i32
    %dma_wait3A_67 = arith.constant 0 : i32
    %dma_wait3A_68 = arith.constant 0 : i32
    %dma_wait3A_69 = tpu.memref_slice %arg9[%dma_wait3A_66, %dma_wait3A_67, %dma_wait3A_68] : memref<3x128x64xf32, #tpu.memory_space<vmem>> -> memref<1x128x64xf32, #tpu.memory_space<vmem>>
    %dma_wait3A_70 = tpu.memref_squeeze %dma_wait3A_69 : memref<1x128x64xf32, #tpu.memory_space<vmem>> -> memref<128x64xf32, #tpu.memory_space<vmem>>
    %dma_wait3A_71 = arith.constant 0 : i32
    %dma_wait3A_72 = tpu.memref_slice %arg7[%dma_wait3A_65, %dma_wait3A_71] : memref<8x128xi32, #tpu.memory_space<vmem>> -> memref<1x128xi32, #tpu.memory_space<vmem>>
    %dma_wait3A_73 = tpu.memref_squeeze %dma_wait3A_72 : memref<1x128xi32, #tpu.memory_space<vmem>> -> memref<128xi32, #tpu.memory_space<vmem>>
    %dma_wait3A_74 = arith.constant 0 : i32
    %dma_wait3A_75 = arith.constant 0 : i32
    %dma_wait3A_76 = tpu.memref_slice %arg3[%dma_wait3A_74, %dma_wait3A_75] : memref<1024x64xf32, #tpu.memory_space<hbm>> -> memref<1024x64xf32, #tpu.memory_space<hbm>>
    tpu.wait_indirect_dma semaphore(%arg13 : memref<!tpu.dma_semaphore, #tpu.memory_space<semaphore_mem>>) src(%dma_wait3A_76 : memref<1024x64xf32, #tpu.memory_space<hbm>>) dst(%dma_wait3A_70 : memref<128x64xf32, #tpu.memory_space<vmem>>)
    %parallel_loop3A_77 = arith.constant 0 : i32
    %parallel_loop3A_78 = arith.constant 128 : i32
    %parallel_loop3A_79 = arith.constant 1 : i32
    scf.for %parallel_loop3A_610 = %parallel_loop3A_77 to %parallel_loop3A_78 step %parallel_loop3A_79  : i32 {
      %parallel_loop3A_611 = arith.constant 0 : i32
      %parallel_loop3A_612 = arith.index_cast %parallel_loop3A_611 : i32 to index
      %parallel_loop3A_613 = arith.index_cast %parallel_loop3A_610 : i32 to index
      %parallel_loop3A_614 = arith.constant 0 : index
      %parallel_loop3A_615 = tpu.vector_load %arg8[%parallel_loop3A_612, %parallel_loop3A_613, %parallel_loop3A_614] {strides = array<i32>} : memref<3x128x64xf32, #tpu.memory_space<vmem>>, vector<1x1x16xf32>,
      %parallel_loop3A_616 = vector.shape_cast %parallel_loop3A_615 : vector<1x1x16xf32> to vector<16xf32>
      %parallel_loop3A_617 = arith.constant 0 : i32
      %parallel_loop3A_618 = arith.index_cast %parallel_loop3A_617 : i32 to index
      %parallel_loop3A_619 = arith.index_cast %parallel_loop3A_610 : i32 to index
      %parallel_loop3A_620 = arith.constant 0 : index
      %parallel_loop3A_621 = tpu.vector_load %arg9[%parallel_loop3A_618, %parallel_loop3A_619, %parallel_loop3A_620] {strides = array<i32>} : memref<3x128x64xf32, #tpu.memory_space<vmem>>, vector<1x1x16xf32>,
      %parallel_loop3A_622 = vector.shape_cast %parallel_loop3A_621 : vector<1x1x16xf32> to vector<16xf32>
      %parallel_loop3A_623 = arith.addf %parallel_loop3A_616, %parallel_loop3A_622 : vector<16xf32>
      %parallel_loop3A_624 = arith.constant 0.000000e+00 : f32
      %parallel_loop3A_625 = vector.broadcast %parallel_loop3A_624 : f32 to vector<16xf32>
      %parallel_loop3A_626 = arith.maximumf %parallel_loop3A_623, %parallel_loop3A_625 : vector<16xf32>
      %parallel_loop3A_627 = arith.constant 0 : i32
      %parallel_loop3A_628 = arith.index_cast %parallel_loop3A_627 : i32 to index
      %parallel_loop3A_629 = arith.index_cast %parallel_loop3A_610 : i32 to index
      %parallel_loop3A_630 = arith.constant 0 : index
      %parallel_loop3A_631 = tpu.vector_load %arg8[%parallel_loop3A_628, %parallel_loop3A_629, %parallel_loop3A_630] {strides = array<i32>} : memref<3x128x64xf32, #tpu.memory_space<vmem>>, vector<1x1x16xf32>,
      %parallel_loop3A_632 = vector.shape_cast %parallel_loop3A_631 : vector<1x1x16xf32> to vector<16xf32>
      %parallel_loop3A_633 = vector.shape_cast %parallel_loop3A_626 : vector<16xf32> to vector<1x1x16xf32>
      tpu.vector_store %arg8[%parallel_loop3A_628, %parallel_loop3A_629, %parallel_loop3A_630], %parallel_loop3A_633 {strides = array<i32>} : memref<3x128x64xf32, #tpu.memory_space<vmem>>, vector<1x1x16xf32>,
      %parallel_loop3A_634 = arith.constant 0 : i32
      %parallel_loop3A_635 = arith.index_cast %parallel_loop3A_634 : i32 to index
      %parallel_loop3A_636 = arith.index_cast %parallel_loop3A_610 : i32 to index
      %parallel_loop3A_637 = arith.constant 16 : index
      %parallel_loop3A_638 = tpu.vector_load %arg8[%parallel_loop3A_635, %parallel_loop3A_636, %parallel_loop3A_637] {strides = array<i32>} : memref<3x128x64xf32, #tpu.memory_space<vmem>>, vector<1x1x16xf32>,
      %parallel_loop3A_639 = vector.shape_cast %parallel_loop3A_638 : vector<1x1x16xf32> to vector<16xf32>
      %parallel_loop3A_640 = arith.constant 0 : i32
      %parallel_loop3A_641 = arith.index_cast %parallel_loop3A_640 : i32 to index
      %parallel_loop3A_642 = arith.index_cast %parallel_loop3A_610 : i32 to index
      %parallel_loop3A_643 = arith.constant 16 : index
      %parallel_loop3A_644 = tpu.vector_load %arg9[%parallel_loop3A_641, %parallel_loop3A_642, %parallel_loop3A_643] {strides = array<i32>} : memref<3x128x64xf32, #tpu.memory_space<vmem>>, vector<1x1x16xf32>,
      %parallel_loop3A_645 = vector.shape_cast %parallel_loop3A_644 : vector<1x1x16xf32> to vector<16xf32>
      %parallel_loop3A_646 = arith.addf %parallel_loop3A_639, %parallel_loop3A_645 : vector<16xf32>
      %parallel_loop3A_647 = arith.constant 0.000000e+00 : f32
      %parallel_loop3A_648 = vector.broadcast %parallel_loop3A_647 : f32 to vector<16xf32>
      %parallel_loop3A_649 = arith.maximumf %parallel_loop3A_646, %parallel_loop3A_648 : vector<16xf32>
      %parallel_loop3A_650 = arith.constant 0 : i32
      %parallel_loop3A_651 = arith.index_cast %parallel_loop3A_650 : i32 to index
      %parallel_loop3A_652 = arith.index_cast %parallel_loop3A_610 : i32 to index
      %parallel_loop3A_653 = arith.constant 16 : index
      %parallel_loop3A_654 = tpu.vector_load %arg8[%parallel_loop3A_651, %parallel_loop3A_652, %parallel_loop3A_653] {strides = array<i32>} : memref<3x128x64xf32, #tpu.memory_space<vmem>>, vector<1x1x16xf32>,
      %parallel_loop3A_655 = vector.shape_cast %parallel_loop3A_654 : vector<1x1x16xf32> to vector<16xf32>
      %parallel_loop3A_656 = vector.shape_cast %parallel_loop3A_649 : vector<16xf32> to vector<1x1x16xf32>
      tpu.vector_store %arg8[%parallel_loop3A_651, %parallel_loop3A_652, %parallel_loop3A_653], %parallel_loop3A_656 {strides = array<i32>} : memref<3x128x64xf32, #tpu.memory_space<vmem>>, vector<1x1x16xf32>,
      %parallel_loop3A_657 = arith.constant 0 : i32
      %parallel_loop3A_658 = arith.index_cast %parallel_loop3A_657 : i32 to index
      %parallel_loop3A_659 = arith.index_cast %parallel_loop3A_610 : i32 to index
      %parallel_loop3A_660 = arith.constant 32 : index
      %parallel_loop3A_661 = tpu.vector_load %arg8[%parallel_loop3A_658, %parallel_loop3A_659, %parallel_loop3A_660] {strides = array<i32>} : memref<3x128x64xf32, #tpu.memory_space<vmem>>, vector<1x1x16xf32>,
      %parallel_loop3A_662 = vector.shape_cast %parallel_loop3A_661 : vector<1x1x16xf32> to vector<16xf32>
      %parallel_loop3A_663 = arith.constant 0 : i32
      %parallel_loop3A_664 = arith.index_cast %parallel_loop3A_663 : i32 to index
      %parallel_loop3A_665 = arith.index_cast %parallel_loop3A_610 : i32 to index
      %parallel_loop3A_666 = arith.constant 32 : index
      %parallel_loop3A_667 = tpu.vector_load %arg9[%parallel_loop3A_664, %parallel_loop3A_665, %parallel_loop3A_666] {strides = array<i32>} : memref<3x128x64xf32, #tpu.memory_space<vmem>>, vector<1x1x16xf32>,
      %parallel_loop3A_668 = vector.shape_cast %parallel_loop3A_667 : vector<1x1x16xf32> to vector<16xf32>
      %parallel_loop3A_669 = arith.addf %parallel_loop3A_662, %parallel_loop3A_668 : vector<16xf32>
      %parallel_loop3A_670 = arith.constant 0.000000e+00 : f32
      %parallel_loop3A_671 = vector.broadcast %parallel_loop3A_670 : f32 to vector<16xf32>
      %parallel_loop3A_672 = arith.maximumf %parallel_loop3A_669, %parallel_loop3A_671 : vector<16xf32>
      %parallel_loop3A_673 = arith.constant 0 : i32
      %parallel_loop3A_674 = arith.index_cast %parallel_loop3A_673 : i32 to index
      %parallel_loop3A_675 = arith.index_cast %parallel_loop3A_610 : i32 to index
      %parallel_loop3A_676 = arith.constant 32 : index
      %parallel_loop3A_677 = tpu.vector_load %arg8[%parallel_loop3A_674, %parallel_loop3A_675, %parallel_loop3A_676] {strides = array<i32>} : memref<3x128x64xf32, #tpu.memory_space<vmem>>, vector<1x1x16xf32>,
      %parallel_loop3A_678 = vector.shape_cast %parallel_loop3A_677 : vector<1x1x16xf32> to vector<16xf32>
      %parallel_loop3A_679 = vector.shape_cast %parallel_loop3A_672 : vector<16xf32> to vector<1x1x16xf32>
      tpu.vector_store %arg8[%parallel_loop3A_674, %parallel_loop3A_675, %parallel_loop3A_676], %parallel_loop3A_679 {strides = array<i32>} : memref<3x128x64xf32, #tpu.memory_space<vmem>>, vector<1x1x16xf32>,
      %parallel_loop3A_680 = arith.constant 0 : i32
      %parallel_loop3A_681 = arith.index_cast %parallel_loop3A_680 : i32 to index
      %parallel_loop3A_682 = arith.index_cast %parallel_loop3A_610 : i32 to index
      %parallel_loop3A_683 = arith.constant 48 : index
      %parallel_loop3A_684 = tpu.vector_load %arg8[%parallel_loop3A_681, %parallel_loop3A_682, %parallel_loop3A_683] {strides = array<i32>} : memref<3x128x64xf32, #tpu.memory_space<vmem>>, vector<1x1x16xf32>,
      %parallel_loop3A_685 = vector.shape_cast %parallel_loop3A_684 : vector<1x1x16xf32> to vector<16xf32>
      %parallel_loop3A_686 = arith.constant 0 : i32
      %parallel_loop3A_687 = arith.index_cast %parallel_loop3A_686 : i32 to index
      %parallel_loop3A_688 = arith.index_cast %parallel_loop3A_610 : i32 to index
      %parallel_loop3A_689 = arith.constant 48 : index
      %parallel_loop3A_690 = tpu.vector_load %arg9[%parallel_loop3A_687, %parallel_loop3A_688, %parallel_loop3A_689] {strides = array<i32>} : memref<3x128x64xf32, #tpu.memory_space<vmem>>, vector<1x1x16xf32>,
      %parallel_loop3A_691 = vector.shape_cast %parallel_loop3A_690 : vector<1x1x16xf32> to vector<16xf32>
      %parallel_loop3A_692 = arith.addf %parallel_loop3A_685, %parallel_loop3A_691 : vector<16xf32>
      %parallel_loop3A_693 = arith.constant 0.000000e+00 : f32
      %parallel_loop3A_694 = vector.broadcast %parallel_loop3A_693 : f32 to vector<16xf32>
      %parallel_loop3A_695 = arith.maximumf %parallel_loop3A_692, %parallel_loop3A_694 : vector<16xf32>
      %parallel_loop3A_696 = arith.constant 0 : i32
      %parallel_loop3A_697 = arith.index_cast %parallel_loop3A_696 : i32 to index
      %parallel_loop3A_698 = arith.index_cast %parallel_loop3A_610 : i32 to index
      %parallel_loop3A_699 = arith.constant 48 : index
      %parallel_loop3A_700 = tpu.vector_load %arg8[%parallel_loop3A_697, %parallel_loop3A_698, %parallel_loop3A_699] {strides = array<i32>} : memref<3x128x64xf32, #tpu.memory_space<vmem>>, vector<1x1x16xf32>,
      %parallel_loop3A_701 = vector.shape_cast %parallel_loop3A_700 : vector<1x1x16xf32> to vector<16xf32>
      %parallel_loop3A_702 = vector.shape_cast %parallel_loop3A_695 : vector<16xf32> to vector<1x1x16xf32>
      tpu.vector_store %arg8[%parallel_loop3A_697, %parallel_loop3A_698, %parallel_loop3A_699], %parallel_loop3A_702 {strides = array<i32>} : memref<3x128x64xf32, #tpu.memory_space<vmem>>, vector<1x1x16xf32>,
    } {sc.loop_unroll_factor = 4 : i64, sc.parallel_access}
    %dma_start3A_80 = arith.constant 0 : i32
    %dma_start3A_81 = arith.constant 0 : i32
    %dma_start3A_82 = arith.constant 0 : i32
    %dma_start3A_83 = arith.constant 0 : i32
    %dma_start3A_84 = tpu.memref_slice %arg8[%dma_start3A_80, %dma_start3A_82, %dma_start3A_83] : memref<3x128x64xf32, #tpu.memory_space<vmem>> -> memref<1x128x64xf32, #tpu.memory_space<vmem>>
    %dma_start3A_85 = tpu.memref_squeeze %dma_start3A_84 : memref<1x128x64xf32, #tpu.memory_space<vmem>> -> memref<128x64xf32, #tpu.memory_space<vmem>>
    %dma_start3A_86 = arith.constant 0 : i32
    %dma_start3A_87 = tpu.memref_slice %arg6[%dma_start3A_81, %dma_start3A_86] : memref<8x128xi32, #tpu.memory_space<vmem>> -> memref<1x128xi32, #tpu.memory_space<vmem>>
    %dma_start3A_88 = tpu.memref_squeeze %dma_start3A_87 : memref<1x128xi32, #tpu.memory_space<vmem>> -> memref<128xi32, #tpu.memory_space<vmem>>
    %dma_start3A_89 = arith.constant 0 : i32
    %dma_start3A_90 = arith.constant 0 : i32
    %dma_start3A_91 = tpu.memref_slice %arg11[%dma_start3A_89, %dma_start3A_90] : memref<1024x64xf32, #tpu.memory_space<vmem_shared>> -> memref<1024x64xf32, #tpu.memory_space<vmem_shared>>
    tpu.enqueue_indirect_dma source(%dma_start3A_85 : memref<128x64xf32, #tpu.memory_space<vmem>>) target(%dma_start3A_91 : memref<1024x64xf32, #tpu.memory_space<vmem_shared>>) offsets(%dma_start3A_88 : memref<128xi32, #tpu.memory_space<vmem>>) semaphore(%arg14 : memref<!tpu.dma_semaphore, #tpu.memory_space<semaphore_mem>>) {add = true}
    %dma_start3A_92 = arith.constant 2 : i32
    %dma_start3A_93 = arith.constant 2 : i32
    %dma_start3A_94 = arith.constant 0 : i32
    %dma_start3A_95 = arith.constant 0 : i32
    %dma_start3A_96 = tpu.memref_slice %arg8[%dma_start3A_93, %dma_start3A_94, %dma_start3A_95] : memref<3x128x64xf32, #tpu.memory_space<vmem>> -> memref<1x128x64xf32, #tpu.memory_space<vmem>>
    %dma_start3A_97 = tpu.memref_squeeze %dma_start3A_96 : memref<1x128x64xf32, #tpu.memory_space<vmem>> -> memref<128x64xf32, #tpu.memory_space<vmem>>
    %dma_start3A_98 = arith.constant 0 : i32
    %dma_start3A_99 = tpu.memref_slice %arg6[%dma_start3A_92, %dma_start3A_98] : memref<8x128xi32, #tpu.memory_space<vmem>> -> memref<1x128xi32, #tpu.memory_space<vmem>>
    %dma_start3A_100 = tpu.memref_squeeze %dma_start3A_99 : memref<1x128xi32, #tpu.memory_space<vmem>> -> memref<128xi32, #tpu.memory_space<vmem>>
    %dma_start3A_101 = arith.constant 0 : i32
    %dma_start3A_102 = arith.constant 0 : i32
    %dma_start3A_103 = tpu.memref_slice %arg2[%dma_start3A_101, %dma_start3A_102] : memref<1024x64xf32, #tpu.memory_space<hbm>> -> memref<1024x64xf32, #tpu.memory_space<hbm>>
    tpu.enqueue_indirect_dma source(%dma_start3A_103 : memref<1024x64xf32, #tpu.memory_space<hbm>>) target(%dma_start3A_97 : memref<128x64xf32, #tpu.memory_space<vmem>>) offsets(%dma_start3A_100 : memref<128xi32, #tpu.memory_space<vmem>>) semaphore(%arg12 : memref<!tpu.dma_semaphore, #tpu.memory_space<semaphore_mem>>)
    %dma_start3A_104 = arith.constant 2 : i32
    %dma_start3A_105 = arith.constant 2 : i32
    %dma_start3A_106 = arith.constant 0 : i32
    %dma_start3A_107 = arith.constant 0 : i32
    %dma_start3A_108 = tpu.memref_slice %arg9[%dma_start3A_105, %dma_start3A_106, %dma_start3A_107] : memref<3x128x64xf32, #tpu.memory_space<vmem>> -> memref<1x128x64xf32, #tpu.memory_space<vmem>>
    %dma_start3A_109 = tpu.memref_squeeze %dma_start3A_108 : memref<1x128x64xf32, #tpu.memory_space<vmem>> -> memref<128x64xf32, #tpu.memory_space<vmem>>
    %dma_start3A_110 = arith.constant 0 : i32
    %dma_start3A_111 = tpu.memref_slice %arg7[%dma_start3A_104, %dma_start3A_110] : memref<8x128xi32, #tpu.memory_space<vmem>> -> memref<1x128xi32, #tpu.memory_space<vmem>>
    %dma_start3A_112 = tpu.memref_squeeze %dma_start3A_111 : memref<1x128xi32, #tpu.memory_space<vmem>> -> memref<128xi32, #tpu.memory_space<vmem>>
    %dma_start3A_113 = arith.constant 0 : i32
    %dma_start3A_114 = arith.constant 0 : i32
    %dma_start3A_115 = tpu.memref_slice %arg3[%dma_start3A_113, %dma_start3A_114] : memref<1024x64xf32, #tpu.memory_space<hbm>> -> memref<1024x64xf32, #tpu.memory_space<hbm>>
    tpu.enqueue_indirect_dma source(%dma_start3A_115 : memref<1024x64xf32, #tpu.memory_space<hbm>>) target(%dma_start3A_109 : memref<128x64xf32, #tpu.memory_space<vmem>>) offsets(%dma_start3A_112 : memref<128xi32, #tpu.memory_space<vmem>>) semaphore(%arg13 : memref<!tpu.dma_semaphore, #tpu.memory_space<semaphore_mem>>)
    %dma_wait3A_116 = arith.constant 1 : i32
    %dma_wait3A_117 = arith.constant 1 : i32
    %dma_wait3A_118 = arith.constant 0 : i32
    %dma_wait3A_119 = arith.constant 0 : i32
    %dma_wait3A_120 = tpu.memref_slice %arg8[%dma_wait3A_117, %dma_wait3A_118, %dma_wait3A_119] : memref<3x128x64xf32, #tpu.memory_space<vmem>> -> memref<1x128x64xf32, #tpu.memory_space<vmem>>
    %dma_wait3A_121 = tpu.memref_squeeze %dma_wait3A_120 : memref<1x128x64xf32, #tpu.memory_space<vmem>> -> memref<128x64xf32, #tpu.memory_space<vmem>>
    %dma_wait3A_122 = arith.constant 0 : i32
    %dma_wait3A_123 = tpu.memref_slice %arg6[%dma_wait3A_116, %dma_wait3A_122] : memref<8x128xi32, #tpu.memory_space<vmem>> -> memref<1x128xi32, #tpu.memory_space<vmem>>
    %dma_wait3A_124 = tpu.memref_squeeze %dma_wait3A_123 : memref<1x128xi32, #tpu.memory_space<vmem>> -> memref<128xi32, #tpu.memory_space<vmem>>
    %dma_wait3A_125 = arith.constant 0 : i32
    %dma_wait3A_126 = arith.constant 0 : i32
    %dma_wait3A_127 = tpu.memref_slice %arg2[%dma_wait3A_125, %dma_wait3A_126] : memref<1024x64xf32, #tpu.memory_space<hbm>> -> memref<1024x64xf32, #tpu.memory_space<hbm>>
    tpu.wait_indirect_dma semaphore(%arg12 : memref<!tpu.dma_semaphore, #tpu.memory_space<semaphore_mem>>) src(%dma_wait3A_127 : memref<1024x64xf32, #tpu.memory_space<hbm>>) dst(%dma_wait3A_121 : memref<128x64xf32, #tpu.memory_space<vmem>>)
    %dma_wait3A_128 = arith.constant 1 : i32
    %dma_wait3A_129 = arith.constant 1 : i32
    %dma_wait3A_130 = arith.constant 0 : i32
    %dma_wait3A_131 = arith.constant 0 : i32
    %dma_wait3A_132 = tpu.memref_slice %arg9[%dma_wait3A_129, %dma_wait3A_130, %dma_wait3A_131] : memref<3x128x64xf32, #tpu.memory_space<vmem>> -> memref<1x128x64xf32, #tpu.memory_space<vmem>>
    %dma_wait3A_133 = tpu.memref_squeeze %dma_wait3A_132 : memref<1x128x64xf32, #tpu.memory_space<vmem>> -> memref<128x64xf32, #tpu.memory_space<vmem>>
    %dma_wait3A_134 = arith.constant 0 : i32
    %dma_wait3A_135 = tpu.memref_slice %arg7[%dma_wait3A_128, %dma_wait3A_134] : memref<8x128xi32, #tpu.memory_space<vmem>> -> memref<1x128xi32, #tpu.memory_space<vmem>>
    %dma_wait3A_136 = tpu.memref_squeeze %dma_wait3A_135 : memref<1x128xi32, #tpu.memory_space<vmem>> -> memref<128xi32, #tpu.memory_space<vmem>>
    %dma_wait3A_137 = arith.constant 0 : i32
    %dma_wait3A_138 = arith.constant 0 : i32
    %dma_wait3A_139 = tpu.memref_slice %arg3[%dma_wait3A_137, %dma_wait3A_138] : memref<1024x64xf32, #tpu.memory_space<hbm>> -> memref<1024x64xf32, #tpu.memory_space<hbm>>
    tpu.wait_indirect_dma semaphore(%arg13 : memref<!tpu.dma_semaphore, #tpu.memory_space<semaphore_mem>>) src(%dma_wait3A_139 : memref<1024x64xf32, #tpu.memory_space<hbm>>) dst(%dma_wait3A_133 : memref<128x64xf32, #tpu.memory_space<vmem>>)
    %parallel_loop3A_140 = arith.constant 0 : i32
    %parallel_loop3A_141 = arith.constant 128 : i32
    %parallel_loop3A_142 = arith.constant 1 : i32
    scf.for %parallel_loop3A_610 = %parallel_loop3A_140 to %parallel_loop3A_141 step %parallel_loop3A_142  : i32 {
      %parallel_loop3A_611 = arith.constant 1 : i32
      %parallel_loop3A_612 = arith.index_cast %parallel_loop3A_611 : i32 to index
      %parallel_loop3A_613 = arith.index_cast %parallel_loop3A_610 : i32 to index
      %parallel_loop3A_614 = arith.constant 0 : index
      %parallel_loop3A_615 = tpu.vector_load %arg8[%parallel_loop3A_612, %parallel_loop3A_613, %parallel_loop3A_614] {strides = array<i32>} : memref<3x128x64xf32, #tpu.memory_space<vmem>>, vector<1x1x16xf32>,
      %parallel_loop3A_616 = vector.shape_cast %parallel_loop3A_615 : vector<1x1x16xf32> to vector<16xf32>
      %parallel_loop3A_617 = arith.constant 1 : i32
      %parallel_loop3A_618 = arith.index_cast %parallel_loop3A_617 : i32 to index
      %parallel_loop3A_619 = arith.index_cast %parallel_loop3A_610 : i32 to index
      %parallel_loop3A_620 = arith.constant 0 : index
      %parallel_loop3A_621 = tpu.vector_load %arg9[%parallel_loop3A_618, %parallel_loop3A_619, %parallel_loop3A_620] {strides = array<i32>} : memref<3x128x64xf32, #tpu.memory_space<vmem>>, vector<1x1x16xf32>,
      %parallel_loop3A_622 = vector.shape_cast %parallel_loop3A_621 : vector<1x1x16xf32> to vector<16xf32>
      %parallel_loop3A_623 = arith.addf %parallel_loop3A_616, %parallel_loop3A_622 : vector<16xf32>
      %parallel_loop3A_624 = arith.constant 0.000000e+00 : f32
      %parallel_loop3A_625 = vector.broadcast %parallel_loop3A_624 : f32 to vector<16xf32>
      %parallel_loop3A_626 = arith.maximumf %parallel_loop3A_623, %parallel_loop3A_625 : vector<16xf32>
      %parallel_loop3A_627 = arith.constant 1 : i32
      %parallel_loop3A_628 = arith.index_cast %parallel_loop3A_627 : i32 to index
      %parallel_loop3A_629 = arith.index_cast %parallel_loop3A_610 : i32 to index
      %parallel_loop3A_630 = arith.constant 0 : index
      %parallel_loop3A_631 = tpu.vector_load %arg8[%parallel_loop3A_628, %parallel_loop3A_629, %parallel_loop3A_630] {strides = array<i32>} : memref<3x128x64xf32, #tpu.memory_space<vmem>>, vector<1x1x16xf32>,
      %parallel_loop3A_632 = vector.shape_cast %parallel_loop3A_631 : vector<1x1x16xf32> to vector<16xf32>
      %parallel_loop3A_633 = vector.shape_cast %parallel_loop3A_626 : vector<16xf32> to vector<1x1x16xf32>
      tpu.vector_store %arg8[%parallel_loop3A_628, %parallel_loop3A_629, %parallel_loop3A_630], %parallel_loop3A_633 {strides = array<i32>} : memref<3x128x64xf32, #tpu.memory_space<vmem>>, vector<1x1x16xf32>,
      %parallel_loop3A_634 = arith.constant 1 : i32
      %parallel_loop3A_635 = arith.index_cast %parallel_loop3A_634 : i32 to index
      %parallel_loop3A_636 = arith.index_cast %parallel_loop3A_610 : i32 to index
      %parallel_loop3A_637 = arith.constant 16 : index
      %parallel_loop3A_638 = tpu.vector_load %arg8[%parallel_loop3A_635, %parallel_loop3A_636, %parallel_loop3A_637] {strides = array<i32>} : memref<3x128x64xf32, #tpu.memory_space<vmem>>, vector<1x1x16xf32>,
      %parallel_loop3A_639 = vector.shape_cast %parallel_loop3A_638 : vector<1x1x16xf32> to vector<16xf32>
      %parallel_loop3A_640 = arith.constant 1 : i32
      %parallel_loop3A_641 = arith.index_cast %parallel_loop3A_640 : i32 to index
      %parallel_loop3A_642 = arith.index_cast %parallel_loop3A_610 : i32 to index
      %parallel_loop3A_643 = arith.constant 16 : index
      %parallel_loop3A_644 = tpu.vector_load %arg9[%parallel_loop3A_641, %parallel_loop3A_642, %parallel_loop3A_643] {strides = array<i32>} : memref<3x128x64xf32, #tpu.memory_space<vmem>>, vector<1x1x16xf32>,
      %parallel_loop3A_645 = vector.shape_cast %parallel_loop3A_644 : vector<1x1x16xf32> to vector<16xf32>
      %parallel_loop3A_646 = arith.addf %parallel_loop3A_639, %parallel_loop3A_645 : vector<16xf32>
      %parallel_loop3A_647 = arith.constant 0.000000e+00 : f32
      %parallel_loop3A_648 = vector.broadcast %parallel_loop3A_647 : f32 to vector<16xf32>
      %parallel_loop3A_649 = arith.maximumf %parallel_loop3A_646, %parallel_loop3A_648 : vector<16xf32>
      %parallel_loop3A_650 = arith.constant 1 : i32
      %parallel_loop3A_651 = arith.index_cast %parallel_loop3A_650 : i32 to index
      %parallel_loop3A_652 = arith.index_cast %parallel_loop3A_610 : i32 to index
      %parallel_loop3A_653 = arith.constant 16 : index
      %parallel_loop3A_654 = tpu.vector_load %arg8[%parallel_loop3A_651, %parallel_loop3A_652, %parallel_loop3A_653] {strides = array<i32>} : memref<3x128x64xf32, #tpu.memory_space<vmem>>, vector<1x1x16xf32>,
      %parallel_loop3A_655 = vector.shape_cast %parallel_loop3A_654 : vector<1x1x16xf32> to vector<16xf32>
      %parallel_loop3A_656 = vector.shape_cast %parallel_loop3A_649 : vector<16xf32> to vector<1x1x16xf32>
      tpu.vector_store %arg8[%parallel_loop3A_651, %parallel_loop3A_652, %parallel_loop3A_653], %parallel_loop3A_656 {strides = array<i32>} : memref<3x128x64xf32, #tpu.memory_space<vmem>>, vector<1x1x16xf32>,
      %parallel_loop3A_657 = arith.constant 1 : i32
      %parallel_loop3A_658 = arith.index_cast %parallel_loop3A_657 : i32 to index
      %parallel_loop3A_659 = arith.index_cast %parallel_loop3A_610 : i32 to index
      %parallel_loop3A_660 = arith.constant 32 : index
      %parallel_loop3A_661 = tpu.vector_load %arg8[%parallel_loop3A_658, %parallel_loop3A_659, %parallel_loop3A_660] {strides = array<i32>} : memref<3x128x64xf32, #tpu.memory_space<vmem>>, vector<1x1x16xf32>,
      %parallel_loop3A_662 = vector.shape_cast %parallel_loop3A_661 : vector<1x1x16xf32> to vector<16xf32>
      %parallel_loop3A_663 = arith.constant 1 : i32
      %parallel_loop3A_664 = arith.index_cast %parallel_loop3A_663 : i32 to index
      %parallel_loop3A_665 = arith.index_cast %parallel_loop3A_610 : i32 to index
      %parallel_loop3A_666 = arith.constant 32 : index
      %parallel_loop3A_667 = tpu.vector_load %arg9[%parallel_loop3A_664, %parallel_loop3A_665, %parallel_loop3A_666] {strides = array<i32>} : memref<3x128x64xf32, #tpu.memory_space<vmem>>, vector<1x1x16xf32>,
      %parallel_loop3A_668 = vector.shape_cast %parallel_loop3A_667 : vector<1x1x16xf32> to vector<16xf32>
      %parallel_loop3A_669 = arith.addf %parallel_loop3A_662, %parallel_loop3A_668 : vector<16xf32>
      %parallel_loop3A_670 = arith.constant 0.000000e+00 : f32
      %parallel_loop3A_671 = vector.broadcast %parallel_loop3A_670 : f32 to vector<16xf32>
      %parallel_loop3A_672 = arith.maximumf %parallel_loop3A_669, %parallel_loop3A_671 : vector<16xf32>
      %parallel_loop3A_673 = arith.constant 1 : i32
      %parallel_loop3A_674 = arith.index_cast %parallel_loop3A_673 : i32 to index
      %parallel_loop3A_675 = arith.index_cast %parallel_loop3A_610 : i32 to index
      %parallel_loop3A_676 = arith.constant 32 : index
      %parallel_loop3A_677 = tpu.vector_load %arg8[%parallel_loop3A_674, %parallel_loop3A_675, %parallel_loop3A_676] {strides = array<i32>} : memref<3x128x64xf32, #tpu.memory_space<vmem>>, vector<1x1x16xf32>,
      %parallel_loop3A_678 = vector.shape_cast %parallel_loop3A_677 : vector<1x1x16xf32> to vector<16xf32>
      %parallel_loop3A_679 = vector.shape_cast %parallel_loop3A_672 : vector<16xf32> to vector<1x1x16xf32>
      tpu.vector_store %arg8[%parallel_loop3A_674, %parallel_loop3A_675, %parallel_loop3A_676], %parallel_loop3A_679 {strides = array<i32>} : memref<3x128x64xf32, #tpu.memory_space<vmem>>, vector<1x1x16xf32>,
      %parallel_loop3A_680 = arith.constant 1 : i32
      %parallel_loop3A_681 = arith.index_cast %parallel_loop3A_680 : i32 to index
      %parallel_loop3A_682 = arith.index_cast %parallel_loop3A_610 : i32 to index
      %parallel_loop3A_683 = arith.constant 48 : index
      %parallel_loop3A_684 = tpu.vector_load %arg8[%parallel_loop3A_681, %parallel_loop3A_682, %parallel_loop3A_683] {strides = array<i32>} : memref<3x128x64xf32, #tpu.memory_space<vmem>>, vector<1x1x16xf32>,
      %parallel_loop3A_685 = vector.shape_cast %parallel_loop3A_684 : vector<1x1x16xf32> to vector<16xf32>
      %parallel_loop3A_686 = arith.constant 1 : i32
      %parallel_loop3A_687 = arith.index_cast %parallel_loop3A_686 : i32 to index
      %parallel_loop3A_688 = arith.index_cast %parallel_loop3A_610 : i32 to index
      %parallel_loop3A_689 = arith.constant 48 : index
      %parallel_loop3A_690 = tpu.vector_load %arg9[%parallel_loop3A_687, %parallel_loop3A_688, %parallel_loop3A_689] {strides = array<i32>} : memref<3x128x64xf32, #tpu.memory_space<vmem>>, vector<1x1x16xf32>,
      %parallel_loop3A_691 = vector.shape_cast %parallel_loop3A_690 : vector<1x1x16xf32> to vector<16xf32>
      %parallel_loop3A_692 = arith.addf %parallel_loop3A_685, %parallel_loop3A_691 : vector<16xf32>
      %parallel_loop3A_693 = arith.constant 0.000000e+00 : f32
      %parallel_loop3A_694 = vector.broadcast %parallel_loop3A_693 : f32 to vector<16xf32>
      %parallel_loop3A_695 = arith.maximumf %parallel_loop3A_692, %parallel_loop3A_694 : vector<16xf32>
      %parallel_loop3A_696 = arith.constant 1 : i32
      %parallel_loop3A_697 = arith.index_cast %parallel_loop3A_696 : i32 to index
      %parallel_loop3A_698 = arith.index_cast %parallel_loop3A_610 : i32 to index
      %parallel_loop3A_699 = arith.constant 48 : index
      %parallel_loop3A_700 = tpu.vector_load %arg8[%parallel_loop3A_697, %parallel_loop3A_698, %parallel_loop3A_699] {strides = array<i32>} : memref<3x128x64xf32, #tpu.memory_space<vmem>>, vector<1x1x16xf32>,
      %parallel_loop3A_701 = vector.shape_cast %parallel_loop3A_700 : vector<1x1x16xf32> to vector<16xf32>
      %parallel_loop3A_702 = vector.shape_cast %parallel_loop3A_695 : vector<16xf32> to vector<1x1x16xf32>
      tpu.vector_store %arg8[%parallel_loop3A_697, %parallel_loop3A_698, %parallel_loop3A_699], %parallel_loop3A_702 {strides = array<i32>} : memref<3x128x64xf32, #tpu.memory_space<vmem>>, vector<1x1x16xf32>,
    } {sc.loop_unroll_factor = 4 : i64, sc.parallel_access}
    %dma_start3A_143 = arith.constant 1 : i32
    %dma_start3A_144 = arith.constant 1 : i32
    %dma_start3A_145 = arith.constant 0 : i32
    %dma_start3A_146 = arith.constant 0 : i32
    %dma_start3A_147 = tpu.memref_slice %arg8[%dma_start3A_143, %dma_start3A_145, %dma_start3A_146] : memref<3x128x64xf32, #tpu.memory_space<vmem>> -> memref<1x128x64xf32, #tpu.memory_space<vmem>>
    %dma_start3A_148 = tpu.memref_squeeze %dma_start3A_147 : memref<1x128x64xf32, #tpu.memory_space<vmem>> -> memref<128x64xf32, #tpu.memory_space<vmem>>
    %dma_start3A_149 = arith.constant 0 : i32
    %dma_start3A_150 = tpu.memref_slice %arg6[%dma_start3A_144, %dma_start3A_149] : memref<8x128xi32, #tpu.memory_space<vmem>> -> memref<1x128xi32, #tpu.memory_space<vmem>>
    %dma_start3A_151 = tpu.memref_squeeze %dma_start3A_150 : memref<1x128xi32, #tpu.memory_space<vmem>> -> memref<128xi32, #tpu.memory_space<vmem>>
    %dma_start3A_152 = arith.constant 0 : i32
    %dma_start3A_153 = arith.constant 0 : i32
    %dma_start3A_154 = tpu.memref_slice %arg11[%dma_start3A_152, %dma_start3A_153] : memref<1024x64xf32, #tpu.memory_space<vmem_shared>> -> memref<1024x64xf32, #tpu.memory_space<vmem_shared>>
    tpu.enqueue_indirect_dma source(%dma_start3A_148 : memref<128x64xf32, #tpu.memory_space<vmem>>) target(%dma_start3A_154 : memref<1024x64xf32, #tpu.memory_space<vmem_shared>>) offsets(%dma_start3A_151 : memref<128xi32, #tpu.memory_space<vmem>>) semaphore(%arg14 : memref<!tpu.dma_semaphore, #tpu.memory_space<semaphore_mem>>) {add = true}
    %dma_wait3A_155 = arith.constant 0 : i32
    %dma_wait3A_156 = arith.constant 0 : i32
    %dma_wait3A_157 = arith.constant 0 : i32
    %dma_wait3A_158 = arith.constant 0 : i32
    %dma_wait3A_159 = tpu.memref_slice %arg8[%dma_wait3A_155, %dma_wait3A_157, %dma_wait3A_158] : memref<3x128x64xf32, #tpu.memory_space<vmem>> -> memref<1x128x64xf32, #tpu.memory_space<vmem>>
    %dma_wait3A_160 = tpu.memref_squeeze %dma_wait3A_159 : memref<1x128x64xf32, #tpu.memory_space<vmem>> -> memref<128x64xf32, #tpu.memory_space<vmem>>
    %dma_wait3A_161 = arith.constant 0 : i32
    %dma_wait3A_162 = tpu.memref_slice %arg6[%dma_wait3A_156, %dma_wait3A_161] : memref<8x128xi32, #tpu.memory_space<vmem>> -> memref<1x128xi32, #tpu.memory_space<vmem>>
    %dma_wait3A_163 = tpu.memref_squeeze %dma_wait3A_162 : memref<1x128xi32, #tpu.memory_space<vmem>> -> memref<128xi32, #tpu.memory_space<vmem>>
    %dma_wait3A_164 = arith.constant 0 : i32
    %dma_wait3A_165 = arith.constant 0 : i32
    %dma_wait3A_166 = tpu.memref_slice %arg11[%dma_wait3A_164, %dma_wait3A_165] : memref<1024x64xf32, #tpu.memory_space<vmem_shared>> -> memref<1024x64xf32, #tpu.memory_space<vmem_shared>>
    tpu.wait_indirect_dma semaphore(%arg14 : memref<!tpu.dma_semaphore, #tpu.memory_space<semaphore_mem>>) src(%dma_wait3A_160 : memref<128x64xf32, #tpu.memory_space<vmem>>) dst(%dma_wait3A_166 : memref<1024x64xf32, #tpu.memory_space<vmem_shared>>)
    %dma_start3A_167 = arith.constant 3 : i32
    %dma_start3A_168 = arith.constant 0 : i32
    %dma_start3A_169 = arith.constant 0 : i32
    %dma_start3A_170 = arith.constant 0 : i32
    %dma_start3A_171 = tpu.memref_slice %arg8[%dma_start3A_168, %dma_start3A_169, %dma_start3A_170] : memref<3x128x64xf32, #tpu.memory_space<vmem>> -> memref<1x128x64xf32, #tpu.memory_space<vmem>>
    %dma_start3A_172 = tpu.memref_squeeze %dma_start3A_171 : memref<1x128x64xf32, #tpu.memory_space<vmem>> -> memref<128x64xf32, #tpu.memory_space<vmem>>
    %dma_start3A_173 = arith.constant 0 : i32
    %dma_start3A_174 = tpu.memref_slice %arg6[%dma_start3A_167, %dma_start3A_173] : memref<8x128xi32, #tpu.memory_space<vmem>> -> memref<1x128xi32, #tpu.memory_space<vmem>>
    %dma_start3A_175 = tpu.memref_squeeze %dma_start3A_174 : memref<1x128xi32, #tpu.memory_space<vmem>> -> memref<128xi32, #tpu.memory_space<vmem>>
    %dma_start3A_176 = arith.constant 0 : i32
    %dma_start3A_177 = arith.constant 0 : i32
    %dma_start3A_178 = tpu.memref_slice %arg2[%dma_start3A_176, %dma_start3A_177] : memref<1024x64xf32, #tpu.memory_space<hbm>> -> memref<1024x64xf32, #tpu.memory_space<hbm>>
    tpu.enqueue_indirect_dma source(%dma_start3A_178 : memref<1024x64xf32, #tpu.memory_space<hbm>>) target(%dma_start3A_172 : memref<128x64xf32, #tpu.memory_space<vmem>>) offsets(%dma_start3A_175 : memref<128xi32, #tpu.memory_space<vmem>>) semaphore(%arg12 : memref<!tpu.dma_semaphore, #tpu.memory_space<semaphore_mem>>)
    %dma_start3A_179 = arith.constant 3 : i32
    %dma_start3A_180 = arith.constant 0 : i32
    %dma_start3A_181 = arith.constant 0 : i32
    %dma_start3A_182 = arith.constant 0 : i32
    %dma_start3A_183 = tpu.memref_slice %arg9[%dma_start3A_180, %dma_start3A_181, %dma_start3A_182] : memref<3x128x64xf32, #tpu.memory_space<vmem>> -> memref<1x128x64xf32, #tpu.memory_space<vmem>>
    %dma_start3A_184 = tpu.memref_squeeze %dma_start3A_183 : memref<1x128x64xf32, #tpu.memory_space<vmem>> -> memref<128x64xf32, #tpu.memory_space<vmem>>
    %dma_start3A_185 = arith.constant 0 : i32
    %dma_start3A_186 = tpu.memref_slice %arg7[%dma_start3A_179, %dma_start3A_185] : memref<8x128xi32, #tpu.memory_space<vmem>> -> memref<1x128xi32, #tpu.memory_space<vmem>>
    %dma_start3A_187 = tpu.memref_squeeze %dma_start3A_186 : memref<1x128xi32, #tpu.memory_space<vmem>> -> memref<128xi32, #tpu.memory_space<vmem>>
    %dma_start3A_188 = arith.constant 0 : i32
    %dma_start3A_189 = arith.constant 0 : i32
    %dma_start3A_190 = tpu.memref_slice %arg3[%dma_start3A_188, %dma_start3A_189] : memref<1024x64xf32, #tpu.memory_space<hbm>> -> memref<1024x64xf32, #tpu.memory_space<hbm>>
    tpu.enqueue_indirect_dma source(%dma_start3A_190 : memref<1024x64xf32, #tpu.memory_space<hbm>>) target(%dma_start3A_184 : memref<128x64xf32, #tpu.memory_space<vmem>>) offsets(%dma_start3A_187 : memref<128xi32, #tpu.memory_space<vmem>>) semaphore(%arg13 : memref<!tpu.dma_semaphore, #tpu.memory_space<semaphore_mem>>)
    %dma_wait3A_191 = arith.constant 2 : i32
    %dma_wait3A_192 = arith.constant 2 : i32
    %dma_wait3A_193 = arith.constant 0 : i32
    %dma_wait3A_194 = arith.constant 0 : i32
    %dma_wait3A_195 = tpu.memref_slice %arg8[%dma_wait3A_192, %dma_wait3A_193, %dma_wait3A_194] : memref<3x128x64xf32, #tpu.memory_space<vmem>> -> memref<1x128x64xf32, #tpu.memory_space<vmem>>
    %dma_wait3A_196 = tpu.memref_squeeze %dma_wait3A_195 : memref<1x128x64xf32, #tpu.memory_space<vmem>> -> memref<128x64xf32, #tpu.memory_space<vmem>>
    %dma_wait3A_197 = arith.constant 0 : i32
    %dma_wait3A_198 = tpu.memref_slice %arg6[%dma_wait3A_191, %dma_wait3A_197] : memref<8x128xi32, #tpu.memory_space<vmem>> -> memref<1x128xi32, #tpu.memory_space<vmem>>
    %dma_wait3A_199 = tpu.memref_squeeze %dma_wait3A_198 : memref<1x128xi32, #tpu.memory_space<vmem>> -> memref<128xi32, #tpu.memory_space<vmem>>
    %dma_wait3A_200 = arith.constant 0 : i32
    %dma_wait3A_201 = arith.constant 0 : i32
    %dma_wait3A_202 = tpu.memref_slice %arg2[%dma_wait3A_200, %dma_wait3A_201] : memref<1024x64xf32, #tpu.memory_space<hbm>> -> memref<1024x64xf32, #tpu.memory_space<hbm>>
    tpu.wait_indirect_dma semaphore(%arg12 : memref<!tpu.dma_semaphore, #tpu.memory_space<semaphore_mem>>) src(%dma_wait3A_202 : memref<1024x64xf32, #tpu.memory_space<hbm>>) dst(%dma_wait3A_196 : memref<128x64xf32, #tpu.memory_space<vmem>>)
    %dma_wait3A_203 = arith.constant 2 : i32
    %dma_wait3A_204 = arith.constant 2 : i32
    %dma_wait3A_205 = arith.constant 0 : i32
    %dma_wait3A_206 = arith.constant 0 : i32
    %dma_wait3A_207 = tpu.memref_slice %arg9[%dma_wait3A_204, %dma_wait3A_205, %dma_wait3A_206] : memref<3x128x64xf32, #tpu.memory_space<vmem>> -> memref<1x128x64xf32, #tpu.memory_space<vmem>>
    %dma_wait3A_208 = tpu.memref_squeeze %dma_wait3A_207 : memref<1x128x64xf32, #tpu.memory_space<vmem>> -> memref<128x64xf32, #tpu.memory_space<vmem>>
    %dma_wait3A_209 = arith.constant 0 : i32
    %dma_wait3A_210 = tpu.memref_slice %arg7[%dma_wait3A_203, %dma_wait3A_209] : memref<8x128xi32, #tpu.memory_space<vmem>> -> memref<1x128xi32, #tpu.memory_space<vmem>>
    %dma_wait3A_211 = tpu.memref_squeeze %dma_wait3A_210 : memref<1x128xi32, #tpu.memory_space<vmem>> -> memref<128xi32, #tpu.memory_space<vmem>>
    %dma_wait3A_212 = arith.constant 0 : i32
    %dma_wait3A_213 = arith.constant 0 : i32
    %dma_wait3A_214 = tpu.memref_slice %arg3[%dma_wait3A_212, %dma_wait3A_213] : memref<1024x64xf32, #tpu.memory_space<hbm>> -> memref<1024x64xf32, #tpu.memory_space<hbm>>
    tpu.wait_indirect_dma semaphore(%arg13 : memref<!tpu.dma_semaphore, #tpu.memory_space<semaphore_mem>>) src(%dma_wait3A_214 : memref<1024x64xf32, #tpu.memory_space<hbm>>) dst(%dma_wait3A_208 : memref<128x64xf32, #tpu.memory_space<vmem>>)
    %parallel_loop3A_215 = arith.constant 0 : i32
    %parallel_loop3A_216 = arith.constant 128 : i32
    %parallel_loop3A_217 = arith.constant 1 : i32
    scf.for %parallel_loop3A_610 = %parallel_loop3A_215 to %parallel_loop3A_216 step %parallel_loop3A_217  : i32 {
      %parallel_loop3A_611 = arith.constant 2 : i32
      %parallel_loop3A_612 = arith.index_cast %parallel_loop3A_611 : i32 to index
      %parallel_loop3A_613 = arith.index_cast %parallel_loop3A_610 : i32 to index
      %parallel_loop3A_614 = arith.constant 0 : index
      %parallel_loop3A_615 = tpu.vector_load %arg8[%parallel_loop3A_612, %parallel_loop3A_613, %parallel_loop3A_614] {strides = array<i32>} : memref<3x128x64xf32, #tpu.memory_space<vmem>>, vector<1x1x16xf32>,
      %parallel_loop3A_616 = vector.shape_cast %parallel_loop3A_615 : vector<1x1x16xf32> to vector<16xf32>
      %parallel_loop3A_617 = arith.constant 2 : i32
      %parallel_loop3A_618 = arith.index_cast %parallel_loop3A_617 : i32 to index
      %parallel_loop3A_619 = arith.index_cast %parallel_loop3A_610 : i32 to index
      %parallel_loop3A_620 = arith.constant 0 : index
      %parallel_loop3A_621 = tpu.vector_load %arg9[%parallel_loop3A_618, %parallel_loop3A_619, %parallel_loop3A_620] {strides = array<i32>} : memref<3x128x64xf32, #tpu.memory_space<vmem>>, vector<1x1x16xf32>,
      %parallel_loop3A_622 = vector.shape_cast %parallel_loop3A_621 : vector<1x1x16xf32> to vector<16xf32>
      %parallel_loop3A_623 = arith.addf %parallel_loop3A_616, %parallel_loop3A_622 : vector<16xf32>
      %parallel_loop3A_624 = arith.constant 0.000000e+00 : f32
      %parallel_loop3A_625 = vector.broadcast %parallel_loop3A_624 : f32 to vector<16xf32>
      %parallel_loop3A_626 = arith.maximumf %parallel_loop3A_623, %parallel_loop3A_625 : vector<16xf32>
      %parallel_loop3A_627 = arith.constant 2 : i32
      %parallel_loop3A_628 = arith.index_cast %parallel_loop3A_627 : i32 to index
      %parallel_loop3A_629 = arith.index_cast %parallel_loop3A_610 : i32 to index
      %parallel_loop3A_630 = arith.constant 0 : index
      %parallel_loop3A_631 = tpu.vector_load %arg8[%parallel_loop3A_628, %parallel_loop3A_629, %parallel_loop3A_630] {strides = array<i32>} : memref<3x128x64xf32, #tpu.memory_space<vmem>>, vector<1x1x16xf32>,
      %parallel_loop3A_632 = vector.shape_cast %parallel_loop3A_631 : vector<1x1x16xf32> to vector<16xf32>
      %parallel_loop3A_633 = vector.shape_cast %parallel_loop3A_626 : vector<16xf32> to vector<1x1x16xf32>
      tpu.vector_store %arg8[%parallel_loop3A_628, %parallel_loop3A_629, %parallel_loop3A_630], %parallel_loop3A_633 {strides = array<i32>} : memref<3x128x64xf32, #tpu.memory_space<vmem>>, vector<1x1x16xf32>,
      %parallel_loop3A_634 = arith.constant 2 : i32
      %parallel_loop3A_635 = arith.index_cast %parallel_loop3A_634 : i32 to index
      %parallel_loop3A_636 = arith.index_cast %parallel_loop3A_610 : i32 to index
      %parallel_loop3A_637 = arith.constant 16 : index
      %parallel_loop3A_638 = tpu.vector_load %arg8[%parallel_loop3A_635, %parallel_loop3A_636, %parallel_loop3A_637] {strides = array<i32>} : memref<3x128x64xf32, #tpu.memory_space<vmem>>, vector<1x1x16xf32>,
      %parallel_loop3A_639 = vector.shape_cast %parallel_loop3A_638 : vector<1x1x16xf32> to vector<16xf32>
      %parallel_loop3A_640 = arith.constant 2 : i32
      %parallel_loop3A_641 = arith.index_cast %parallel_loop3A_640 : i32 to index
      %parallel_loop3A_642 = arith.index_cast %parallel_loop3A_610 : i32 to index
      %parallel_loop3A_643 = arith.constant 16 : index
      %parallel_loop3A_644 = tpu.vector_load %arg9[%parallel_loop3A_641, %parallel_loop3A_642, %parallel_loop3A_643] {strides = array<i32>} : memref<3x128x64xf32, #tpu.memory_space<vmem>>, vector<1x1x16xf32>,
      %parallel_loop3A_645 = vector.shape_cast %parallel_loop3A_644 : vector<1x1x16xf32> to vector<16xf32>
      %parallel_loop3A_646 = arith.addf %parallel_loop3A_639, %parallel_loop3A_645 : vector<16xf32>
      %parallel_loop3A_647 = arith.constant 0.000000e+00 : f32
      %parallel_loop3A_648 = vector.broadcast %parallel_loop3A_647 : f32 to vector<16xf32>
      %parallel_loop3A_649 = arith.maximumf %parallel_loop3A_646, %parallel_loop3A_648 : vector<16xf32>
      %parallel_loop3A_650 = arith.constant 2 : i32
      %parallel_loop3A_651 = arith.index_cast %parallel_loop3A_650 : i32 to index
      %parallel_loop3A_652 = arith.index_cast %parallel_loop3A_610 : i32 to index
      %parallel_loop3A_653 = arith.constant 16 : index
      %parallel_loop3A_654 = tpu.vector_load %arg8[%parallel_loop3A_651, %parallel_loop3A_652, %parallel_loop3A_653] {strides = array<i32>} : memref<3x128x64xf32, #tpu.memory_space<vmem>>, vector<1x1x16xf32>,
      %parallel_loop3A_655 = vector.shape_cast %parallel_loop3A_654 : vector<1x1x16xf32> to vector<16xf32>
      %parallel_loop3A_656 = vector.shape_cast %parallel_loop3A_649 : vector<16xf32> to vector<1x1x16xf32>
      tpu.vector_store %arg8[%parallel_loop3A_651, %parallel_loop3A_652, %parallel_loop3A_653], %parallel_loop3A_656 {strides = array<i32>} : memref<3x128x64xf32, #tpu.memory_space<vmem>>, vector<1x1x16xf32>,
      %parallel_loop3A_657 = arith.constant 2 : i32
      %parallel_loop3A_658 = arith.index_cast %parallel_loop3A_657 : i32 to index
      %parallel_loop3A_659 = arith.index_cast %parallel_loop3A_610 : i32 to index
      %parallel_loop3A_660 = arith.constant 32 : index
      %parallel_loop3A_661 = tpu.vector_load %arg8[%parallel_loop3A_658, %parallel_loop3A_659, %parallel_loop3A_660] {strides = array<i32>} : memref<3x128x64xf32, #tpu.memory_space<vmem>>, vector<1x1x16xf32>,
      %parallel_loop3A_662 = vector.shape_cast %parallel_loop3A_661 : vector<1x1x16xf32> to vector<16xf32>
      %parallel_loop3A_663 = arith.constant 2 : i32
      %parallel_loop3A_664 = arith.index_cast %parallel_loop3A_663 : i32 to index
      %parallel_loop3A_665 = arith.index_cast %parallel_loop3A_610 : i32 to index
      %parallel_loop3A_666 = arith.constant 32 : index
      %parallel_loop3A_667 = tpu.vector_load %arg9[%parallel_loop3A_664, %parallel_loop3A_665, %parallel_loop3A_666] {strides = array<i32>} : memref<3x128x64xf32, #tpu.memory_space<vmem>>, vector<1x1x16xf32>,
      %parallel_loop3A_668 = vector.shape_cast %parallel_loop3A_667 : vector<1x1x16xf32> to vector<16xf32>
      %parallel_loop3A_669 = arith.addf %parallel_loop3A_662, %parallel_loop3A_668 : vector<16xf32>
      %parallel_loop3A_670 = arith.constant 0.000000e+00 : f32
      %parallel_loop3A_671 = vector.broadcast %parallel_loop3A_670 : f32 to vector<16xf32>
      %parallel_loop3A_672 = arith.maximumf %parallel_loop3A_669, %parallel_loop3A_671 : vector<16xf32>
      %parallel_loop3A_673 = arith.constant 2 : i32
      %parallel_loop3A_674 = arith.index_cast %parallel_loop3A_673 : i32 to index
      %parallel_loop3A_675 = arith.index_cast %parallel_loop3A_610 : i32 to index
      %parallel_loop3A_676 = arith.constant 32 : index
      %parallel_loop3A_677 = tpu.vector_load %arg8[%parallel_loop3A_674, %parallel_loop3A_675, %parallel_loop3A_676] {strides = array<i32>} : memref<3x128x64xf32, #tpu.memory_space<vmem>>, vector<1x1x16xf32>,
      %parallel_loop3A_678 = vector.shape_cast %parallel_loop3A_677 : vector<1x1x16xf32> to vector<16xf32>
      %parallel_loop3A_679 = vector.shape_cast %parallel_loop3A_672 : vector<16xf32> to vector<1x1x16xf32>
      tpu.vector_store %arg8[%parallel_loop3A_674, %parallel_loop3A_675, %parallel_loop3A_676], %parallel_loop3A_679 {strides = array<i32>} : memref<3x128x64xf32, #tpu.memory_space<vmem>>, vector<1x1x16xf32>,
      %parallel_loop3A_680 = arith.constant 2 : i32
      %parallel_loop3A_681 = arith.index_cast %parallel_loop3A_680 : i32 to index
      %parallel_loop3A_682 = arith.index_cast %parallel_loop3A_610 : i32 to index
      %parallel_loop3A_683 = arith.constant 48 : index
      %parallel_loop3A_684 = tpu.vector_load %arg8[%parallel_loop3A_681, %parallel_loop3A_682, %parallel_loop3A_683] {strides = array<i32>} : memref<3x128x64xf32, #tpu.memory_space<vmem>>, vector<1x1x16xf32>,
      %parallel_loop3A_685 = vector.shape_cast %parallel_loop3A_684 : vector<1x1x16xf32> to vector<16xf32>
      %parallel_loop3A_686 = arith.constant 2 : i32
      %parallel_loop3A_687 = arith.index_cast %parallel_loop3A_686 : i32 to index
      %parallel_loop3A_688 = arith.index_cast %parallel_loop3A_610 : i32 to index
      %parallel_loop3A_689 = arith.constant 48 : index
      %parallel_loop3A_690 = tpu.vector_load %arg9[%parallel_loop3A_687, %parallel_loop3A_688, %parallel_loop3A_689] {strides = array<i32>} : memref<3x128x64xf32, #tpu.memory_space<vmem>>, vector<1x1x16xf32>,
      %parallel_loop3A_691 = vector.shape_cast %parallel_loop3A_690 : vector<1x1x16xf32> to vector<16xf32>
      %parallel_loop3A_692 = arith.addf %parallel_loop3A_685, %parallel_loop3A_691 : vector<16xf32>
      %parallel_loop3A_693 = arith.constant 0.000000e+00 : f32
      %parallel_loop3A_694 = vector.broadcast %parallel_loop3A_693 : f32 to vector<16xf32>
      %parallel_loop3A_695 = arith.maximumf %parallel_loop3A_692, %parallel_loop3A_694 : vector<16xf32>
      %parallel_loop3A_696 = arith.constant 2 : i32
      %parallel_loop3A_697 = arith.index_cast %parallel_loop3A_696 : i32 to index
      %parallel_loop3A_698 = arith.index_cast %parallel_loop3A_610 : i32 to index
      %parallel_loop3A_699 = arith.constant 48 : index
      %parallel_loop3A_700 = tpu.vector_load %arg8[%parallel_loop3A_697, %parallel_loop3A_698, %parallel_loop3A_699] {strides = array<i32>} : memref<3x128x64xf32, #tpu.memory_space<vmem>>, vector<1x1x16xf32>,
      %parallel_loop3A_701 = vector.shape_cast %parallel_loop3A_700 : vector<1x1x16xf32> to vector<16xf32>
      %parallel_loop3A_702 = vector.shape_cast %parallel_loop3A_695 : vector<16xf32> to vector<1x1x16xf32>
      tpu.vector_store %arg8[%parallel_loop3A_697, %parallel_loop3A_698, %parallel_loop3A_699], %parallel_loop3A_702 {strides = array<i32>} : memref<3x128x64xf32, #tpu.memory_space<vmem>>, vector<1x1x16xf32>,
    } {sc.loop_unroll_factor = 4 : i64, sc.parallel_access}
    %dma_start3A_218 = arith.constant 2 : i32
    %dma_start3A_219 = arith.constant 2 : i32
    %dma_start3A_220 = arith.constant 0 : i32
    %dma_start3A_221 = arith.constant 0 : i32
    %dma_start3A_222 = tpu.memref_slice %arg8[%dma_start3A_218, %dma_start3A_220, %dma_start3A_221] : memref<3x128x64xf32, #tpu.memory_space<vmem>> -> memref<1x128x64xf32, #tpu.memory_space<vmem>>
    %dma_start3A_223 = tpu.memref_squeeze %dma_start3A_222 : memref<1x128x64xf32, #tpu.memory_space<vmem>> -> memref<128x64xf32, #tpu.memory_space<vmem>>
    %dma_start3A_224 = arith.constant 0 : i32
    %dma_start3A_225 = tpu.memref_slice %arg6[%dma_start3A_219, %dma_start3A_224] : memref<8x128xi32, #tpu.memory_space<vmem>> -> memref<1x128xi32, #tpu.memory_space<vmem>>
    %dma_start3A_226 = tpu.memref_squeeze %dma_start3A_225 : memref<1x128xi32, #tpu.memory_space<vmem>> -> memref<128xi32, #tpu.memory_space<vmem>>
    %dma_start3A_227 = arith.constant 0 : i32
    %dma_start3A_228 = arith.constant 0 : i32
    %dma_start3A_229 = tpu.memref_slice %arg11[%dma_start3A_227, %dma_start3A_228] : memref<1024x64xf32, #tpu.memory_space<vmem_shared>> -> memref<1024x64xf32, #tpu.memory_space<vmem_shared>>
    tpu.enqueue_indirect_dma source(%dma_start3A_223 : memref<128x64xf32, #tpu.memory_space<vmem>>) target(%dma_start3A_229 : memref<1024x64xf32, #tpu.memory_space<vmem_shared>>) offsets(%dma_start3A_226 : memref<128xi32, #tpu.memory_space<vmem>>) semaphore(%arg14 : memref<!tpu.dma_semaphore, #tpu.memory_space<semaphore_mem>>) {add = true}
    %dma_wait3A_230 = arith.constant 1 : i32
    %dma_wait3A_231 = arith.constant 1 : i32
    %dma_wait3A_232 = arith.constant 0 : i32
    %dma_wait3A_233 = arith.constant 0 : i32
    %dma_wait3A_234 = tpu.memref_slice %arg8[%dma_wait3A_230, %dma_wait3A_232, %dma_wait3A_233] : memref<3x128x64xf32, #tpu.memory_space<vmem>> -> memref<1x128x64xf32, #tpu.memory_space<vmem>>
    %dma_wait3A_235 = tpu.memref_squeeze %dma_wait3A_234 : memref<1x128x64xf32, #tpu.memory_space<vmem>> -> memref<128x64xf32, #tpu.memory_space<vmem>>
    %dma_wait3A_236 = arith.constant 0 : i32
    %dma_wait3A_237 = tpu.memref_slice %arg6[%dma_wait3A_231, %dma_wait3A_236] : memref<8x128xi32, #tpu.memory_space<vmem>> -> memref<1x128xi32, #tpu.memory_space<vmem>>
    %dma_wait3A_238 = tpu.memref_squeeze %dma_wait3A_237 : memref<1x128xi32, #tpu.memory_space<vmem>> -> memref<128xi32, #tpu.memory_space<vmem>>
    %dma_wait3A_239 = arith.constant 0 : i32
    %dma_wait3A_240 = arith.constant 0 : i32
    %dma_wait3A_241 = tpu.memref_slice %arg11[%dma_wait3A_239, %dma_wait3A_240] : memref<1024x64xf32, #tpu.memory_space<vmem_shared>> -> memref<1024x64xf32, #tpu.memory_space<vmem_shared>>
    tpu.wait_indirect_dma semaphore(%arg14 : memref<!tpu.dma_semaphore, #tpu.memory_space<semaphore_mem>>) src(%dma_wait3A_235 : memref<128x64xf32, #tpu.memory_space<vmem>>) dst(%dma_wait3A_241 : memref<1024x64xf32, #tpu.memory_space<vmem_shared>>)
    %dma_start3A_242 = arith.constant 4 : i32
    %dma_start3A_243 = arith.constant 1 : i32
    %dma_start3A_244 = arith.constant 0 : i32
    %dma_start3A_245 = arith.constant 0 : i32
    %dma_start3A_246 = tpu.memref_slice %arg8[%dma_start3A_243, %dma_start3A_244, %dma_start3A_245] : memref<3x128x64xf32, #tpu.memory_space<vmem>> -> memref<1x128x64xf32, #tpu.memory_space<vmem>>
    %dma_start3A_247 = tpu.memref_squeeze %dma_start3A_246 : memref<1x128x64xf32, #tpu.memory_space<vmem>> -> memref<128x64xf32, #tpu.memory_space<vmem>>
    %dma_start3A_248 = arith.constant 0 : i32
    %dma_start3A_249 = tpu.memref_slice %arg6[%dma_start3A_242, %dma_start3A_248] : memref<8x128xi32, #tpu.memory_space<vmem>> -> memref<1x128xi32, #tpu.memory_space<vmem>>
    %dma_start3A_250 = tpu.memref_squeeze %dma_start3A_249 : memref<1x128xi32, #tpu.memory_space<vmem>> -> memref<128xi32, #tpu.memory_space<vmem>>
    %dma_start3A_251 = arith.constant 0 : i32
    %dma_start3A_252 = arith.constant 0 : i32
    %dma_start3A_253 = tpu.memref_slice %arg2[%dma_start3A_251, %dma_start3A_252] : memref<1024x64xf32, #tpu.memory_space<hbm>> -> memref<1024x64xf32, #tpu.memory_space<hbm>>
    tpu.enqueue_indirect_dma source(%dma_start3A_253 : memref<1024x64xf32, #tpu.memory_space<hbm>>) target(%dma_start3A_247 : memref<128x64xf32, #tpu.memory_space<vmem>>) offsets(%dma_start3A_250 : memref<128xi32, #tpu.memory_space<vmem>>) semaphore(%arg12 : memref<!tpu.dma_semaphore, #tpu.memory_space<semaphore_mem>>)
    %dma_start3A_254 = arith.constant 4 : i32
    %dma_start3A_255 = arith.constant 1 : i32
    %dma_start3A_256 = arith.constant 0 : i32
    %dma_start3A_257 = arith.constant 0 : i32
    %dma_start3A_258 = tpu.memref_slice %arg9[%dma_start3A_255, %dma_start3A_256, %dma_start3A_257] : memref<3x128x64xf32, #tpu.memory_space<vmem>> -> memref<1x128x64xf32, #tpu.memory_space<vmem>>
    %dma_start3A_259 = tpu.memref_squeeze %dma_start3A_258 : memref<1x128x64xf32, #tpu.memory_space<vmem>> -> memref<128x64xf32, #tpu.memory_space<vmem>>
    %dma_start3A_260 = arith.constant 0 : i32
    %dma_start3A_261 = tpu.memref_slice %arg7[%dma_start3A_254, %dma_start3A_260] : memref<8x128xi32, #tpu.memory_space<vmem>> -> memref<1x128xi32, #tpu.memory_space<vmem>>
    %dma_start3A_262 = tpu.memref_squeeze %dma_start3A_261 : memref<1x128xi32, #tpu.memory_space<vmem>> -> memref<128xi32, #tpu.memory_space<vmem>>
    %dma_start3A_263 = arith.constant 0 : i32
    %dma_start3A_264 = arith.constant 0 : i32
    %dma_start3A_265 = tpu.memref_slice %arg3[%dma_start3A_263, %dma_start3A_264] : memref<1024x64xf32, #tpu.memory_space<hbm>> -> memref<1024x64xf32, #tpu.memory_space<hbm>>
    tpu.enqueue_indirect_dma source(%dma_start3A_265 : memref<1024x64xf32, #tpu.memory_space<hbm>>) target(%dma_start3A_259 : memref<128x64xf32, #tpu.memory_space<vmem>>) offsets(%dma_start3A_262 : memref<128xi32, #tpu.memory_space<vmem>>) semaphore(%arg13 : memref<!tpu.dma_semaphore, #tpu.memory_space<semaphore_mem>>)
    %dma_wait3A_266 = arith.constant 3 : i32
    %dma_wait3A_267 = arith.constant 0 : i32
    %dma_wait3A_268 = arith.constant 0 : i32
    %dma_wait3A_269 = arith.constant 0 : i32
    %dma_wait3A_270 = tpu.memref_slice %arg8[%dma_wait3A_267, %dma_wait3A_268, %dma_wait3A_269] : memref<3x128x64xf32, #tpu.memory_space<vmem>> -> memref<1x128x64xf32, #tpu.memory_space<vmem>>
    %dma_wait3A_271 = tpu.memref_squeeze %dma_wait3A_270 : memref<1x128x64xf32, #tpu.memory_space<vmem>> -> memref<128x64xf32, #tpu.memory_space<vmem>>
    %dma_wait3A_272 = arith.constant 0 : i32
    %dma_wait3A_273 = tpu.memref_slice %arg6[%dma_wait3A_266, %dma_wait3A_272] : memref<8x128xi32, #tpu.memory_space<vmem>> -> memref<1x128xi32, #tpu.memory_space<vmem>>
    %dma_wait3A_274 = tpu.memref_squeeze %dma_wait3A_273 : memref<1x128xi32, #tpu.memory_space<vmem>> -> memref<128xi32, #tpu.memory_space<vmem>>
    %dma_wait3A_275 = arith.constant 0 : i32
    %dma_wait3A_276 = arith.constant 0 : i32
    %dma_wait3A_277 = tpu.memref_slice %arg2[%dma_wait3A_275, %dma_wait3A_276] : memref<1024x64xf32, #tpu.memory_space<hbm>> -> memref<1024x64xf32, #tpu.memory_space<hbm>>
    tpu.wait_indirect_dma semaphore(%arg12 : memref<!tpu.dma_semaphore, #tpu.memory_space<semaphore_mem>>) src(%dma_wait3A_277 : memref<1024x64xf32, #tpu.memory_space<hbm>>) dst(%dma_wait3A_271 : memref<128x64xf32, #tpu.memory_space<vmem>>)
    %dma_wait3A_278 = arith.constant 3 : i32
    %dma_wait3A_279 = arith.constant 0 : i32
    %dma_wait3A_280 = arith.constant 0 : i32
    %dma_wait3A_281 = arith.constant 0 : i32
    %dma_wait3A_282 = tpu.memref_slice %arg9[%dma_wait3A_279, %dma_wait3A_280, %dma_wait3A_281] : memref<3x128x64xf32, #tpu.memory_space<vmem>> -> memref<1x128x64xf32, #tpu.memory_space<vmem>>
    %dma_wait3A_283 = tpu.memref_squeeze %dma_wait3A_282 : memref<1x128x64xf32, #tpu.memory_space<vmem>> -> memref<128x64xf32, #tpu.memory_space<vmem>>
    %dma_wait3A_284 = arith.constant 0 : i32
    %dma_wait3A_285 = tpu.memref_slice %arg7[%dma_wait3A_278, %dma_wait3A_284] : memref<8x128xi32, #tpu.memory_space<vmem>> -> memref<1x128xi32, #tpu.memory_space<vmem>>
    %dma_wait3A_286 = tpu.memref_squeeze %dma_wait3A_285 : memref<1x128xi32, #tpu.memory_space<vmem>> -> memref<128xi32, #tpu.memory_space<vmem>>
    %dma_wait3A_287 = arith.constant 0 : i32
    %dma_wait3A_288 = arith.constant 0 : i32
    %dma_wait3A_289 = tpu.memref_slice %arg3[%dma_wait3A_287, %dma_wait3A_288] : memref<1024x64xf32, #tpu.memory_space<hbm>> -> memref<1024x64xf32, #tpu.memory_space<hbm>>
    tpu.wait_indirect_dma semaphore(%arg13 : memref<!tpu.dma_semaphore, #tpu.memory_space<semaphore_mem>>) src(%dma_wait3A_289 : memref<1024x64xf32, #tpu.memory_space<hbm>>) dst(%dma_wait3A_283 : memref<128x64xf32, #tpu.memory_space<vmem>>)
    %parallel_loop3A_290 = arith.constant 0 : i32
    %parallel_loop3A_291 = arith.constant 128 : i32
    %parallel_loop3A_292 = arith.constant 1 : i32
    scf.for %parallel_loop3A_610 = %parallel_loop3A_290 to %parallel_loop3A_291 step %parallel_loop3A_292  : i32 {
      %parallel_loop3A_611 = arith.constant 0 : i32
      %parallel_loop3A_612 = arith.index_cast %parallel_loop3A_611 : i32 to index
      %parallel_loop3A_613 = arith.index_cast %parallel_loop3A_610 : i32 to index
      %parallel_loop3A_614 = arith.constant 0 : index
      %parallel_loop3A_615 = tpu.vector_load %arg8[%parallel_loop3A_612, %parallel_loop3A_613, %parallel_loop3A_614] {strides = array<i32>} : memref<3x128x64xf32, #tpu.memory_space<vmem>>, vector<1x1x16xf32>,
      %parallel_loop3A_616 = vector.shape_cast %parallel_loop3A_615 : vector<1x1x16xf32> to vector<16xf32>
      %parallel_loop3A_617 = arith.constant 0 : i32
      %parallel_loop3A_618 = arith.index_cast %parallel_loop3A_617 : i32 to index
      %parallel_loop3A_619 = arith.index_cast %parallel_loop3A_610 : i32 to index
      %parallel_loop3A_620 = arith.constant 0 : index
      %parallel_loop3A_621 = tpu.vector_load %arg9[%parallel_loop3A_618, %parallel_loop3A_619, %parallel_loop3A_620] {strides = array<i32>} : memref<3x128x64xf32, #tpu.memory_space<vmem>>, vector<1x1x16xf32>,
      %parallel_loop3A_622 = vector.shape_cast %parallel_loop3A_621 : vector<1x1x16xf32> to vector<16xf32>
      %parallel_loop3A_623 = arith.addf %parallel_loop3A_616, %parallel_loop3A_622 : vector<16xf32>
      %parallel_loop3A_624 = arith.constant 0.000000e+00 : f32
      %parallel_loop3A_625 = vector.broadcast %parallel_loop3A_624 : f32 to vector<16xf32>
      %parallel_loop3A_626 = arith.maximumf %parallel_loop3A_623, %parallel_loop3A_625 : vector<16xf32>
      %parallel_loop3A_627 = arith.constant 0 : i32
      %parallel_loop3A_628 = arith.index_cast %parallel_loop3A_627 : i32 to index
      %parallel_loop3A_629 = arith.index_cast %parallel_loop3A_610 : i32 to index
      %parallel_loop3A_630 = arith.constant 0 : index
      %parallel_loop3A_631 = tpu.vector_load %arg8[%parallel_loop3A_628, %parallel_loop3A_629, %parallel_loop3A_630] {strides = array<i32>} : memref<3x128x64xf32, #tpu.memory_space<vmem>>, vector<1x1x16xf32>,
      %parallel_loop3A_632 = vector.shape_cast %parallel_loop3A_631 : vector<1x1x16xf32> to vector<16xf32>
      %parallel_loop3A_633 = vector.shape_cast %parallel_loop3A_626 : vector<16xf32> to vector<1x1x16xf32>
      tpu.vector_store %arg8[%parallel_loop3A_628, %parallel_loop3A_629, %parallel_loop3A_630], %parallel_loop3A_633 {strides = array<i32>} : memref<3x128x64xf32, #tpu.memory_space<vmem>>, vector<1x1x16xf32>,
      %parallel_loop3A_634 = arith.constant 0 : i32
      %parallel_loop3A_635 = arith.index_cast %parallel_loop3A_634 : i32 to index
      %parallel_loop3A_636 = arith.index_cast %parallel_loop3A_610 : i32 to index
      %parallel_loop3A_637 = arith.constant 16 : index
      %parallel_loop3A_638 = tpu.vector_load %arg8[%parallel_loop3A_635, %parallel_loop3A_636, %parallel_loop3A_637] {strides = array<i32>} : memref<3x128x64xf32, #tpu.memory_space<vmem>>, vector<1x1x16xf32>,
      %parallel_loop3A_639 = vector.shape_cast %parallel_loop3A_638 : vector<1x1x16xf32> to vector<16xf32>
      %parallel_loop3A_640 = arith.constant 0 : i32
      %parallel_loop3A_641 = arith.index_cast %parallel_loop3A_640 : i32 to index
      %parallel_loop3A_642 = arith.index_cast %parallel_loop3A_610 : i32 to index
      %parallel_loop3A_643 = arith.constant 16 : index
      %parallel_loop3A_644 = tpu.vector_load %arg9[%parallel_loop3A_641, %parallel_loop3A_642, %parallel_loop3A_643] {strides = array<i32>} : memref<3x128x64xf32, #tpu.memory_space<vmem>>, vector<1x1x16xf32>,
      %parallel_loop3A_645 = vector.shape_cast %parallel_loop3A_644 : vector<1x1x16xf32> to vector<16xf32>
      %parallel_loop3A_646 = arith.addf %parallel_loop3A_639, %parallel_loop3A_645 : vector<16xf32>
      %parallel_loop3A_647 = arith.constant 0.000000e+00 : f32
      %parallel_loop3A_648 = vector.broadcast %parallel_loop3A_647 : f32 to vector<16xf32>
      %parallel_loop3A_649 = arith.maximumf %parallel_loop3A_646, %parallel_loop3A_648 : vector<16xf32>
      %parallel_loop3A_650 = arith.constant 0 : i32
      %parallel_loop3A_651 = arith.index_cast %parallel_loop3A_650 : i32 to index
      %parallel_loop3A_652 = arith.index_cast %parallel_loop3A_610 : i32 to index
      %parallel_loop3A_653 = arith.constant 16 : index
      %parallel_loop3A_654 = tpu.vector_load %arg8[%parallel_loop3A_651, %parallel_loop3A_652, %parallel_loop3A_653] {strides = array<i32>} : memref<3x128x64xf32, #tpu.memory_space<vmem>>, vector<1x1x16xf32>,
      %parallel_loop3A_655 = vector.shape_cast %parallel_loop3A_654 : vector<1x1x16xf32> to vector<16xf32>
      %parallel_loop3A_656 = vector.shape_cast %parallel_loop3A_649 : vector<16xf32> to vector<1x1x16xf32>
      tpu.vector_store %arg8[%parallel_loop3A_651, %parallel_loop3A_652, %parallel_loop3A_653], %parallel_loop3A_656 {strides = array<i32>} : memref<3x128x64xf32, #tpu.memory_space<vmem>>, vector<1x1x16xf32>,
      %parallel_loop3A_657 = arith.constant 0 : i32
      %parallel_loop3A_658 = arith.index_cast %parallel_loop3A_657 : i32 to index
      %parallel_loop3A_659 = arith.index_cast %parallel_loop3A_610 : i32 to index
      %parallel_loop3A_660 = arith.constant 32 : index
      %parallel_loop3A_661 = tpu.vector_load %arg8[%parallel_loop3A_658, %parallel_loop3A_659, %parallel_loop3A_660] {strides = array<i32>} : memref<3x128x64xf32, #tpu.memory_space<vmem>>, vector<1x1x16xf32>,
      %parallel_loop3A_662 = vector.shape_cast %parallel_loop3A_661 : vector<1x1x16xf32> to vector<16xf32>
      %parallel_loop3A_663 = arith.constant 0 : i32
      %parallel_loop3A_664 = arith.index_cast %parallel_loop3A_663 : i32 to index
      %parallel_loop3A_665 = arith.index_cast %parallel_loop3A_610 : i32 to index
      %parallel_loop3A_666 = arith.constant 32 : index
      %parallel_loop3A_667 = tpu.vector_load %arg9[%parallel_loop3A_664, %parallel_loop3A_665, %parallel_loop3A_666] {strides = array<i32>} : memref<3x128x64xf32, #tpu.memory_space<vmem>>, vector<1x1x16xf32>,
      %parallel_loop3A_668 = vector.shape_cast %parallel_loop3A_667 : vector<1x1x16xf32> to vector<16xf32>
      %parallel_loop3A_669 = arith.addf %parallel_loop3A_662, %parallel_loop3A_668 : vector<16xf32>
      %parallel_loop3A_670 = arith.constant 0.000000e+00 : f32
      %parallel_loop3A_671 = vector.broadcast %parallel_loop3A_670 : f32 to vector<16xf32>
      %parallel_loop3A_672 = arith.maximumf %parallel_loop3A_669, %parallel_loop3A_671 : vector<16xf32>
      %parallel_loop3A_673 = arith.constant 0 : i32
      %parallel_loop3A_674 = arith.index_cast %parallel_loop3A_673 : i32 to index
      %parallel_loop3A_675 = arith.index_cast %parallel_loop3A_610 : i32 to index
      %parallel_loop3A_676 = arith.constant 32 : index
      %parallel_loop3A_677 = tpu.vector_load %arg8[%parallel_loop3A_674, %parallel_loop3A_675, %parallel_loop3A_676] {strides = array<i32>} : memref<3x128x64xf32, #tpu.memory_space<vmem>>, vector<1x1x16xf32>,
      %parallel_loop3A_678 = vector.shape_cast %parallel_loop3A_677 : vector<1x1x16xf32> to vector<16xf32>
      %parallel_loop3A_679 = vector.shape_cast %parallel_loop3A_672 : vector<16xf32> to vector<1x1x16xf32>
      tpu.vector_store %arg8[%parallel_loop3A_674, %parallel_loop3A_675, %parallel_loop3A_676], %parallel_loop3A_679 {strides = array<i32>} : memref<3x128x64xf32, #tpu.memory_space<vmem>>, vector<1x1x16xf32>,
      %parallel_loop3A_680 = arith.constant 0 : i32
      %parallel_loop3A_681 = arith.index_cast %parallel_loop3A_680 : i32 to index
      %parallel_loop3A_682 = arith.index_cast %parallel_loop3A_610 : i32 to index
      %parallel_loop3A_683 = arith.constant 48 : index
      %parallel_loop3A_684 = tpu.vector_load %arg8[%parallel_loop3A_681, %parallel_loop3A_682, %parallel_loop3A_683] {strides = array<i32>} : memref<3x128x64xf32, #tpu.memory_space<vmem>>, vector<1x1x16xf32>,
      %parallel_loop3A_685 = vector.shape_cast %parallel_loop3A_684 : vector<1x1x16xf32> to vector<16xf32>
      %parallel_loop3A_686 = arith.constant 0 : i32
      %parallel_loop3A_687 = arith.index_cast %parallel_loop3A_686 : i32 to index
      %parallel_loop3A_688 = arith.index_cast %parallel_loop3A_610 : i32 to index
      %parallel_loop3A_689 = arith.constant 48 : index
      %parallel_loop3A_690 = tpu.vector_load %arg9[%parallel_loop3A_687, %parallel_loop3A_688, %parallel_loop3A_689] {strides = array<i32>} : memref<3x128x64xf32, #tpu.memory_space<vmem>>, vector<1x1x16xf32>,
      %parallel_loop3A_691 = vector.shape_cast %parallel_loop3A_690 : vector<1x1x16xf32> to vector<16xf32>
      %parallel_loop3A_692 = arith.addf %parallel_loop3A_685, %parallel_loop3A_691 : vector<16xf32>
      %parallel_loop3A_693 = arith.constant 0.000000e+00 : f32
      %parallel_loop3A_694 = vector.broadcast %parallel_loop3A_693 : f32 to vector<16xf32>
      %parallel_loop3A_695 = arith.maximumf %parallel_loop3A_692, %parallel_loop3A_694 : vector<16xf32>
      %parallel_loop3A_696 = arith.constant 0 : i32
      %parallel_loop3A_697 = arith.index_cast %parallel_loop3A_696 : i32 to index
      %parallel_loop3A_698 = arith.index_cast %parallel_loop3A_610 : i32 to index
      %parallel_loop3A_699 = arith.constant 48 : index
      %parallel_loop3A_700 = tpu.vector_load %arg8[%parallel_loop3A_697, %parallel_loop3A_698, %parallel_loop3A_699] {strides = array<i32>} : memref<3x128x64xf32, #tpu.memory_space<vmem>>, vector<1x1x16xf32>,
      %parallel_loop3A_701 = vector.shape_cast %parallel_loop3A_700 : vector<1x1x16xf32> to vector<16xf32>
      %parallel_loop3A_702 = vector.shape_cast %parallel_loop3A_695 : vector<16xf32> to vector<1x1x16xf32>
      tpu.vector_store %arg8[%parallel_loop3A_697, %parallel_loop3A_698, %parallel_loop3A_699], %parallel_loop3A_702 {strides = array<i32>} : memref<3x128x64xf32, #tpu.memory_space<vmem>>, vector<1x1x16xf32>,
    } {sc.loop_unroll_factor = 4 : i64, sc.parallel_access}
    %dma_start3A_293 = arith.constant 0 : i32
    %dma_start3A_294 = arith.constant 3 : i32
    %dma_start3A_295 = arith.constant 0 : i32
    %dma_start3A_296 = arith.constant 0 : i32
    %dma_start3A_297 = tpu.memref_slice %arg8[%dma_start3A_293, %dma_start3A_295, %dma_start3A_296] : memref<3x128x64xf32, #tpu.memory_space<vmem>> -> memref<1x128x64xf32, #tpu.memory_space<vmem>>
    %dma_start3A_298 = tpu.memref_squeeze %dma_start3A_297 : memref<1x128x64xf32, #tpu.memory_space<vmem>> -> memref<128x64xf32, #tpu.memory_space<vmem>>
    %dma_start3A_299 = arith.constant 0 : i32
    %dma_start3A_300 = tpu.memref_slice %arg6[%dma_start3A_294, %dma_start3A_299] : memref<8x128xi32, #tpu.memory_space<vmem>> -> memref<1x128xi32, #tpu.memory_space<vmem>>
    %dma_start3A_301 = tpu.memref_squeeze %dma_start3A_300 : memref<1x128xi32, #tpu.memory_space<vmem>> -> memref<128xi32, #tpu.memory_space<vmem>>
    %dma_start3A_302 = arith.constant 0 : i32
    %dma_start3A_303 = arith.constant 0 : i32
    %dma_start3A_304 = tpu.memref_slice %arg11[%dma_start3A_302, %dma_start3A_303] : memref<1024x64xf32, #tpu.memory_space<vmem_shared>> -> memref<1024x64xf32, #tpu.memory_space<vmem_shared>>
    tpu.enqueue_indirect_dma source(%dma_start3A_298 : memref<128x64xf32, #tpu.memory_space<vmem>>) target(%dma_start3A_304 : memref<1024x64xf32, #tpu.memory_space<vmem_shared>>) offsets(%dma_start3A_301 : memref<128xi32, #tpu.memory_space<vmem>>) semaphore(%arg14 : memref<!tpu.dma_semaphore, #tpu.memory_space<semaphore_mem>>) {add = true}
    %dma_wait3A_305 = arith.constant 2 : i32
    %dma_wait3A_306 = arith.constant 2 : i32
    %dma_wait3A_307 = arith.constant 0 : i32
    %dma_wait3A_308 = arith.constant 0 : i32
    %dma_wait3A_309 = tpu.memref_slice %arg8[%dma_wait3A_305, %dma_wait3A_307, %dma_wait3A_308] : memref<3x128x64xf32, #tpu.memory_space<vmem>> -> memref<1x128x64xf32, #tpu.memory_space<vmem>>
    %dma_wait3A_310 = tpu.memref_squeeze %dma_wait3A_309 : memref<1x128x64xf32, #tpu.memory_space<vmem>> -> memref<128x64xf32, #tpu.memory_space<vmem>>
    %dma_wait3A_311 = arith.constant 0 : i32
    %dma_wait3A_312 = tpu.memref_slice %arg6[%dma_wait3A_306, %dma_wait3A_311] : memref<8x128xi32, #tpu.memory_space<vmem>> -> memref<1x128xi32, #tpu.memory_space<vmem>>
    %dma_wait3A_313 = tpu.memref_squeeze %dma_wait3A_312 : memref<1x128xi32, #tpu.memory_space<vmem>> -> memref<128xi32, #tpu.memory_space<vmem>>
    %dma_wait3A_314 = arith.constant 0 : i32
    %dma_wait3A_315 = arith.constant 0 : i32
    %dma_wait3A_316 = tpu.memref_slice %arg11[%dma_wait3A_314, %dma_wait3A_315] : memref<1024x64xf32, #tpu.memory_space<vmem_shared>> -> memref<1024x64xf32, #tpu.memory_space<vmem_shared>>
    tpu.wait_indirect_dma semaphore(%arg14 : memref<!tpu.dma_semaphore, #tpu.memory_space<semaphore_mem>>) src(%dma_wait3A_310 : memref<128x64xf32, #tpu.memory_space<vmem>>) dst(%dma_wait3A_316 : memref<1024x64xf32, #tpu.memory_space<vmem_shared>>)
    %dma_start3A_317 = arith.constant 5 : i32
    %dma_start3A_318 = arith.constant 2 : i32
    %dma_start3A_319 = arith.constant 0 : i32
    %dma_start3A_320 = arith.constant 0 : i32
    %dma_start3A_321 = tpu.memref_slice %arg8[%dma_start3A_318, %dma_start3A_319, %dma_start3A_320] : memref<3x128x64xf32, #tpu.memory_space<vmem>> -> memref<1x128x64xf32, #tpu.memory_space<vmem>>
    %dma_start3A_322 = tpu.memref_squeeze %dma_start3A_321 : memref<1x128x64xf32, #tpu.memory_space<vmem>> -> memref<128x64xf32, #tpu.memory_space<vmem>>
    %dma_start3A_323 = arith.constant 0 : i32
    %dma_start3A_324 = tpu.memref_slice %arg6[%dma_start3A_317, %dma_start3A_323] : memref<8x128xi32, #tpu.memory_space<vmem>> -> memref<1x128xi32, #tpu.memory_space<vmem>>
    %dma_start3A_325 = tpu.memref_squeeze %dma_start3A_324 : memref<1x128xi32, #tpu.memory_space<vmem>> -> memref<128xi32, #tpu.memory_space<vmem>>
    %dma_start3A_326 = arith.constant 0 : i32
    %dma_start3A_327 = arith.constant 0 : i32
    %dma_start3A_328 = tpu.memref_slice %arg2[%dma_start3A_326, %dma_start3A_327] : memref<1024x64xf32, #tpu.memory_space<hbm>> -> memref<1024x64xf32, #tpu.memory_space<hbm>>
    tpu.enqueue_indirect_dma source(%dma_start3A_328 : memref<1024x64xf32, #tpu.memory_space<hbm>>) target(%dma_start3A_322 : memref<128x64xf32, #tpu.memory_space<vmem>>) offsets(%dma_start3A_325 : memref<128xi32, #tpu.memory_space<vmem>>) semaphore(%arg12 : memref<!tpu.dma_semaphore, #tpu.memory_space<semaphore_mem>>)
    %dma_start3A_329 = arith.constant 5 : i32
    %dma_start3A_330 = arith.constant 2 : i32
    %dma_start3A_331 = arith.constant 0 : i32
    %dma_start3A_332 = arith.constant 0 : i32
    %dma_start3A_333 = tpu.memref_slice %arg9[%dma_start3A_330, %dma_start3A_331, %dma_start3A_332] : memref<3x128x64xf32, #tpu.memory_space<vmem>> -> memref<1x128x64xf32, #tpu.memory_space<vmem>>
    %dma_start3A_334 = tpu.memref_squeeze %dma_start3A_333 : memref<1x128x64xf32, #tpu.memory_space<vmem>> -> memref<128x64xf32, #tpu.memory_space<vmem>>
    %dma_start3A_335 = arith.constant 0 : i32
    %dma_start3A_336 = tpu.memref_slice %arg7[%dma_start3A_329, %dma_start3A_335] : memref<8x128xi32, #tpu.memory_space<vmem>> -> memref<1x128xi32, #tpu.memory_space<vmem>>
    %dma_start3A_337 = tpu.memref_squeeze %dma_start3A_336 : memref<1x128xi32, #tpu.memory_space<vmem>> -> memref<128xi32, #tpu.memory_space<vmem>>
    %dma_start3A_338 = arith.constant 0 : i32
    %dma_start3A_339 = arith.constant 0 : i32
    %dma_start3A_340 = tpu.memref_slice %arg3[%dma_start3A_338, %dma_start3A_339] : memref<1024x64xf32, #tpu.memory_space<hbm>> -> memref<1024x64xf32, #tpu.memory_space<hbm>>
    tpu.enqueue_indirect_dma source(%dma_start3A_340 : memref<1024x64xf32, #tpu.memory_space<hbm>>) target(%dma_start3A_334 : memref<128x64xf32, #tpu.memory_space<vmem>>) offsets(%dma_start3A_337 : memref<128xi32, #tpu.memory_space<vmem>>) semaphore(%arg13 : memref<!tpu.dma_semaphore, #tpu.memory_space<semaphore_mem>>)
    %dma_wait3A_341 = arith.constant 4 : i32
    %dma_wait3A_342 = arith.constant 1 : i32
    %dma_wait3A_343 = arith.constant 0 : i32
    %dma_wait3A_344 = arith.constant 0 : i32
    %dma_wait3A_345 = tpu.memref_slice %arg8[%dma_wait3A_342, %dma_wait3A_343, %dma_wait3A_344] : memref<3x128x64xf32, #tpu.memory_space<vmem>> -> memref<1x128x64xf32, #tpu.memory_space<vmem>>
    %dma_wait3A_346 = tpu.memref_squeeze %dma_wait3A_345 : memref<1x128x64xf32, #tpu.memory_space<vmem>> -> memref<128x64xf32, #tpu.memory_space<vmem>>
    %dma_wait3A_347 = arith.constant 0 : i32
    %dma_wait3A_348 = tpu.memref_slice %arg6[%dma_wait3A_341, %dma_wait3A_347] : memref<8x128xi32, #tpu.memory_space<vmem>> -> memref<1x128xi32, #tpu.memory_space<vmem>>
    %dma_wait3A_349 = tpu.memref_squeeze %dma_wait3A_348 : memref<1x128xi32, #tpu.memory_space<vmem>> -> memref<128xi32, #tpu.memory_space<vmem>>
    %dma_wait3A_350 = arith.constant 0 : i32
    %dma_wait3A_351 = arith.constant 0 : i32
    %dma_wait3A_352 = tpu.memref_slice %arg2[%dma_wait3A_350, %dma_wait3A_351] : memref<1024x64xf32, #tpu.memory_space<hbm>> -> memref<1024x64xf32, #tpu.memory_space<hbm>>
    tpu.wait_indirect_dma semaphore(%arg12 : memref<!tpu.dma_semaphore, #tpu.memory_space<semaphore_mem>>) src(%dma_wait3A_352 : memref<1024x64xf32, #tpu.memory_space<hbm>>) dst(%dma_wait3A_346 : memref<128x64xf32, #tpu.memory_space<vmem>>)
    %dma_wait3A_353 = arith.constant 4 : i32
    %dma_wait3A_354 = arith.constant 1 : i32
    %dma_wait3A_355 = arith.constant 0 : i32
    %dma_wait3A_356 = arith.constant 0 : i32
    %dma_wait3A_357 = tpu.memref_slice %arg9[%dma_wait3A_354, %dma_wait3A_355, %dma_wait3A_356] : memref<3x128x64xf32, #tpu.memory_space<vmem>> -> memref<1x128x64xf32, #tpu.memory_space<vmem>>
    %dma_wait3A_358 = tpu.memref_squeeze %dma_wait3A_357 : memref<1x128x64xf32, #tpu.memory_space<vmem>> -> memref<128x64xf32, #tpu.memory_space<vmem>>
    %dma_wait3A_359 = arith.constant 0 : i32
    %dma_wait3A_360 = tpu.memref_slice %arg7[%dma_wait3A_353, %dma_wait3A_359] : memref<8x128xi32, #tpu.memory_space<vmem>> -> memref<1x128xi32, #tpu.memory_space<vmem>>
    %dma_wait3A_361 = tpu.memref_squeeze %dma_wait3A_360 : memref<1x128xi32, #tpu.memory_space<vmem>> -> memref<128xi32, #tpu.memory_space<vmem>>
    %dma_wait3A_362 = arith.constant 0 : i32
    %dma_wait3A_363 = arith.constant 0 : i32
    %dma_wait3A_364 = tpu.memref_slice %arg3[%dma_wait3A_362, %dma_wait3A_363] : memref<1024x64xf32, #tpu.memory_space<hbm>> -> memref<1024x64xf32, #tpu.memory_space<hbm>>
    tpu.wait_indirect_dma semaphore(%arg13 : memref<!tpu.dma_semaphore, #tpu.memory_space<semaphore_mem>>) src(%dma_wait3A_364 : memref<1024x64xf32, #tpu.memory_space<hbm>>) dst(%dma_wait3A_358 : memref<128x64xf32, #tpu.memory_space<vmem>>)
    %parallel_loop3A_365 = arith.constant 0 : i32
    %parallel_loop3A_366 = arith.constant 128 : i32
    %parallel_loop3A_367 = arith.constant 1 : i32
    scf.for %parallel_loop3A_610 = %parallel_loop3A_365 to %parallel_loop3A_366 step %parallel_loop3A_367  : i32 {
      %parallel_loop3A_611 = arith.constant 1 : i32
      %parallel_loop3A_612 = arith.index_cast %parallel_loop3A_611 : i32 to index
      %parallel_loop3A_613 = arith.index_cast %parallel_loop3A_610 : i32 to index
      %parallel_loop3A_614 = arith.constant 0 : index
      %parallel_loop3A_615 = tpu.vector_load %arg8[%parallel_loop3A_612, %parallel_loop3A_613, %parallel_loop3A_614] {strides = array<i32>} : memref<3x128x64xf32, #tpu.memory_space<vmem>>, vector<1x1x16xf32>,
      %parallel_loop3A_616 = vector.shape_cast %parallel_loop3A_615 : vector<1x1x16xf32> to vector<16xf32>
      %parallel_loop3A_617 = arith.constant 1 : i32
      %parallel_loop3A_618 = arith.index_cast %parallel_loop3A_617 : i32 to index
      %parallel_loop3A_619 = arith.index_cast %parallel_loop3A_610 : i32 to index
      %parallel_loop3A_620 = arith.constant 0 : index
      %parallel_loop3A_621 = tpu.vector_load %arg9[%parallel_loop3A_618, %parallel_loop3A_619, %parallel_loop3A_620] {strides = array<i32>} : memref<3x128x64xf32, #tpu.memory_space<vmem>>, vector<1x1x16xf32>,
      %parallel_loop3A_622 = vector.shape_cast %parallel_loop3A_621 : vector<1x1x16xf32> to vector<16xf32>
      %parallel_loop3A_623 = arith.addf %parallel_loop3A_616, %parallel_loop3A_622 : vector<16xf32>
      %parallel_loop3A_624 = arith.constant 0.000000e+00 : f32
      %parallel_loop3A_625 = vector.broadcast %parallel_loop3A_624 : f32 to vector<16xf32>
      %parallel_loop3A_626 = arith.maximumf %parallel_loop3A_623, %parallel_loop3A_625 : vector<16xf32>
      %parallel_loop3A_627 = arith.constant 1 : i32
      %parallel_loop3A_628 = arith.index_cast %parallel_loop3A_627 : i32 to index
      %parallel_loop3A_629 = arith.index_cast %parallel_loop3A_610 : i32 to index
      %parallel_loop3A_630 = arith.constant 0 : index
      %parallel_loop3A_631 = tpu.vector_load %arg8[%parallel_loop3A_628, %parallel_loop3A_629, %parallel_loop3A_630] {strides = array<i32>} : memref<3x128x64xf32, #tpu.memory_space<vmem>>, vector<1x1x16xf32>,
      %parallel_loop3A_632 = vector.shape_cast %parallel_loop3A_631 : vector<1x1x16xf32> to vector<16xf32>
      %parallel_loop3A_633 = vector.shape_cast %parallel_loop3A_626 : vector<16xf32> to vector<1x1x16xf32>
      tpu.vector_store %arg8[%parallel_loop3A_628, %parallel_loop3A_629, %parallel_loop3A_630], %parallel_loop3A_633 {strides = array<i32>} : memref<3x128x64xf32, #tpu.memory_space<vmem>>, vector<1x1x16xf32>,
      %parallel_loop3A_634 = arith.constant 1 : i32
      %parallel_loop3A_635 = arith.index_cast %parallel_loop3A_634 : i32 to index
      %parallel_loop3A_636 = arith.index_cast %parallel_loop3A_610 : i32 to index
      %parallel_loop3A_637 = arith.constant 16 : index
      %parallel_loop3A_638 = tpu.vector_load %arg8[%parallel_loop3A_635, %parallel_loop3A_636, %parallel_loop3A_637] {strides = array<i32>} : memref<3x128x64xf32, #tpu.memory_space<vmem>>, vector<1x1x16xf32>,
      %parallel_loop3A_639 = vector.shape_cast %parallel_loop3A_638 : vector<1x1x16xf32> to vector<16xf32>
      %parallel_loop3A_640 = arith.constant 1 : i32
      %parallel_loop3A_641 = arith.index_cast %parallel_loop3A_640 : i32 to index
      %parallel_loop3A_642 = arith.index_cast %parallel_loop3A_610 : i32 to index
      %parallel_loop3A_643 = arith.constant 16 : index
      %parallel_loop3A_644 = tpu.vector_load %arg9[%parallel_loop3A_641, %parallel_loop3A_642, %parallel_loop3A_643] {strides = array<i32>} : memref<3x128x64xf32, #tpu.memory_space<vmem>>, vector<1x1x16xf32>,
      %parallel_loop3A_645 = vector.shape_cast %parallel_loop3A_644 : vector<1x1x16xf32> to vector<16xf32>
      %parallel_loop3A_646 = arith.addf %parallel_loop3A_639, %parallel_loop3A_645 : vector<16xf32>
      %parallel_loop3A_647 = arith.constant 0.000000e+00 : f32
      %parallel_loop3A_648 = vector.broadcast %parallel_loop3A_647 : f32 to vector<16xf32>
      %parallel_loop3A_649 = arith.maximumf %parallel_loop3A_646, %parallel_loop3A_648 : vector<16xf32>
      %parallel_loop3A_650 = arith.constant 1 : i32
      %parallel_loop3A_651 = arith.index_cast %parallel_loop3A_650 : i32 to index
      %parallel_loop3A_652 = arith.index_cast %parallel_loop3A_610 : i32 to index
      %parallel_loop3A_653 = arith.constant 16 : index
      %parallel_loop3A_654 = tpu.vector_load %arg8[%parallel_loop3A_651, %parallel_loop3A_652, %parallel_loop3A_653] {strides = array<i32>} : memref<3x128x64xf32, #tpu.memory_space<vmem>>, vector<1x1x16xf32>,
      %parallel_loop3A_655 = vector.shape_cast %parallel_loop3A_654 : vector<1x1x16xf32> to vector<16xf32>
      %parallel_loop3A_656 = vector.shape_cast %parallel_loop3A_649 : vector<16xf32> to vector<1x1x16xf32>
      tpu.vector_store %arg8[%parallel_loop3A_651, %parallel_loop3A_652, %parallel_loop3A_653], %parallel_loop3A_656 {strides = array<i32>} : memref<3x128x64xf32, #tpu.memory_space<vmem>>, vector<1x1x16xf32>,
      %parallel_loop3A_657 = arith.constant 1 : i32
      %parallel_loop3A_658 = arith.index_cast %parallel_loop3A_657 : i32 to index
      %parallel_loop3A_659 = arith.index_cast %parallel_loop3A_610 : i32 to index
      %parallel_loop3A_660 = arith.constant 32 : index
      %parallel_loop3A_661 = tpu.vector_load %arg8[%parallel_loop3A_658, %parallel_loop3A_659, %parallel_loop3A_660] {strides = array<i32>} : memref<3x128x64xf32, #tpu.memory_space<vmem>>, vector<1x1x16xf32>,
      %parallel_loop3A_662 = vector.shape_cast %parallel_loop3A_661 : vector<1x1x16xf32> to vector<16xf32>
      %parallel_loop3A_663 = arith.constant 1 : i32
      %parallel_loop3A_664 = arith.index_cast %parallel_loop3A_663 : i32 to index
      %parallel_loop3A_665 = arith.index_cast %parallel_loop3A_610 : i32 to index
      %parallel_loop3A_666 = arith.constant 32 : index
      %parallel_loop3A_667 = tpu.vector_load %arg9[%parallel_loop3A_664, %parallel_loop3A_665, %parallel_loop3A_666] {strides = array<i32>} : memref<3x128x64xf32, #tpu.memory_space<vmem>>, vector<1x1x16xf32>,
      %parallel_loop3A_668 = vector.shape_cast %parallel_loop3A_667 : vector<1x1x16xf32> to vector<16xf32>
      %parallel_loop3A_669 = arith.addf %parallel_loop3A_662, %parallel_loop3A_668 : vector<16xf32>
      %parallel_loop3A_670 = arith.constant 0.000000e+00 : f32
      %parallel_loop3A_671 = vector.broadcast %parallel_loop3A_670 : f32 to vector<16xf32>
      %parallel_loop3A_672 = arith.maximumf %parallel_loop3A_669, %parallel_loop3A_671 : vector<16xf32>
      %parallel_loop3A_673 = arith.constant 1 : i32
      %parallel_loop3A_674 = arith.index_cast %parallel_loop3A_673 : i32 to index
      %parallel_loop3A_675 = arith.index_cast %parallel_loop3A_610 : i32 to index
      %parallel_loop3A_676 = arith.constant 32 : index
      %parallel_loop3A_677 = tpu.vector_load %arg8[%parallel_loop3A_674, %parallel_loop3A_675, %parallel_loop3A_676] {strides = array<i32>} : memref<3x128x64xf32, #tpu.memory_space<vmem>>, vector<1x1x16xf32>,
      %parallel_loop3A_678 = vector.shape_cast %parallel_loop3A_677 : vector<1x1x16xf32> to vector<16xf32>
      %parallel_loop3A_679 = vector.shape_cast %parallel_loop3A_672 : vector<16xf32> to vector<1x1x16xf32>
      tpu.vector_store %arg8[%parallel_loop3A_674, %parallel_loop3A_675, %parallel_loop3A_676], %parallel_loop3A_679 {strides = array<i32>} : memref<3x128x64xf32, #tpu.memory_space<vmem>>, vector<1x1x16xf32>,
      %parallel_loop3A_680 = arith.constant 1 : i32
      %parallel_loop3A_681 = arith.index_cast %parallel_loop3A_680 : i32 to index
      %parallel_loop3A_682 = arith.index_cast %parallel_loop3A_610 : i32 to index
      %parallel_loop3A_683 = arith.constant 48 : index
      %parallel_loop3A_684 = tpu.vector_load %arg8[%parallel_loop3A_681, %parallel_loop3A_682, %parallel_loop3A_683] {strides = array<i32>} : memref<3x128x64xf32, #tpu.memory_space<vmem>>, vector<1x1x16xf32>,
      %parallel_loop3A_685 = vector.shape_cast %parallel_loop3A_684 : vector<1x1x16xf32> to vector<16xf32>
      %parallel_loop3A_686 = arith.constant 1 : i32
      %parallel_loop3A_687 = arith.index_cast %parallel_loop3A_686 : i32 to index
      %parallel_loop3A_688 = arith.index_cast %parallel_loop3A_610 : i32 to index
      %parallel_loop3A_689 = arith.constant 48 : index
      %parallel_loop3A_690 = tpu.vector_load %arg9[%parallel_loop3A_687, %parallel_loop3A_688, %parallel_loop3A_689] {strides = array<i32>} : memref<3x128x64xf32, #tpu.memory_space<vmem>>, vector<1x1x16xf32>,
      %parallel_loop3A_691 = vector.shape_cast %parallel_loop3A_690 : vector<1x1x16xf32> to vector<16xf32>
      %parallel_loop3A_692 = arith.addf %parallel_loop3A_685, %parallel_loop3A_691 : vector<16xf32>
      %parallel_loop3A_693 = arith.constant 0.000000e+00 : f32
      %parallel_loop3A_694 = vector.broadcast %parallel_loop3A_693 : f32 to vector<16xf32>
      %parallel_loop3A_695 = arith.maximumf %parallel_loop3A_692, %parallel_loop3A_694 : vector<16xf32>
      %parallel_loop3A_696 = arith.constant 1 : i32
      %parallel_loop3A_697 = arith.index_cast %parallel_loop3A_696 : i32 to index
      %parallel_loop3A_698 = arith.index_cast %parallel_loop3A_610 : i32 to index
      %parallel_loop3A_699 = arith.constant 48 : index
      %parallel_loop3A_700 = tpu.vector_load %arg8[%parallel_loop3A_697, %parallel_loop3A_698, %parallel_loop3A_699] {strides = array<i32>} : memref<3x128x64xf32, #tpu.memory_space<vmem>>, vector<1x1x16xf32>,
      %parallel_loop3A_701 = vector.shape_cast %parallel_loop3A_700 : vector<1x1x16xf32> to vector<16xf32>
      %parallel_loop3A_702 = vector.shape_cast %parallel_loop3A_695 : vector<16xf32> to vector<1x1x16xf32>
      tpu.vector_store %arg8[%parallel_loop3A_697, %parallel_loop3A_698, %parallel_loop3A_699], %parallel_loop3A_702 {strides = array<i32>} : memref<3x128x64xf32, #tpu.memory_space<vmem>>, vector<1x1x16xf32>,
    } {sc.loop_unroll_factor = 4 : i64, sc.parallel_access}
    %dma_start3A_368 = arith.constant 1 : i32
    %dma_start3A_369 = arith.constant 4 : i32
    %dma_start3A_370 = arith.constant 0 : i32
    %dma_start3A_371 = arith.constant 0 : i32
    %dma_start3A_372 = tpu.memref_slice %arg8[%dma_start3A_368, %dma_start3A_370, %dma_start3A_371] : memref<3x128x64xf32, #tpu.memory_space<vmem>> -> memref<1x128x64xf32, #tpu.memory_space<vmem>>
    %dma_start3A_373 = tpu.memref_squeeze %dma_start3A_372 : memref<1x128x64xf32, #tpu.memory_space<vmem>> -> memref<128x64xf32, #tpu.memory_space<vmem>>
    %dma_start3A_374 = arith.constant 0 : i32
    %dma_start3A_375 = tpu.memref_slice %arg6[%dma_start3A_369, %dma_start3A_374] : memref<8x128xi32, #tpu.memory_space<vmem>> -> memref<1x128xi32, #tpu.memory_space<vmem>>
    %dma_start3A_376 = tpu.memref_squeeze %dma_start3A_375 : memref<1x128xi32, #tpu.memory_space<vmem>> -> memref<128xi32, #tpu.memory_space<vmem>>
    %dma_start3A_377 = arith.constant 0 : i32
    %dma_start3A_378 = arith.constant 0 : i32
    %dma_start3A_379 = tpu.memref_slice %arg11[%dma_start3A_377, %dma_start3A_378] : memref<1024x64xf32, #tpu.memory_space<vmem_shared>> -> memref<1024x64xf32, #tpu.memory_space<vmem_shared>>
    tpu.enqueue_indirect_dma source(%dma_start3A_373 : memref<128x64xf32, #tpu.memory_space<vmem>>) target(%dma_start3A_379 : memref<1024x64xf32, #tpu.memory_space<vmem_shared>>) offsets(%dma_start3A_376 : memref<128xi32, #tpu.memory_space<vmem>>) semaphore(%arg14 : memref<!tpu.dma_semaphore, #tpu.memory_space<semaphore_mem>>) {add = true}
    %dma_wait3A_380 = arith.constant 0 : i32
    %dma_wait3A_381 = arith.constant 3 : i32
    %dma_wait3A_382 = arith.constant 0 : i32
    %dma_wait3A_383 = arith.constant 0 : i32
    %dma_wait3A_384 = tpu.memref_slice %arg8[%dma_wait3A_380, %dma_wait3A_382, %dma_wait3A_383] : memref<3x128x64xf32, #tpu.memory_space<vmem>> -> memref<1x128x64xf32, #tpu.memory_space<vmem>>
    %dma_wait3A_385 = tpu.memref_squeeze %dma_wait3A_384 : memref<1x128x64xf32, #tpu.memory_space<vmem>> -> memref<128x64xf32, #tpu.memory_space<vmem>>
    %dma_wait3A_386 = arith.constant 0 : i32
    %dma_wait3A_387 = tpu.memref_slice %arg6[%dma_wait3A_381, %dma_wait3A_386] : memref<8x128xi32, #tpu.memory_space<vmem>> -> memref<1x128xi32, #tpu.memory_space<vmem>>
    %dma_wait3A_388 = tpu.memref_squeeze %dma_wait3A_387 : memref<1x128xi32, #tpu.memory_space<vmem>> -> memref<128xi32, #tpu.memory_space<vmem>>
    %dma_wait3A_389 = arith.constant 0 : i32
    %dma_wait3A_390 = arith.constant 0 : i32
    %dma_wait3A_391 = tpu.memref_slice %arg11[%dma_wait3A_389, %dma_wait3A_390] : memref<1024x64xf32, #tpu.memory_space<vmem_shared>> -> memref<1024x64xf32, #tpu.memory_space<vmem_shared>>
    tpu.wait_indirect_dma semaphore(%arg14 : memref<!tpu.dma_semaphore, #tpu.memory_space<semaphore_mem>>) src(%dma_wait3A_385 : memref<128x64xf32, #tpu.memory_space<vmem>>) dst(%dma_wait3A_391 : memref<1024x64xf32, #tpu.memory_space<vmem_shared>>)
    %dma_start3A_392 = arith.constant 6 : i32
    %dma_start3A_393 = arith.constant 0 : i32
    %dma_start3A_394 = arith.constant 0 : i32
    %dma_start3A_395 = arith.constant 0 : i32
    %dma_start3A_396 = tpu.memref_slice %arg8[%dma_start3A_393, %dma_start3A_394, %dma_start3A_395] : memref<3x128x64xf32, #tpu.memory_space<vmem>> -> memref<1x128x64xf32, #tpu.memory_space<vmem>>
    %dma_start3A_397 = tpu.memref_squeeze %dma_start3A_396 : memref<1x128x64xf32, #tpu.memory_space<vmem>> -> memref<128x64xf32, #tpu.memory_space<vmem>>
    %dma_start3A_398 = arith.constant 0 : i32
    %dma_start3A_399 = tpu.memref_slice %arg6[%dma_start3A_392, %dma_start3A_398] : memref<8x128xi32, #tpu.memory_space<vmem>> -> memref<1x128xi32, #tpu.memory_space<vmem>>
    %dma_start3A_400 = tpu.memref_squeeze %dma_start3A_399 : memref<1x128xi32, #tpu.memory_space<vmem>> -> memref<128xi32, #tpu.memory_space<vmem>>
    %dma_start3A_401 = arith.constant 0 : i32
    %dma_start3A_402 = arith.constant 0 : i32
    %dma_start3A_403 = tpu.memref_slice %arg2[%dma_start3A_401, %dma_start3A_402] : memref<1024x64xf32, #tpu.memory_space<hbm>> -> memref<1024x64xf32, #tpu.memory_space<hbm>>
    tpu.enqueue_indirect_dma source(%dma_start3A_403 : memref<1024x64xf32, #tpu.memory_space<hbm>>) target(%dma_start3A_397 : memref<128x64xf32, #tpu.memory_space<vmem>>) offsets(%dma_start3A_400 : memref<128xi32, #tpu.memory_space<vmem>>) semaphore(%arg12 : memref<!tpu.dma_semaphore, #tpu.memory_space<semaphore_mem>>)
    %dma_start3A_404 = arith.constant 6 : i32
    %dma_start3A_405 = arith.constant 0 : i32
    %dma_start3A_406 = arith.constant 0 : i32
    %dma_start3A_407 = arith.constant 0 : i32
    %dma_start3A_408 = tpu.memref_slice %arg9[%dma_start3A_405, %dma_start3A_406, %dma_start3A_407] : memref<3x128x64xf32, #tpu.memory_space<vmem>> -> memref<1x128x64xf32, #tpu.memory_space<vmem>>
    %dma_start3A_409 = tpu.memref_squeeze %dma_start3A_408 : memref<1x128x64xf32, #tpu.memory_space<vmem>> -> memref<128x64xf32, #tpu.memory_space<vmem>>
    %dma_start3A_410 = arith.constant 0 : i32
    %dma_start3A_411 = tpu.memref_slice %arg7[%dma_start3A_404, %dma_start3A_410] : memref<8x128xi32, #tpu.memory_space<vmem>> -> memref<1x128xi32, #tpu.memory_space<vmem>>
    %dma_start3A_412 = tpu.memref_squeeze %dma_start3A_411 : memref<1x128xi32, #tpu.memory_space<vmem>> -> memref<128xi32, #tpu.memory_space<vmem>>
    %dma_start3A_413 = arith.constant 0 : i32
    %dma_start3A_414 = arith.constant 0 : i32
    %dma_start3A_415 = tpu.memref_slice %arg3[%dma_start3A_413, %dma_start3A_414] : memref<1024x64xf32, #tpu.memory_space<hbm>> -> memref<1024x64xf32, #tpu.memory_space<hbm>>
    tpu.enqueue_indirect_dma source(%dma_start3A_415 : memref<1024x64xf32, #tpu.memory_space<hbm>>) target(%dma_start3A_409 : memref<128x64xf32, #tpu.memory_space<vmem>>) offsets(%dma_start3A_412 : memref<128xi32, #tpu.memory_space<vmem>>) semaphore(%arg13 : memref<!tpu.dma_semaphore, #tpu.memory_space<semaphore_mem>>)
    %dma_wait3A_416 = arith.constant 5 : i32
    %dma_wait3A_417 = arith.constant 2 : i32
    %dma_wait3A_418 = arith.constant 0 : i32
    %dma_wait3A_419 = arith.constant 0 : i32
    %dma_wait3A_420 = tpu.memref_slice %arg8[%dma_wait3A_417, %dma_wait3A_418, %dma_wait3A_419] : memref<3x128x64xf32, #tpu.memory_space<vmem>> -> memref<1x128x64xf32, #tpu.memory_space<vmem>>
    %dma_wait3A_421 = tpu.memref_squeeze %dma_wait3A_420 : memref<1x128x64xf32, #tpu.memory_space<vmem>> -> memref<128x64xf32, #tpu.memory_space<vmem>>
    %dma_wait3A_422 = arith.constant 0 : i32
    %dma_wait3A_423 = tpu.memref_slice %arg6[%dma_wait3A_416, %dma_wait3A_422] : memref<8x128xi32, #tpu.memory_space<vmem>> -> memref<1x128xi32, #tpu.memory_space<vmem>>
    %dma_wait3A_424 = tpu.memref_squeeze %dma_wait3A_423 : memref<1x128xi32, #tpu.memory_space<vmem>> -> memref<128xi32, #tpu.memory_space<vmem>>
    %dma_wait3A_425 = arith.constant 0 : i32
    %dma_wait3A_426 = arith.constant 0 : i32
    %dma_wait3A_427 = tpu.memref_slice %arg2[%dma_wait3A_425, %dma_wait3A_426] : memref<1024x64xf32, #tpu.memory_space<hbm>> -> memref<1024x64xf32, #tpu.memory_space<hbm>>
    tpu.wait_indirect_dma semaphore(%arg12 : memref<!tpu.dma_semaphore, #tpu.memory_space<semaphore_mem>>) src(%dma_wait3A_427 : memref<1024x64xf32, #tpu.memory_space<hbm>>) dst(%dma_wait3A_421 : memref<128x64xf32, #tpu.memory_space<vmem>>)
    %dma_wait3A_428 = arith.constant 5 : i32
    %dma_wait3A_429 = arith.constant 2 : i32
    %dma_wait3A_430 = arith.constant 0 : i32
    %dma_wait3A_431 = arith.constant 0 : i32
    %dma_wait3A_432 = tpu.memref_slice %arg9[%dma_wait3A_429, %dma_wait3A_430, %dma_wait3A_431] : memref<3x128x64xf32, #tpu.memory_space<vmem>> -> memref<1x128x64xf32, #tpu.memory_space<vmem>>
    %dma_wait3A_433 = tpu.memref_squeeze %dma_wait3A_432 : memref<1x128x64xf32, #tpu.memory_space<vmem>> -> memref<128x64xf32, #tpu.memory_space<vmem>>
    %dma_wait3A_434 = arith.constant 0 : i32
    %dma_wait3A_435 = tpu.memref_slice %arg7[%dma_wait3A_428, %dma_wait3A_434] : memref<8x128xi32, #tpu.memory_space<vmem>> -> memref<1x128xi32, #tpu.memory_space<vmem>>
    %dma_wait3A_436 = tpu.memref_squeeze %dma_wait3A_435 : memref<1x128xi32, #tpu.memory_space<vmem>> -> memref<128xi32, #tpu.memory_space<vmem>>
    %dma_wait3A_437 = arith.constant 0 : i32
    %dma_wait3A_438 = arith.constant 0 : i32
    %dma_wait3A_439 = tpu.memref_slice %arg3[%dma_wait3A_437, %dma_wait3A_438] : memref<1024x64xf32, #tpu.memory_space<hbm>> -> memref<1024x64xf32, #tpu.memory_space<hbm>>
    tpu.wait_indirect_dma semaphore(%arg13 : memref<!tpu.dma_semaphore, #tpu.memory_space<semaphore_mem>>) src(%dma_wait3A_439 : memref<1024x64xf32, #tpu.memory_space<hbm>>) dst(%dma_wait3A_433 : memref<128x64xf32, #tpu.memory_space<vmem>>)
    %parallel_loop3A_440 = arith.constant 0 : i32
    %parallel_loop3A_441 = arith.constant 128 : i32
    %parallel_loop3A_442 = arith.constant 1 : i32
    scf.for %parallel_loop3A_610 = %parallel_loop3A_440 to %parallel_loop3A_441 step %parallel_loop3A_442  : i32 {
      %parallel_loop3A_611 = arith.constant 2 : i32
      %parallel_loop3A_612 = arith.index_cast %parallel_loop3A_611 : i32 to index
      %parallel_loop3A_613 = arith.index_cast %parallel_loop3A_610 : i32 to index
      %parallel_loop3A_614 = arith.constant 0 : index
      %parallel_loop3A_615 = tpu.vector_load %arg8[%parallel_loop3A_612, %parallel_loop3A_613, %parallel_loop3A_614] {strides = array<i32>} : memref<3x128x64xf32, #tpu.memory_space<vmem>>, vector<1x1x16xf32>,
      %parallel_loop3A_616 = vector.shape_cast %parallel_loop3A_615 : vector<1x1x16xf32> to vector<16xf32>
      %parallel_loop3A_617 = arith.constant 2 : i32
      %parallel_loop3A_618 = arith.index_cast %parallel_loop3A_617 : i32 to index
      %parallel_loop3A_619 = arith.index_cast %parallel_loop3A_610 : i32 to index
      %parallel_loop3A_620 = arith.constant 0 : index
      %parallel_loop3A_621 = tpu.vector_load %arg9[%parallel_loop3A_618, %parallel_loop3A_619, %parallel_loop3A_620] {strides = array<i32>} : memref<3x128x64xf32, #tpu.memory_space<vmem>>, vector<1x1x16xf32>,
      %parallel_loop3A_622 = vector.shape_cast %parallel_loop3A_621 : vector<1x1x16xf32> to vector<16xf32>
      %parallel_loop3A_623 = arith.addf %parallel_loop3A_616, %parallel_loop3A_622 : vector<16xf32>
      %parallel_loop3A_624 = arith.constant 0.000000e+00 : f32
      %parallel_loop3A_625 = vector.broadcast %parallel_loop3A_624 : f32 to vector<16xf32>
      %parallel_loop3A_626 = arith.maximumf %parallel_loop3A_623, %parallel_loop3A_625 : vector<16xf32>
      %parallel_loop3A_627 = arith.constant 2 : i32
      %parallel_loop3A_628 = arith.index_cast %parallel_loop3A_627 : i32 to index
      %parallel_loop3A_629 = arith.index_cast %parallel_loop3A_610 : i32 to index
      %parallel_loop3A_630 = arith.constant 0 : index
      %parallel_loop3A_631 = tpu.vector_load %arg8[%parallel_loop3A_628, %parallel_loop3A_629, %parallel_loop3A_630] {strides = array<i32>} : memref<3x128x64xf32, #tpu.memory_space<vmem>>, vector<1x1x16xf32>,
      %parallel_loop3A_632 = vector.shape_cast %parallel_loop3A_631 : vector<1x1x16xf32> to vector<16xf32>
      %parallel_loop3A_633 = vector.shape_cast %parallel_loop3A_626 : vector<16xf32> to vector<1x1x16xf32>
      tpu.vector_store %arg8[%parallel_loop3A_628, %parallel_loop3A_629, %parallel_loop3A_630], %parallel_loop3A_633 {strides = array<i32>} : memref<3x128x64xf32, #tpu.memory_space<vmem>>, vector<1x1x16xf32>,
      %parallel_loop3A_634 = arith.constant 2 : i32
      %parallel_loop3A_635 = arith.index_cast %parallel_loop3A_634 : i32 to index
      %parallel_loop3A_636 = arith.index_cast %parallel_loop3A_610 : i32 to index
      %parallel_loop3A_637 = arith.constant 16 : index
      %parallel_loop3A_638 = tpu.vector_load %arg8[%parallel_loop3A_635, %parallel_loop3A_636, %parallel_loop3A_637] {strides = array<i32>} : memref<3x128x64xf32, #tpu.memory_space<vmem>>, vector<1x1x16xf32>,
      %parallel_loop3A_639 = vector.shape_cast %parallel_loop3A_638 : vector<1x1x16xf32> to vector<16xf32>
      %parallel_loop3A_640 = arith.constant 2 : i32
      %parallel_loop3A_641 = arith.index_cast %parallel_loop3A_640 : i32 to index
      %parallel_loop3A_642 = arith.index_cast %parallel_loop3A_610 : i32 to index
      %parallel_loop3A_643 = arith.constant 16 : index
      %parallel_loop3A_644 = tpu.vector_load %arg9[%parallel_loop3A_641, %parallel_loop3A_642, %parallel_loop3A_643] {strides = array<i32>} : memref<3x128x64xf32, #tpu.memory_space<vmem>>, vector<1x1x16xf32>,
      %parallel_loop3A_645 = vector.shape_cast %parallel_loop3A_644 : vector<1x1x16xf32> to vector<16xf32>
      %parallel_loop3A_646 = arith.addf %parallel_loop3A_639, %parallel_loop3A_645 : vector<16xf32>
      %parallel_loop3A_647 = arith.constant 0.000000e+00 : f32
      %parallel_loop3A_648 = vector.broadcast %parallel_loop3A_647 : f32 to vector<16xf32>
      %parallel_loop3A_649 = arith.maximumf %parallel_loop3A_646, %parallel_loop3A_648 : vector<16xf32>
      %parallel_loop3A_650 = arith.constant 2 : i32
      %parallel_loop3A_651 = arith.index_cast %parallel_loop3A_650 : i32 to index
      %parallel_loop3A_652 = arith.index_cast %parallel_loop3A_610 : i32 to index
      %parallel_loop3A_653 = arith.constant 16 : index
      %parallel_loop3A_654 = tpu.vector_load %arg8[%parallel_loop3A_651, %parallel_loop3A_652, %parallel_loop3A_653] {strides = array<i32>} : memref<3x128x64xf32, #tpu.memory_space<vmem>>, vector<1x1x16xf32>,
      %parallel_loop3A_655 = vector.shape_cast %parallel_loop3A_654 : vector<1x1x16xf32> to vector<16xf32>
      %parallel_loop3A_656 = vector.shape_cast %parallel_loop3A_649 : vector<16xf32> to vector<1x1x16xf32>
      tpu.vector_store %arg8[%parallel_loop3A_651, %parallel_loop3A_652, %parallel_loop3A_653], %parallel_loop3A_656 {strides = array<i32>} : memref<3x128x64xf32, #tpu.memory_space<vmem>>, vector<1x1x16xf32>,
      %parallel_loop3A_657 = arith.constant 2 : i32
      %parallel_loop3A_658 = arith.index_cast %parallel_loop3A_657 : i32 to index
      %parallel_loop3A_659 = arith.index_cast %parallel_loop3A_610 : i32 to index
      %parallel_loop3A_660 = arith.constant 32 : index
      %parallel_loop3A_661 = tpu.vector_load %arg8[%parallel_loop3A_658, %parallel_loop3A_659, %parallel_loop3A_660] {strides = array<i32>} : memref<3x128x64xf32, #tpu.memory_space<vmem>>, vector<1x1x16xf32>,
      %parallel_loop3A_662 = vector.shape_cast %parallel_loop3A_661 : vector<1x1x16xf32> to vector<16xf32>
      %parallel_loop3A_663 = arith.constant 2 : i32
      %parallel_loop3A_664 = arith.index_cast %parallel_loop3A_663 : i32 to index
      %parallel_loop3A_665 = arith.index_cast %parallel_loop3A_610 : i32 to index
      %parallel_loop3A_666 = arith.constant 32 : index
      %parallel_loop3A_667 = tpu.vector_load %arg9[%parallel_loop3A_664, %parallel_loop3A_665, %parallel_loop3A_666] {strides = array<i32>} : memref<3x128x64xf32, #tpu.memory_space<vmem>>, vector<1x1x16xf32>,
      %parallel_loop3A_668 = vector.shape_cast %parallel_loop3A_667 : vector<1x1x16xf32> to vector<16xf32>
      %parallel_loop3A_669 = arith.addf %parallel_loop3A_662, %parallel_loop3A_668 : vector<16xf32>
      %parallel_loop3A_670 = arith.constant 0.000000e+00 : f32
      %parallel_loop3A_671 = vector.broadcast %parallel_loop3A_670 : f32 to vector<16xf32>
      %parallel_loop3A_672 = arith.maximumf %parallel_loop3A_669, %parallel_loop3A_671 : vector<16xf32>
      %parallel_loop3A_673 = arith.constant 2 : i32
      %parallel_loop3A_674 = arith.index_cast %parallel_loop3A_673 : i32 to index
      %parallel_loop3A_675 = arith.index_cast %parallel_loop3A_610 : i32 to index
      %parallel_loop3A_676 = arith.constant 32 : index
      %parallel_loop3A_677 = tpu.vector_load %arg8[%parallel_loop3A_674, %parallel_loop3A_675, %parallel_loop3A_676] {strides = array<i32>} : memref<3x128x64xf32, #tpu.memory_space<vmem>>, vector<1x1x16xf32>,
      %parallel_loop3A_678 = vector.shape_cast %parallel_loop3A_677 : vector<1x1x16xf32> to vector<16xf32>
      %parallel_loop3A_679 = vector.shape_cast %parallel_loop3A_672 : vector<16xf32> to vector<1x1x16xf32>
      tpu.vector_store %arg8[%parallel_loop3A_674, %parallel_loop3A_675, %parallel_loop3A_676], %parallel_loop3A_679 {strides = array<i32>} : memref<3x128x64xf32, #tpu.memory_space<vmem>>, vector<1x1x16xf32>,
      %parallel_loop3A_680 = arith.constant 2 : i32
      %parallel_loop3A_681 = arith.index_cast %parallel_loop3A_680 : i32 to index
      %parallel_loop3A_682 = arith.index_cast %parallel_loop3A_610 : i32 to index
      %parallel_loop3A_683 = arith.constant 48 : index
      %parallel_loop3A_684 = tpu.vector_load %arg8[%parallel_loop3A_681, %parallel_loop3A_682, %parallel_loop3A_683] {strides = array<i32>} : memref<3x128x64xf32, #tpu.memory_space<vmem>>, vector<1x1x16xf32>,
      %parallel_loop3A_685 = vector.shape_cast %parallel_loop3A_684 : vector<1x1x16xf32> to vector<16xf32>
      %parallel_loop3A_686 = arith.constant 2 : i32
      %parallel_loop3A_687 = arith.index_cast %parallel_loop3A_686 : i32 to index
      %parallel_loop3A_688 = arith.index_cast %parallel_loop3A_610 : i32 to index
      %parallel_loop3A_689 = arith.constant 48 : index
      %parallel_loop3A_690 = tpu.vector_load %arg9[%parallel_loop3A_687, %parallel_loop3A_688, %parallel_loop3A_689] {strides = array<i32>} : memref<3x128x64xf32, #tpu.memory_space<vmem>>, vector<1x1x16xf32>,
      %parallel_loop3A_691 = vector.shape_cast %parallel_loop3A_690 : vector<1x1x16xf32> to vector<16xf32>
      %parallel_loop3A_692 = arith.addf %parallel_loop3A_685, %parallel_loop3A_691 : vector<16xf32>
      %parallel_loop3A_693 = arith.constant 0.000000e+00 : f32
      %parallel_loop3A_694 = vector.broadcast %parallel_loop3A_693 : f32 to vector<16xf32>
      %parallel_loop3A_695 = arith.maximumf %parallel_loop3A_692, %parallel_loop3A_694 : vector<16xf32>
      %parallel_loop3A_696 = arith.constant 2 : i32
      %parallel_loop3A_697 = arith.index_cast %parallel_loop3A_696 : i32 to index
      %parallel_loop3A_698 = arith.index_cast %parallel_loop3A_610 : i32 to index
      %parallel_loop3A_699 = arith.constant 48 : index
      %parallel_loop3A_700 = tpu.vector_load %arg8[%parallel_loop3A_697, %parallel_loop3A_698, %parallel_loop3A_699] {strides = array<i32>} : memref<3x128x64xf32, #tpu.memory_space<vmem>>, vector<1x1x16xf32>,
      %parallel_loop3A_701 = vector.shape_cast %parallel_loop3A_700 : vector<1x1x16xf32> to vector<16xf32>
      %parallel_loop3A_702 = vector.shape_cast %parallel_loop3A_695 : vector<16xf32> to vector<1x1x16xf32>
      tpu.vector_store %arg8[%parallel_loop3A_697, %parallel_loop3A_698, %parallel_loop3A_699], %parallel_loop3A_702 {strides = array<i32>} : memref<3x128x64xf32, #tpu.memory_space<vmem>>, vector<1x1x16xf32>,
    } {sc.loop_unroll_factor = 4 : i64, sc.parallel_access}
    %dma_start3A_443 = arith.constant 2 : i32
    %dma_start3A_444 = arith.constant 5 : i32
    %dma_start3A_445 = arith.constant 0 : i32
    %dma_start3A_446 = arith.constant 0 : i32
    %dma_start3A_447 = tpu.memref_slice %arg8[%dma_start3A_443, %dma_start3A_445, %dma_start3A_446] : memref<3x128x64xf32, #tpu.memory_space<vmem>> -> memref<1x128x64xf32, #tpu.memory_space<vmem>>
    %dma_start3A_448 = tpu.memref_squeeze %dma_start3A_447 : memref<1x128x64xf32, #tpu.memory_space<vmem>> -> memref<128x64xf32, #tpu.memory_space<vmem>>
    %dma_start3A_449 = arith.constant 0 : i32
    %dma_start3A_450 = tpu.memref_slice %arg6[%dma_start3A_444, %dma_start3A_449] : memref<8x128xi32, #tpu.memory_space<vmem>> -> memref<1x128xi32, #tpu.memory_space<vmem>>
    %dma_start3A_451 = tpu.memref_squeeze %dma_start3A_450 : memref<1x128xi32, #tpu.memory_space<vmem>> -> memref<128xi32, #tpu.memory_space<vmem>>
    %dma_start3A_452 = arith.constant 0 : i32
    %dma_start3A_453 = arith.constant 0 : i32
    %dma_start3A_454 = tpu.memref_slice %arg11[%dma_start3A_452, %dma_start3A_453] : memref<1024x64xf32, #tpu.memory_space<vmem_shared>> -> memref<1024x64xf32, #tpu.memory_space<vmem_shared>>
    tpu.enqueue_indirect_dma source(%dma_start3A_448 : memref<128x64xf32, #tpu.memory_space<vmem>>) target(%dma_start3A_454 : memref<1024x64xf32, #tpu.memory_space<vmem_shared>>) offsets(%dma_start3A_451 : memref<128xi32, #tpu.memory_space<vmem>>) semaphore(%arg14 : memref<!tpu.dma_semaphore, #tpu.memory_space<semaphore_mem>>) {add = true}
    %dma_wait3A_455 = arith.constant 1 : i32
    %dma_wait3A_456 = arith.constant 4 : i32
    %dma_wait3A_457 = arith.constant 0 : i32
    %dma_wait3A_458 = arith.constant 0 : i32
    %dma_wait3A_459 = tpu.memref_slice %arg8[%dma_wait3A_455, %dma_wait3A_457, %dma_wait3A_458] : memref<3x128x64xf32, #tpu.memory_space<vmem>> -> memref<1x128x64xf32, #tpu.memory_space<vmem>>
    %dma_wait3A_460 = tpu.memref_squeeze %dma_wait3A_459 : memref<1x128x64xf32, #tpu.memory_space<vmem>> -> memref<128x64xf32, #tpu.memory_space<vmem>>
    %dma_wait3A_461 = arith.constant 0 : i32
    %dma_wait3A_462 = tpu.memref_slice %arg6[%dma_wait3A_456, %dma_wait3A_461] : memref<8x128xi32, #tpu.memory_space<vmem>> -> memref<1x128xi32, #tpu.memory_space<vmem>>
    %dma_wait3A_463 = tpu.memref_squeeze %dma_wait3A_462 : memref<1x128xi32, #tpu.memory_space<vmem>> -> memref<128xi32, #tpu.memory_space<vmem>>
    %dma_wait3A_464 = arith.constant 0 : i32
    %dma_wait3A_465 = arith.constant 0 : i32
    %dma_wait3A_466 = tpu.memref_slice %arg11[%dma_wait3A_464, %dma_wait3A_465] : memref<1024x64xf32, #tpu.memory_space<vmem_shared>> -> memref<1024x64xf32, #tpu.memory_space<vmem_shared>>
    tpu.wait_indirect_dma semaphore(%arg14 : memref<!tpu.dma_semaphore, #tpu.memory_space<semaphore_mem>>) src(%dma_wait3A_460 : memref<128x64xf32, #tpu.memory_space<vmem>>) dst(%dma_wait3A_466 : memref<1024x64xf32, #tpu.memory_space<vmem_shared>>)
    %dma_start3A_467 = arith.constant 7 : i32
    %dma_start3A_468 = arith.constant 1 : i32
    %dma_start3A_469 = arith.constant 0 : i32
    %dma_start3A_470 = arith.constant 0 : i32
    %dma_start3A_471 = tpu.memref_slice %arg8[%dma_start3A_468, %dma_start3A_469, %dma_start3A_470] : memref<3x128x64xf32, #tpu.memory_space<vmem>> -> memref<1x128x64xf32, #tpu.memory_space<vmem>>
    %dma_start3A_472 = tpu.memref_squeeze %dma_start3A_471 : memref<1x128x64xf32, #tpu.memory_space<vmem>> -> memref<128x64xf32, #tpu.memory_space<vmem>>
    %dma_start3A_473 = arith.constant 0 : i32
    %dma_start3A_474 = tpu.memref_slice %arg6[%dma_start3A_467, %dma_start3A_473] : memref<8x128xi32, #tpu.memory_space<vmem>> -> memref<1x128xi32, #tpu.memory_space<vmem>>
    %dma_start3A_475 = tpu.memref_squeeze %dma_start3A_474 : memref<1x128xi32, #tpu.memory_space<vmem>> -> memref<128xi32, #tpu.memory_space<vmem>>
    %dma_start3A_476 = arith.constant 0 : i32
    %dma_start3A_477 = arith.constant 0 : i32
    %dma_start3A_478 = tpu.memref_slice %arg2[%dma_start3A_476, %dma_start3A_477] : memref<1024x64xf32, #tpu.memory_space<hbm>> -> memref<1024x64xf32, #tpu.memory_space<hbm>>
    tpu.enqueue_indirect_dma source(%dma_start3A_478 : memref<1024x64xf32, #tpu.memory_space<hbm>>) target(%dma_start3A_472 : memref<128x64xf32, #tpu.memory_space<vmem>>) offsets(%dma_start3A_475 : memref<128xi32, #tpu.memory_space<vmem>>) semaphore(%arg12 : memref<!tpu.dma_semaphore, #tpu.memory_space<semaphore_mem>>)
    %dma_start3A_479 = arith.constant 7 : i32
    %dma_start3A_480 = arith.constant 1 : i32
    %dma_start3A_481 = arith.constant 0 : i32
    %dma_start3A_482 = arith.constant 0 : i32
    %dma_start3A_483 = tpu.memref_slice %arg9[%dma_start3A_480, %dma_start3A_481, %dma_start3A_482] : memref<3x128x64xf32, #tpu.memory_space<vmem>> -> memref<1x128x64xf32, #tpu.memory_space<vmem>>
    %dma_start3A_484 = tpu.memref_squeeze %dma_start3A_483 : memref<1x128x64xf32, #tpu.memory_space<vmem>> -> memref<128x64xf32, #tpu.memory_space<vmem>>
    %dma_start3A_485 = arith.constant 0 : i32
    %dma_start3A_486 = tpu.memref_slice %arg7[%dma_start3A_479, %dma_start3A_485] : memref<8x128xi32, #tpu.memory_space<vmem>> -> memref<1x128xi32, #tpu.memory_space<vmem>>
    %dma_start3A_487 = tpu.memref_squeeze %dma_start3A_486 : memref<1x128xi32, #tpu.memory_space<vmem>> -> memref<128xi32, #tpu.memory_space<vmem>>
    %dma_start3A_488 = arith.constant 0 : i32
    %dma_start3A_489 = arith.constant 0 : i32
    %dma_start3A_490 = tpu.memref_slice %arg3[%dma_start3A_488, %dma_start3A_489] : memref<1024x64xf32, #tpu.memory_space<hbm>> -> memref<1024x64xf32, #tpu.memory_space<hbm>>
    tpu.enqueue_indirect_dma source(%dma_start3A_490 : memref<1024x64xf32, #tpu.memory_space<hbm>>) target(%dma_start3A_484 : memref<128x64xf32, #tpu.memory_space<vmem>>) offsets(%dma_start3A_487 : memref<128xi32, #tpu.memory_space<vmem>>) semaphore(%arg13 : memref<!tpu.dma_semaphore, #tpu.memory_space<semaphore_mem>>)
    %dma_wait3A_491 = arith.constant 6 : i32
    %dma_wait3A_492 = arith.constant 0 : i32
    %dma_wait3A_493 = arith.constant 0 : i32
    %dma_wait3A_494 = arith.constant 0 : i32
    %dma_wait3A_495 = tpu.memref_slice %arg8[%dma_wait3A_492, %dma_wait3A_493, %dma_wait3A_494] : memref<3x128x64xf32, #tpu.memory_space<vmem>> -> memref<1x128x64xf32, #tpu.memory_space<vmem>>
    %dma_wait3A_496 = tpu.memref_squeeze %dma_wait3A_495 : memref<1x128x64xf32, #tpu.memory_space<vmem>> -> memref<128x64xf32, #tpu.memory_space<vmem>>
    %dma_wait3A_497 = arith.constant 0 : i32
    %dma_wait3A_498 = tpu.memref_slice %arg6[%dma_wait3A_491, %dma_wait3A_497] : memref<8x128xi32, #tpu.memory_space<vmem>> -> memref<1x128xi32, #tpu.memory_space<vmem>>
    %dma_wait3A_499 = tpu.memref_squeeze %dma_wait3A_498 : memref<1x128xi32, #tpu.memory_space<vmem>> -> memref<128xi32, #tpu.memory_space<vmem>>
    %dma_wait3A_500 = arith.constant 0 : i32
    %dma_wait3A_501 = arith.constant 0 : i32
    %dma_wait3A_502 = tpu.memref_slice %arg2[%dma_wait3A_500, %dma_wait3A_501] : memref<1024x64xf32, #tpu.memory_space<hbm>> -> memref<1024x64xf32, #tpu.memory_space<hbm>>
    tpu.wait_indirect_dma semaphore(%arg12 : memref<!tpu.dma_semaphore, #tpu.memory_space<semaphore_mem>>) src(%dma_wait3A_502 : memref<1024x64xf32, #tpu.memory_space<hbm>>) dst(%dma_wait3A_496 : memref<128x64xf32, #tpu.memory_space<vmem>>)
    %dma_wait3A_503 = arith.constant 6 : i32
    %dma_wait3A_504 = arith.constant 0 : i32
    %dma_wait3A_505 = arith.constant 0 : i32
    %dma_wait3A_506 = arith.constant 0 : i32
    %dma_wait3A_507 = tpu.memref_slice %arg9[%dma_wait3A_504, %dma_wait3A_505, %dma_wait3A_506] : memref<3x128x64xf32, #tpu.memory_space<vmem>> -> memref<1x128x64xf32, #tpu.memory_space<vmem>>
    %dma_wait3A_508 = tpu.memref_squeeze %dma_wait3A_507 : memref<1x128x64xf32, #tpu.memory_space<vmem>> -> memref<128x64xf32, #tpu.memory_space<vmem>>
    %dma_wait3A_509 = arith.constant 0 : i32
    %dma_wait3A_510 = tpu.memref_slice %arg7[%dma_wait3A_503, %dma_wait3A_509] : memref<8x128xi32, #tpu.memory_space<vmem>> -> memref<1x128xi32, #tpu.memory_space<vmem>>
    %dma_wait3A_511 = tpu.memref_squeeze %dma_wait3A_510 : memref<1x128xi32, #tpu.memory_space<vmem>> -> memref<128xi32, #tpu.memory_space<vmem>>
    %dma_wait3A_512 = arith.constant 0 : i32
    %dma_wait3A_513 = arith.constant 0 : i32
    %dma_wait3A_514 = tpu.memref_slice %arg3[%dma_wait3A_512, %dma_wait3A_513] : memref<1024x64xf32, #tpu.memory_space<hbm>> -> memref<1024x64xf32, #tpu.memory_space<hbm>>
    tpu.wait_indirect_dma semaphore(%arg13 : memref<!tpu.dma_semaphore, #tpu.memory_space<semaphore_mem>>) src(%dma_wait3A_514 : memref<1024x64xf32, #tpu.memory_space<hbm>>) dst(%dma_wait3A_508 : memref<128x64xf32, #tpu.memory_space<vmem>>)
    %parallel_loop3A_515 = arith.constant 0 : i32
    %parallel_loop3A_516 = arith.constant 128 : i32
    %parallel_loop3A_517 = arith.constant 1 : i32
    scf.for %parallel_loop3A_610 = %parallel_loop3A_515 to %parallel_loop3A_516 step %parallel_loop3A_517  : i32 {
      %parallel_loop3A_611 = arith.constant 0 : i32
      %parallel_loop3A_612 = arith.index_cast %parallel_loop3A_611 : i32 to index
      %parallel_loop3A_613 = arith.index_cast %parallel_loop3A_610 : i32 to index
      %parallel_loop3A_614 = arith.constant 0 : index
      %parallel_loop3A_615 = tpu.vector_load %arg8[%parallel_loop3A_612, %parallel_loop3A_613, %parallel_loop3A_614] {strides = array<i32>} : memref<3x128x64xf32, #tpu.memory_space<vmem>>, vector<1x1x16xf32>,
      %parallel_loop3A_616 = vector.shape_cast %parallel_loop3A_615 : vector<1x1x16xf32> to vector<16xf32>
      %parallel_loop3A_617 = arith.constant 0 : i32
      %parallel_loop3A_618 = arith.index_cast %parallel_loop3A_617 : i32 to index
      %parallel_loop3A_619 = arith.index_cast %parallel_loop3A_610 : i32 to index
      %parallel_loop3A_620 = arith.constant 0 : index
      %parallel_loop3A_621 = tpu.vector_load %arg9[%parallel_loop3A_618, %parallel_loop3A_619, %parallel_loop3A_620] {strides = array<i32>} : memref<3x128x64xf32, #tpu.memory_space<vmem>>, vector<1x1x16xf32>,
      %parallel_loop3A_622 = vector.shape_cast %parallel_loop3A_621 : vector<1x1x16xf32> to vector<16xf32>
      %parallel_loop3A_623 = arith.addf %parallel_loop3A_616, %parallel_loop3A_622 : vector<16xf32>
      %parallel_loop3A_624 = arith.constant 0.000000e+00 : f32
      %parallel_loop3A_625 = vector.broadcast %parallel_loop3A_624 : f32 to vector<16xf32>
      %parallel_loop3A_626 = arith.maximumf %parallel_loop3A_623, %parallel_loop3A_625 : vector<16xf32>
      %parallel_loop3A_627 = arith.constant 0 : i32
      %parallel_loop3A_628 = arith.index_cast %parallel_loop3A_627 : i32 to index
      %parallel_loop3A_629 = arith.index_cast %parallel_loop3A_610 : i32 to index
      %parallel_loop3A_630 = arith.constant 0 : index
      %parallel_loop3A_631 = tpu.vector_load %arg8[%parallel_loop3A_628, %parallel_loop3A_629, %parallel_loop3A_630] {strides = array<i32>} : memref<3x128x64xf32, #tpu.memory_space<vmem>>, vector<1x1x16xf32>,
      %parallel_loop3A_632 = vector.shape_cast %parallel_loop3A_631 : vector<1x1x16xf32> to vector<16xf32>
      %parallel_loop3A_633 = vector.shape_cast %parallel_loop3A_626 : vector<16xf32> to vector<1x1x16xf32>
      tpu.vector_store %arg8[%parallel_loop3A_628, %parallel_loop3A_629, %parallel_loop3A_630], %parallel_loop3A_633 {strides = array<i32>} : memref<3x128x64xf32, #tpu.memory_space<vmem>>, vector<1x1x16xf32>,
      %parallel_loop3A_634 = arith.constant 0 : i32
      %parallel_loop3A_635 = arith.index_cast %parallel_loop3A_634 : i32 to index
      %parallel_loop3A_636 = arith.index_cast %parallel_loop3A_610 : i32 to index
      %parallel_loop3A_637 = arith.constant 16 : index
      %parallel_loop3A_638 = tpu.vector_load %arg8[%parallel_loop3A_635, %parallel_loop3A_636, %parallel_loop3A_637] {strides = array<i32>} : memref<3x128x64xf32, #tpu.memory_space<vmem>>, vector<1x1x16xf32>,
      %parallel_loop3A_639 = vector.shape_cast %parallel_loop3A_638 : vector<1x1x16xf32> to vector<16xf32>
      %parallel_loop3A_640 = arith.constant 0 : i32
      %parallel_loop3A_641 = arith.index_cast %parallel_loop3A_640 : i32 to index
      %parallel_loop3A_642 = arith.index_cast %parallel_loop3A_610 : i32 to index
      %parallel_loop3A_643 = arith.constant 16 : index
      %parallel_loop3A_644 = tpu.vector_load %arg9[%parallel_loop3A_641, %parallel_loop3A_642, %parallel_loop3A_643] {strides = array<i32>} : memref<3x128x64xf32, #tpu.memory_space<vmem>>, vector<1x1x16xf32>,
      %parallel_loop3A_645 = vector.shape_cast %parallel_loop3A_644 : vector<1x1x16xf32> to vector<16xf32>
      %parallel_loop3A_646 = arith.addf %parallel_loop3A_639, %parallel_loop3A_645 : vector<16xf32>
      %parallel_loop3A_647 = arith.constant 0.000000e+00 : f32
      %parallel_loop3A_648 = vector.broadcast %parallel_loop3A_647 : f32 to vector<16xf32>
      %parallel_loop3A_649 = arith.maximumf %parallel_loop3A_646, %parallel_loop3A_648 : vector<16xf32>
      %parallel_loop3A_650 = arith.constant 0 : i32
      %parallel_loop3A_651 = arith.index_cast %parallel_loop3A_650 : i32 to index
      %parallel_loop3A_652 = arith.index_cast %parallel_loop3A_610 : i32 to index
      %parallel_loop3A_653 = arith.constant 16 : index
      %parallel_loop3A_654 = tpu.vector_load %arg8[%parallel_loop3A_651, %parallel_loop3A_652, %parallel_loop3A_653] {strides = array<i32>} : memref<3x128x64xf32, #tpu.memory_space<vmem>>, vector<1x1x16xf32>,
      %parallel_loop3A_655 = vector.shape_cast %parallel_loop3A_654 : vector<1x1x16xf32> to vector<16xf32>
      %parallel_loop3A_656 = vector.shape_cast %parallel_loop3A_649 : vector<16xf32> to vector<1x1x16xf32>
      tpu.vector_store %arg8[%parallel_loop3A_651, %parallel_loop3A_652, %parallel_loop3A_653], %parallel_loop3A_656 {strides = array<i32>} : memref<3x128x64xf32, #tpu.memory_space<vmem>>, vector<1x1x16xf32>,
      %parallel_loop3A_657 = arith.constant 0 : i32
      %parallel_loop3A_658 = arith.index_cast %parallel_loop3A_657 : i32 to index
      %parallel_loop3A_659 = arith.index_cast %parallel_loop3A_610 : i32 to index
      %parallel_loop3A_660 = arith.constant 32 : index
      %parallel_loop3A_661 = tpu.vector_load %arg8[%parallel_loop3A_658, %parallel_loop3A_659, %parallel_loop3A_660] {strides = array<i32>} : memref<3x128x64xf32, #tpu.memory_space<vmem>>, vector<1x1x16xf32>,
      %parallel_loop3A_662 = vector.shape_cast %parallel_loop3A_661 : vector<1x1x16xf32> to vector<16xf32>
      %parallel_loop3A_663 = arith.constant 0 : i32
      %parallel_loop3A_664 = arith.index_cast %parallel_loop3A_663 : i32 to index
      %parallel_loop3A_665 = arith.index_cast %parallel_loop3A_610 : i32 to index
      %parallel_loop3A_666 = arith.constant 32 : index
      %parallel_loop3A_667 = tpu.vector_load %arg9[%parallel_loop3A_664, %parallel_loop3A_665, %parallel_loop3A_666] {strides = array<i32>} : memref<3x128x64xf32, #tpu.memory_space<vmem>>, vector<1x1x16xf32>,
      %parallel_loop3A_668 = vector.shape_cast %parallel_loop3A_667 : vector<1x1x16xf32> to vector<16xf32>
      %parallel_loop3A_669 = arith.addf %parallel_loop3A_662, %parallel_loop3A_668 : vector<16xf32>
      %parallel_loop3A_670 = arith.constant 0.000000e+00 : f32
      %parallel_loop3A_671 = vector.broadcast %parallel_loop3A_670 : f32 to vector<16xf32>
      %parallel_loop3A_672 = arith.maximumf %parallel_loop3A_669, %parallel_loop3A_671 : vector<16xf32>
      %parallel_loop3A_673 = arith.constant 0 : i32
      %parallel_loop3A_674 = arith.index_cast %parallel_loop3A_673 : i32 to index
      %parallel_loop3A_675 = arith.index_cast %parallel_loop3A_610 : i32 to index
      %parallel_loop3A_676 = arith.constant 32 : index
      %parallel_loop3A_677 = tpu.vector_load %arg8[%parallel_loop3A_674, %parallel_loop3A_675, %parallel_loop3A_676] {strides = array<i32>} : memref<3x128x64xf32, #tpu.memory_space<vmem>>, vector<1x1x16xf32>,
      %parallel_loop3A_678 = vector.shape_cast %parallel_loop3A_677 : vector<1x1x16xf32> to vector<16xf32>
      %parallel_loop3A_679 = vector.shape_cast %parallel_loop3A_672 : vector<16xf32> to vector<1x1x16xf32>
      tpu.vector_store %arg8[%parallel_loop3A_674, %parallel_loop3A_675, %parallel_loop3A_676], %parallel_loop3A_679 {strides = array<i32>} : memref<3x128x64xf32, #tpu.memory_space<vmem>>, vector<1x1x16xf32>,
      %parallel_loop3A_680 = arith.constant 0 : i32
      %parallel_loop3A_681 = arith.index_cast %parallel_loop3A_680 : i32 to index
      %parallel_loop3A_682 = arith.index_cast %parallel_loop3A_610 : i32 to index
      %parallel_loop3A_683 = arith.constant 48 : index
      %parallel_loop3A_684 = tpu.vector_load %arg8[%parallel_loop3A_681, %parallel_loop3A_682, %parallel_loop3A_683] {strides = array<i32>} : memref<3x128x64xf32, #tpu.memory_space<vmem>>, vector<1x1x16xf32>,
      %parallel_loop3A_685 = vector.shape_cast %parallel_loop3A_684 : vector<1x1x16xf32> to vector<16xf32>
      %parallel_loop3A_686 = arith.constant 0 : i32
      %parallel_loop3A_687 = arith.index_cast %parallel_loop3A_686 : i32 to index
      %parallel_loop3A_688 = arith.index_cast %parallel_loop3A_610 : i32 to index
      %parallel_loop3A_689 = arith.constant 48 : index
      %parallel_loop3A_690 = tpu.vector_load %arg9[%parallel_loop3A_687, %parallel_loop3A_688, %parallel_loop3A_689] {strides = array<i32>} : memref<3x128x64xf32, #tpu.memory_space<vmem>>, vector<1x1x16xf32>,
      %parallel_loop3A_691 = vector.shape_cast %parallel_loop3A_690 : vector<1x1x16xf32> to vector<16xf32>
      %parallel_loop3A_692 = arith.addf %parallel_loop3A_685, %parallel_loop3A_691 : vector<16xf32>
      %parallel_loop3A_693 = arith.constant 0.000000e+00 : f32
      %parallel_loop3A_694 = vector.broadcast %parallel_loop3A_693 : f32 to vector<16xf32>
      %parallel_loop3A_695 = arith.maximumf %parallel_loop3A_692, %parallel_loop3A_694 : vector<16xf32>
      %parallel_loop3A_696 = arith.constant 0 : i32
      %parallel_loop3A_697 = arith.index_cast %parallel_loop3A_696 : i32 to index
      %parallel_loop3A_698 = arith.index_cast %parallel_loop3A_610 : i32 to index
      %parallel_loop3A_699 = arith.constant 48 : index
      %parallel_loop3A_700 = tpu.vector_load %arg8[%parallel_loop3A_697, %parallel_loop3A_698, %parallel_loop3A_699] {strides = array<i32>} : memref<3x128x64xf32, #tpu.memory_space<vmem>>, vector<1x1x16xf32>,
      %parallel_loop3A_701 = vector.shape_cast %parallel_loop3A_700 : vector<1x1x16xf32> to vector<16xf32>
      %parallel_loop3A_702 = vector.shape_cast %parallel_loop3A_695 : vector<16xf32> to vector<1x1x16xf32>
      tpu.vector_store %arg8[%parallel_loop3A_697, %parallel_loop3A_698, %parallel_loop3A_699], %parallel_loop3A_702 {strides = array<i32>} : memref<3x128x64xf32, #tpu.memory_space<vmem>>, vector<1x1x16xf32>,
    } {sc.loop_unroll_factor = 4 : i64, sc.parallel_access}
    %dma_start3A_518 = arith.constant 0 : i32
    %dma_start3A_519 = arith.constant 6 : i32
    %dma_start3A_520 = arith.constant 0 : i32
    %dma_start3A_521 = arith.constant 0 : i32
    %dma_start3A_522 = tpu.memref_slice %arg8[%dma_start3A_518, %dma_start3A_520, %dma_start3A_521] : memref<3x128x64xf32, #tpu.memory_space<vmem>> -> memref<1x128x64xf32, #tpu.memory_space<vmem>>
    %dma_start3A_523 = tpu.memref_squeeze %dma_start3A_522 : memref<1x128x64xf32, #tpu.memory_space<vmem>> -> memref<128x64xf32, #tpu.memory_space<vmem>>
    %dma_start3A_524 = arith.constant 0 : i32
    %dma_start3A_525 = tpu.memref_slice %arg6[%dma_start3A_519, %dma_start3A_524] : memref<8x128xi32, #tpu.memory_space<vmem>> -> memref<1x128xi32, #tpu.memory_space<vmem>>
    %dma_start3A_526 = tpu.memref_squeeze %dma_start3A_525 : memref<1x128xi32, #tpu.memory_space<vmem>> -> memref<128xi32, #tpu.memory_space<vmem>>
    %dma_start3A_527 = arith.constant 0 : i32
    %dma_start3A_528 = arith.constant 0 : i32
    %dma_start3A_529 = tpu.memref_slice %arg11[%dma_start3A_527, %dma_start3A_528] : memref<1024x64xf32, #tpu.memory_space<vmem_shared>> -> memref<1024x64xf32, #tpu.memory_space<vmem_shared>>
    tpu.enqueue_indirect_dma source(%dma_start3A_523 : memref<128x64xf32, #tpu.memory_space<vmem>>) target(%dma_start3A_529 : memref<1024x64xf32, #tpu.memory_space<vmem_shared>>) offsets(%dma_start3A_526 : memref<128xi32, #tpu.memory_space<vmem>>) semaphore(%arg14 : memref<!tpu.dma_semaphore, #tpu.memory_space<semaphore_mem>>) {add = true}
    %dma_wait3A_530 = arith.constant 7 : i32
    %dma_wait3A_531 = arith.constant 1 : i32
    %dma_wait3A_532 = arith.constant 0 : i32
    %dma_wait3A_533 = arith.constant 0 : i32
    %dma_wait3A_534 = tpu.memref_slice %arg8[%dma_wait3A_531, %dma_wait3A_532, %dma_wait3A_533] : memref<3x128x64xf32, #tpu.memory_space<vmem>> -> memref<1x128x64xf32, #tpu.memory_space<vmem>>
    %dma_wait3A_535 = tpu.memref_squeeze %dma_wait3A_534 : memref<1x128x64xf32, #tpu.memory_space<vmem>> -> memref<128x64xf32, #tpu.memory_space<vmem>>
    %dma_wait3A_536 = arith.constant 0 : i32
    %dma_wait3A_537 = tpu.memref_slice %arg6[%dma_wait3A_530, %dma_wait3A_536] : memref<8x128xi32, #tpu.memory_space<vmem>> -> memref<1x128xi32, #tpu.memory_space<vmem>>
    %dma_wait3A_538 = tpu.memref_squeeze %dma_wait3A_537 : memref<1x128xi32, #tpu.memory_space<vmem>> -> memref<128xi32, #tpu.memory_space<vmem>>
    %dma_wait3A_539 = arith.constant 0 : i32
    %dma_wait3A_540 = arith.constant 0 : i32
    %dma_wait3A_541 = tpu.memref_slice %arg2[%dma_wait3A_539, %dma_wait3A_540] : memref<1024x64xf32, #tpu.memory_space<hbm>> -> memref<1024x64xf32, #tpu.memory_space<hbm>>
    tpu.wait_indirect_dma semaphore(%arg12 : memref<!tpu.dma_semaphore, #tpu.memory_space<semaphore_mem>>) src(%dma_wait3A_541 : memref<1024x64xf32, #tpu.memory_space<hbm>>) dst(%dma_wait3A_535 : memref<128x64xf32, #tpu.memory_space<vmem>>)
    %dma_wait3A_542 = arith.constant 7 : i32
    %dma_wait3A_543 = arith.constant 1 : i32
    %dma_wait3A_544 = arith.constant 0 : i32
    %dma_wait3A_545 = arith.constant 0 : i32
    %dma_wait3A_546 = tpu.memref_slice %arg9[%dma_wait3A_543, %dma_wait3A_544, %dma_wait3A_545] : memref<3x128x64xf32, #tpu.memory_space<vmem>> -> memref<1x128x64xf32, #tpu.memory_space<vmem>>
    %dma_wait3A_547 = tpu.memref_squeeze %dma_wait3A_546 : memref<1x128x64xf32, #tpu.memory_space<vmem>> -> memref<128x64xf32, #tpu.memory_space<vmem>>
    %dma_wait3A_548 = arith.constant 0 : i32
    %dma_wait3A_549 = tpu.memref_slice %arg7[%dma_wait3A_542, %dma_wait3A_548] : memref<8x128xi32, #tpu.memory_space<vmem>> -> memref<1x128xi32, #tpu.memory_space<vmem>>
    %dma_wait3A_550 = tpu.memref_squeeze %dma_wait3A_549 : memref<1x128xi32, #tpu.memory_space<vmem>> -> memref<128xi32, #tpu.memory_space<vmem>>
    %dma_wait3A_551 = arith.constant 0 : i32
    %dma_wait3A_552 = arith.constant 0 : i32
    %dma_wait3A_553 = tpu.memref_slice %arg3[%dma_wait3A_551, %dma_wait3A_552] : memref<1024x64xf32, #tpu.memory_space<hbm>> -> memref<1024x64xf32, #tpu.memory_space<hbm>>
    tpu.wait_indirect_dma semaphore(%arg13 : memref<!tpu.dma_semaphore, #tpu.memory_space<semaphore_mem>>) src(%dma_wait3A_553 : memref<1024x64xf32, #tpu.memory_space<hbm>>) dst(%dma_wait3A_547 : memref<128x64xf32, #tpu.memory_space<vmem>>)
    %parallel_loop3A_554 = arith.constant 0 : i32
    %parallel_loop3A_555 = arith.constant 128 : i32
    %parallel_loop3A_556 = arith.constant 1 : i32
    scf.for %parallel_loop3A_610 = %parallel_loop3A_554 to %parallel_loop3A_555 step %parallel_loop3A_556  : i32 {
      %parallel_loop3A_611 = arith.constant 1 : i32
      %parallel_loop3A_612 = arith.index_cast %parallel_loop3A_611 : i32 to index
      %parallel_loop3A_613 = arith.index_cast %parallel_loop3A_610 : i32 to index
      %parallel_loop3A_614 = arith.constant 0 : index
      %parallel_loop3A_615 = tpu.vector_load %arg8[%parallel_loop3A_612, %parallel_loop3A_613, %parallel_loop3A_614] {strides = array<i32>} : memref<3x128x64xf32, #tpu.memory_space<vmem>>, vector<1x1x16xf32>,
      %parallel_loop3A_616 = vector.shape_cast %parallel_loop3A_615 : vector<1x1x16xf32> to vector<16xf32>
      %parallel_loop3A_617 = arith.constant 1 : i32
      %parallel_loop3A_618 = arith.index_cast %parallel_loop3A_617 : i32 to index
      %parallel_loop3A_619 = arith.index_cast %parallel_loop3A_610 : i32 to index
      %parallel_loop3A_620 = arith.constant 0 : index
      %parallel_loop3A_621 = tpu.vector_load %arg9[%parallel_loop3A_618, %parallel_loop3A_619, %parallel_loop3A_620] {strides = array<i32>} : memref<3x128x64xf32, #tpu.memory_space<vmem>>, vector<1x1x16xf32>,
      %parallel_loop3A_622 = vector.shape_cast %parallel_loop3A_621 : vector<1x1x16xf32> to vector<16xf32>
      %parallel_loop3A_623 = arith.addf %parallel_loop3A_616, %parallel_loop3A_622 : vector<16xf32>
      %parallel_loop3A_624 = arith.constant 0.000000e+00 : f32
      %parallel_loop3A_625 = vector.broadcast %parallel_loop3A_624 : f32 to vector<16xf32>
      %parallel_loop3A_626 = arith.maximumf %parallel_loop3A_623, %parallel_loop3A_625 : vector<16xf32>
      %parallel_loop3A_627 = arith.constant 1 : i32
      %parallel_loop3A_628 = arith.index_cast %parallel_loop3A_627 : i32 to index
      %parallel_loop3A_629 = arith.index_cast %parallel_loop3A_610 : i32 to index
      %parallel_loop3A_630 = arith.constant 0 : index
      %parallel_loop3A_631 = tpu.vector_load %arg8[%parallel_loop3A_628, %parallel_loop3A_629, %parallel_loop3A_630] {strides = array<i32>} : memref<3x128x64xf32, #tpu.memory_space<vmem>>, vector<1x1x16xf32>,
      %parallel_loop3A_632 = vector.shape_cast %parallel_loop3A_631 : vector<1x1x16xf32> to vector<16xf32>
      %parallel_loop3A_633 = vector.shape_cast %parallel_loop3A_626 : vector<16xf32> to vector<1x1x16xf32>
      tpu.vector_store %arg8[%parallel_loop3A_628, %parallel_loop3A_629, %parallel_loop3A_630], %parallel_loop3A_633 {strides = array<i32>} : memref<3x128x64xf32, #tpu.memory_space<vmem>>, vector<1x1x16xf32>,
      %parallel_loop3A_634 = arith.constant 1 : i32
      %parallel_loop3A_635 = arith.index_cast %parallel_loop3A_634 : i32 to index
      %parallel_loop3A_636 = arith.index_cast %parallel_loop3A_610 : i32 to index
      %parallel_loop3A_637 = arith.constant 16 : index
      %parallel_loop3A_638 = tpu.vector_load %arg8[%parallel_loop3A_635, %parallel_loop3A_636, %parallel_loop3A_637] {strides = array<i32>} : memref<3x128x64xf32, #tpu.memory_space<vmem>>, vector<1x1x16xf32>,
      %parallel_loop3A_639 = vector.shape_cast %parallel_loop3A_638 : vector<1x1x16xf32> to vector<16xf32>
      %parallel_loop3A_640 = arith.constant 1 : i32
      %parallel_loop3A_641 = arith.index_cast %parallel_loop3A_640 : i32 to index
      %parallel_loop3A_642 = arith.index_cast %parallel_loop3A_610 : i32 to index
      %parallel_loop3A_643 = arith.constant 16 : index
      %parallel_loop3A_644 = tpu.vector_load %arg9[%parallel_loop3A_641, %parallel_loop3A_642, %parallel_loop3A_643] {strides = array<i32>} : memref<3x128x64xf32, #tpu.memory_space<vmem>>, vector<1x1x16xf32>,
      %parallel_loop3A_645 = vector.shape_cast %parallel_loop3A_644 : vector<1x1x16xf32> to vector<16xf32>
      %parallel_loop3A_646 = arith.addf %parallel_loop3A_639, %parallel_loop3A_645 : vector<16xf32>
      %parallel_loop3A_647 = arith.constant 0.000000e+00 : f32
      %parallel_loop3A_648 = vector.broadcast %parallel_loop3A_647 : f32 to vector<16xf32>
      %parallel_loop3A_649 = arith.maximumf %parallel_loop3A_646, %parallel_loop3A_648 : vector<16xf32>
      %parallel_loop3A_650 = arith.constant 1 : i32
      %parallel_loop3A_651 = arith.index_cast %parallel_loop3A_650 : i32 to index
      %parallel_loop3A_652 = arith.index_cast %parallel_loop3A_610 : i32 to index
      %parallel_loop3A_653 = arith.constant 16 : index
      %parallel_loop3A_654 = tpu.vector_load %arg8[%parallel_loop3A_651, %parallel_loop3A_652, %parallel_loop3A_653] {strides = array<i32>} : memref<3x128x64xf32, #tpu.memory_space<vmem>>, vector<1x1x16xf32>,
      %parallel_loop3A_655 = vector.shape_cast %parallel_loop3A_654 : vector<1x1x16xf32> to vector<16xf32>
      %parallel_loop3A_656 = vector.shape_cast %parallel_loop3A_649 : vector<16xf32> to vector<1x1x16xf32>
      tpu.vector_store %arg8[%parallel_loop3A_651, %parallel_loop3A_652, %parallel_loop3A_653], %parallel_loop3A_656 {strides = array<i32>} : memref<3x128x64xf32, #tpu.memory_space<vmem>>, vector<1x1x16xf32>,
      %parallel_loop3A_657 = arith.constant 1 : i32
      %parallel_loop3A_658 = arith.index_cast %parallel_loop3A_657 : i32 to index
      %parallel_loop3A_659 = arith.index_cast %parallel_loop3A_610 : i32 to index
      %parallel_loop3A_660 = arith.constant 32 : index
      %parallel_loop3A_661 = tpu.vector_load %arg8[%parallel_loop3A_658, %parallel_loop3A_659, %parallel_loop3A_660] {strides = array<i32>} : memref<3x128x64xf32, #tpu.memory_space<vmem>>, vector<1x1x16xf32>,
      %parallel_loop3A_662 = vector.shape_cast %parallel_loop3A_661 : vector<1x1x16xf32> to vector<16xf32>
      %parallel_loop3A_663 = arith.constant 1 : i32
      %parallel_loop3A_664 = arith.index_cast %parallel_loop3A_663 : i32 to index
      %parallel_loop3A_665 = arith.index_cast %parallel_loop3A_610 : i32 to index
      %parallel_loop3A_666 = arith.constant 32 : index
      %parallel_loop3A_667 = tpu.vector_load %arg9[%parallel_loop3A_664, %parallel_loop3A_665, %parallel_loop3A_666] {strides = array<i32>} : memref<3x128x64xf32, #tpu.memory_space<vmem>>, vector<1x1x16xf32>,
      %parallel_loop3A_668 = vector.shape_cast %parallel_loop3A_667 : vector<1x1x16xf32> to vector<16xf32>
      %parallel_loop3A_669 = arith.addf %parallel_loop3A_662, %parallel_loop3A_668 : vector<16xf32>
      %parallel_loop3A_670 = arith.constant 0.000000e+00 : f32
      %parallel_loop3A_671 = vector.broadcast %parallel_loop3A_670 : f32 to vector<16xf32>
      %parallel_loop3A_672 = arith.maximumf %parallel_loop3A_669, %parallel_loop3A_671 : vector<16xf32>
      %parallel_loop3A_673 = arith.constant 1 : i32
      %parallel_loop3A_674 = arith.index_cast %parallel_loop3A_673 : i32 to index
      %parallel_loop3A_675 = arith.index_cast %parallel_loop3A_610 : i32 to index
      %parallel_loop3A_676 = arith.constant 32 : index
      %parallel_loop3A_677 = tpu.vector_load %arg8[%parallel_loop3A_674, %parallel_loop3A_675, %parallel_loop3A_676] {strides = array<i32>} : memref<3x128x64xf32, #tpu.memory_space<vmem>>, vector<1x1x16xf32>,
      %parallel_loop3A_678 = vector.shape_cast %parallel_loop3A_677 : vector<1x1x16xf32> to vector<16xf32>
      %parallel_loop3A_679 = vector.shape_cast %parallel_loop3A_672 : vector<16xf32> to vector<1x1x16xf32>
      tpu.vector_store %arg8[%parallel_loop3A_674, %parallel_loop3A_675, %parallel_loop3A_676], %parallel_loop3A_679 {strides = array<i32>} : memref<3x128x64xf32, #tpu.memory_space<vmem>>, vector<1x1x16xf32>,
      %parallel_loop3A_680 = arith.constant 1 : i32
      %parallel_loop3A_681 = arith.index_cast %parallel_loop3A_680 : i32 to index
      %parallel_loop3A_682 = arith.index_cast %parallel_loop3A_610 : i32 to index
      %parallel_loop3A_683 = arith.constant 48 : index
      %parallel_loop3A_684 = tpu.vector_load %arg8[%parallel_loop3A_681, %parallel_loop3A_682, %parallel_loop3A_683] {strides = array<i32>} : memref<3x128x64xf32, #tpu.memory_space<vmem>>, vector<1x1x16xf32>,
      %parallel_loop3A_685 = vector.shape_cast %parallel_loop3A_684 : vector<1x1x16xf32> to vector<16xf32>
      %parallel_loop3A_686 = arith.constant 1 : i32
      %parallel_loop3A_687 = arith.index_cast %parallel_loop3A_686 : i32 to index
      %parallel_loop3A_688 = arith.index_cast %parallel_loop3A_610 : i32 to index
      %parallel_loop3A_689 = arith.constant 48 : index
      %parallel_loop3A_690 = tpu.vector_load %arg9[%parallel_loop3A_687, %parallel_loop3A_688, %parallel_loop3A_689] {strides = array<i32>} : memref<3x128x64xf32, #tpu.memory_space<vmem>>, vector<1x1x16xf32>,
      %parallel_loop3A_691 = vector.shape_cast %parallel_loop3A_690 : vector<1x1x16xf32> to vector<16xf32>
      %parallel_loop3A_692 = arith.addf %parallel_loop3A_685, %parallel_loop3A_691 : vector<16xf32>
      %parallel_loop3A_693 = arith.constant 0.000000e+00 : f32
      %parallel_loop3A_694 = vector.broadcast %parallel_loop3A_693 : f32 to vector<16xf32>
      %parallel_loop3A_695 = arith.maximumf %parallel_loop3A_692, %parallel_loop3A_694 : vector<16xf32>
      %parallel_loop3A_696 = arith.constant 1 : i32
      %parallel_loop3A_697 = arith.index_cast %parallel_loop3A_696 : i32 to index
      %parallel_loop3A_698 = arith.index_cast %parallel_loop3A_610 : i32 to index
      %parallel_loop3A_699 = arith.constant 48 : index
      %parallel_loop3A_700 = tpu.vector_load %arg8[%parallel_loop3A_697, %parallel_loop3A_698, %parallel_loop3A_699] {strides = array<i32>} : memref<3x128x64xf32, #tpu.memory_space<vmem>>, vector<1x1x16xf32>,
      %parallel_loop3A_701 = vector.shape_cast %parallel_loop3A_700 : vector<1x1x16xf32> to vector<16xf32>
      %parallel_loop3A_702 = vector.shape_cast %parallel_loop3A_695 : vector<16xf32> to vector<1x1x16xf32>
      tpu.vector_store %arg8[%parallel_loop3A_697, %parallel_loop3A_698, %parallel_loop3A_699], %parallel_loop3A_702 {strides = array<i32>} : memref<3x128x64xf32, #tpu.memory_space<vmem>>, vector<1x1x16xf32>,
    } {sc.loop_unroll_factor = 4 : i64, sc.parallel_access}
    %dma_start3A_557 = arith.constant 1 : i32
    %dma_start3A_558 = arith.constant 7 : i32
    %dma_start3A_559 = arith.constant 0 : i32
    %dma_start3A_560 = arith.constant 0 : i32
    %dma_start3A_561 = tpu.memref_slice %arg8[%dma_start3A_557, %dma_start3A_559, %dma_start3A_560] : memref<3x128x64xf32, #tpu.memory_space<vmem>> -> memref<1x128x64xf32, #tpu.memory_space<vmem>>
    %dma_start3A_562 = tpu.memref_squeeze %dma_start3A_561 : memref<1x128x64xf32, #tpu.memory_space<vmem>> -> memref<128x64xf32, #tpu.memory_space<vmem>>
    %dma_start3A_563 = arith.constant 0 : i32
    %dma_start3A_564 = tpu.memref_slice %arg6[%dma_start3A_558, %dma_start3A_563] : memref<8x128xi32, #tpu.memory_space<vmem>> -> memref<1x128xi32, #tpu.memory_space<vmem>>
    %dma_start3A_565 = tpu.memref_squeeze %dma_start3A_564 : memref<1x128xi32, #tpu.memory_space<vmem>> -> memref<128xi32, #tpu.memory_space<vmem>>
    %dma_start3A_566 = arith.constant 0 : i32
    %dma_start3A_567 = arith.constant 0 : i32
    %dma_start3A_568 = tpu.memref_slice %arg11[%dma_start3A_566, %dma_start3A_567] : memref<1024x64xf32, #tpu.memory_space<vmem_shared>> -> memref<1024x64xf32, #tpu.memory_space<vmem_shared>>
    tpu.enqueue_indirect_dma source(%dma_start3A_562 : memref<128x64xf32, #tpu.memory_space<vmem>>) target(%dma_start3A_568 : memref<1024x64xf32, #tpu.memory_space<vmem_shared>>) offsets(%dma_start3A_565 : memref<128xi32, #tpu.memory_space<vmem>>) semaphore(%arg14 : memref<!tpu.dma_semaphore, #tpu.memory_space<semaphore_mem>>) {add = true}
    %dma_wait3A_569 = arith.constant 0 : i32
    %dma_wait3A_570 = arith.constant 6 : i32
    %dma_wait3A_571 = arith.constant 0 : i32
    %dma_wait3A_572 = arith.constant 0 : i32
    %dma_wait3A_573 = tpu.memref_slice %arg8[%dma_wait3A_569, %dma_wait3A_571, %dma_wait3A_572] : memref<3x128x64xf32, #tpu.memory_space<vmem>> -> memref<1x128x64xf32, #tpu.memory_space<vmem>>
    %dma_wait3A_574 = tpu.memref_squeeze %dma_wait3A_573 : memref<1x128x64xf32, #tpu.memory_space<vmem>> -> memref<128x64xf32, #tpu.memory_space<vmem>>
    %dma_wait3A_575 = arith.constant 0 : i32
    %dma_wait3A_576 = tpu.memref_slice %arg6[%dma_wait3A_570, %dma_wait3A_575] : memref<8x128xi32, #tpu.memory_space<vmem>> -> memref<1x128xi32, #tpu.memory_space<vmem>>
    %dma_wait3A_577 = tpu.memref_squeeze %dma_wait3A_576 : memref<1x128xi32, #tpu.memory_space<vmem>> -> memref<128xi32, #tpu.memory_space<vmem>>
    %dma_wait3A_578 = arith.constant 0 : i32
    %dma_wait3A_579 = arith.constant 0 : i32
    %dma_wait3A_580 = tpu.memref_slice %arg11[%dma_wait3A_578, %dma_wait3A_579] : memref<1024x64xf32, #tpu.memory_space<vmem_shared>> -> memref<1024x64xf32, #tpu.memory_space<vmem_shared>>
    tpu.wait_indirect_dma semaphore(%arg14 : memref<!tpu.dma_semaphore, #tpu.memory_space<semaphore_mem>>) src(%dma_wait3A_574 : memref<128x64xf32, #tpu.memory_space<vmem>>) dst(%dma_wait3A_580 : memref<1024x64xf32, #tpu.memory_space<vmem_shared>>)
    %dma_wait3A_581 = arith.constant 1 : i32
    %dma_wait3A_582 = arith.constant 7 : i32
    %dma_wait3A_583 = arith.constant 0 : i32
    %dma_wait3A_584 = arith.constant 0 : i32
    %dma_wait3A_585 = tpu.memref_slice %arg8[%dma_wait3A_581, %dma_wait3A_583, %dma_wait3A_584] : memref<3x128x64xf32, #tpu.memory_space<vmem>> -> memref<1x128x64xf32, #tpu.memory_space<vmem>>
    %dma_wait3A_586 = tpu.memref_squeeze %dma_wait3A_585 : memref<1x128x64xf32, #tpu.memory_space<vmem>> -> memref<128x64xf32, #tpu.memory_space<vmem>>
    %dma_wait3A_587 = arith.constant 0 : i32
    %dma_wait3A_588 = tpu.memref_slice %arg6[%dma_wait3A_582, %dma_wait3A_587] : memref<8x128xi32, #tpu.memory_space<vmem>> -> memref<1x128xi32, #tpu.memory_space<vmem>>
    %dma_wait3A_589 = tpu.memref_squeeze %dma_wait3A_588 : memref<1x128xi32, #tpu.memory_space<vmem>> -> memref<128xi32, #tpu.memory_space<vmem>>
    %dma_wait3A_590 = arith.constant 0 : i32
    %dma_wait3A_591 = arith.constant 0 : i32
    %dma_wait3A_592 = tpu.memref_slice %arg11[%dma_wait3A_590, %dma_wait3A_591] : memref<1024x64xf32, #tpu.memory_space<vmem_shared>> -> memref<1024x64xf32, #tpu.memory_space<vmem_shared>>
    tpu.wait_indirect_dma semaphore(%arg14 : memref<!tpu.dma_semaphore, #tpu.memory_space<semaphore_mem>>) src(%dma_wait3A_586 : memref<128x64xf32, #tpu.memory_space<vmem>>) dst(%dma_wait3A_592 : memref<1024x64xf32, #tpu.memory_space<vmem_shared>>)
    %dma_wait3A_593 = arith.constant 2 : i32
    %dma_wait3A_594 = arith.constant 5 : i32
    %dma_wait3A_595 = arith.constant 0 : i32
    %dma_wait3A_596 = arith.constant 0 : i32
    %dma_wait3A_597 = tpu.memref_slice %arg8[%dma_wait3A_593, %dma_wait3A_595, %dma_wait3A_596] : memref<3x128x64xf32, #tpu.memory_space<vmem>> -> memref<1x128x64xf32, #tpu.memory_space<vmem>>
    %dma_wait3A_598 = tpu.memref_squeeze %dma_wait3A_597 : memref<1x128x64xf32, #tpu.memory_space<vmem>> -> memref<128x64xf32, #tpu.memory_space<vmem>>
    %dma_wait3A_599 = arith.constant 0 : i32
    %dma_wait3A_600 = tpu.memref_slice %arg6[%dma_wait3A_594, %dma_wait3A_599] : memref<8x128xi32, #tpu.memory_space<vmem>> -> memref<1x128xi32, #tpu.memory_space<vmem>>
    %dma_wait3A_601 = tpu.memref_squeeze %dma_wait3A_600 : memref<1x128xi32, #tpu.memory_space<vmem>> -> memref<128xi32, #tpu.memory_space<vmem>>
    %dma_wait3A_602 = arith.constant 0 : i32
    %dma_wait3A_603 = arith.constant 0 : i32
    %dma_wait3A_604 = tpu.memref_slice %arg11[%dma_wait3A_602, %dma_wait3A_603] : memref<1024x64xf32, #tpu.memory_space<vmem_shared>> -> memref<1024x64xf32, #tpu.memory_space<vmem_shared>>
    tpu.wait_indirect_dma semaphore(%arg14 : memref<!tpu.dma_semaphore, #tpu.memory_space<semaphore_mem>>) src(%dma_wait3A_598 : memref<128x64xf32, #tpu.memory_space<vmem>>) dst(%dma_wait3A_604 : memref<1024x64xf32, #tpu.memory_space<vmem_shared>>)
    %barrier3A_605 = arith.constant 0 : index
    tpu.barrier barrier_id(%barrier3A_605)
    %mul3A_606 = arith.constant 64 : i32
    %mul3A_607 = arith.muli %arg1, %mul3A_606 : i32
    %mul3A_608 = arith.constant 64 : i32
    %mul3A_609 = arith.muli %arg1, %mul3A_608 : i32
    "tpu.region"() ({
      %run_scoped3A_610 = tpu.sem_alloc : memref<!tpu.dma_semaphore, #tpu.memory_space<semaphore_mem>>
      %dma_start3A_611 = arith.constant 0 : i32
      %dma_start3A_612 = tpu.memref_slice %arg5[%arg0, %mul3A_609, %dma_start3A_611] : memref<2x1024x64xf32, #tpu.memory_space<hbm>> -> memref<1x64x64xf32, #tpu.memory_space<hbm>>
      %dma_start3A_613 = tpu.memref_squeeze %dma_start3A_612 : memref<1x64x64xf32, #tpu.memory_space<hbm>> -> memref<64x64xf32, #tpu.memory_space<hbm>>
      %dma_start3A_614 = arith.constant 0 : i32
      %dma_start3A_615 = tpu.memref_slice %arg11[%mul3A_607, %dma_start3A_614] : memref<1024x64xf32, #tpu.memory_space<vmem_shared>> -> memref<64x64xf32, #tpu.memory_space<vmem_shared>>
      tpu.enqueue_dma source(%dma_start3A_615 : memref<64x64xf32, #tpu.memory_space<vmem_shared>>) target(%dma_start3A_613 : memref<64x64xf32, #tpu.memory_space<hbm>>) target_semaphore(%run_scoped3A_610 : memref<!tpu.dma_semaphore, #tpu.memory_space<semaphore_mem>>)
      %dma_wait3A_616 = arith.constant 0 : i32
      %dma_wait3A_617 = tpu.memref_slice %arg5[%arg0, %mul3A_609, %dma_wait3A_616] : memref<2x1024x64xf32, #tpu.memory_space<hbm>> -> memref<1x64x64xf32, #tpu.memory_space<hbm>>
      %dma_wait3A_618 = tpu.memref_squeeze %dma_wait3A_617 : memref<1x64x64xf32, #tpu.memory_space<hbm>> -> memref<64x64xf32, #tpu.memory_space<hbm>>
      %dma_wait3A_619 = arith.constant 0 : i32
      %dma_wait3A_620 = tpu.memref_slice %arg11[%mul3A_607, %dma_wait3A_619] : memref<1024x64xf32, #tpu.memory_space<vmem_shared>> -> memref<64x64xf32, #tpu.memory_space<vmem_shared>>
      tpu.wait_dma2 semaphore(%run_scoped3A_610 : memref<!tpu.dma_semaphore, #tpu.memory_space<semaphore_mem>>) src(%dma_wait3A_620 : memref<64x64xf32, #tpu.memory_space<vmem_shared>>) dst(%dma_wait3A_618 : memref<64x64xf32, #tpu.memory_space<hbm>>)
      tpu.yield
    }) : () -> ()
    return
  }
}

module attributes {stable_mosaic.version = 14 : i64} {
  func.func @_precompute_body(%arg0: memref<1024x2xf32, #tpu.memory_space<vmem>>, %arg1: memref<4x64xf32, #tpu.memory_space<vmem>>, %arg2: memref<64xf32, #tpu.memory_space<vmem>>, %arg3: memref<1024x64xf32, #tpu.memory_space<vmem>>, %arg4: memref<1024x64xf32, #tpu.memory_space<vmem>>) attributes {dimension_semantics = [], scalar_prefetch = 0 : i64, scratch_operands = 0 : i64, tpu.core_type = #tpu.core_type<tc>} {
    %get3A = arith.constant 0 : index
    %get3A_0 = arith.constant 0 : index
    %get3A_1 = vector.load %arg0[%get3A, %get3A_0] : memref<1024x2xf32, #tpu.memory_space<vmem>>, vector<1024x2xf32>
    %get3A_2 = arith.constant 0 : index
    %get3A_3 = arith.constant 0 : index
    %get3A_4 = vector.load %arg1[%get3A_2, %get3A_3] : memref<4x64xf32, #tpu.memory_space<vmem>>, vector<4x64xf32>
    %slice3A = vector.extract_strided_slice %get3A_4 {offsets = [0, 0], sizes = [2, 64], strides = [1, 1]} : vector<4x64xf32> to vector<2x64xf32>
    %slice3A_5 = vector.extract_strided_slice %get3A_4 {offsets = [2, 0], sizes = [2, 64], strides = [1, 1]} : vector<4x64xf32> to vector<2x64xf32>
    %sub3A = arith.subf %slice3A, %slice3A_5 : vector<2x64xf32>
    %slice3A_6 = vector.extract_strided_slice %get3A_4 {offsets = [2, 0], sizes = [2, 64], strides = [1, 1]} : vector<4x64xf32> to vector<2x64xf32>
    %dot_general3A = arith.constant dense<0.000000e+00> : vector<1024x64xf32>
    %dot_general3A_7 = tpu.matmul %get3A_1, %sub3A, %dot_general3A {dimension_numbers = #tpu.dot_dimension_numbers<[1], [0], [0], [1], [0, 0, 1, 1], [], []>, precision = #tpu.contract_precision<fp32>, transpose_lhs_hint = false} : vector<1024x2xf32>, vector<2x64xf32>, vector<1024x64xf32> -> vector<1024x64xf32>
    %get3A_8 = arith.constant 0 : index
    %get3A_9 = vector.load %arg2[%get3A_8] : memref<64xf32, #tpu.memory_space<vmem>>, vector<64xf32>
    %broadcast_in_dim3A = vector.shape_cast %get3A_9 : vector<64xf32> to vector<1x64xf32>
    %add3A = vector.broadcast %broadcast_in_dim3A : vector<1x64xf32> to vector<1024x64xf32>
    %add3A_10 = arith.addf %dot_general3A_7, %add3A : vector<1024x64xf32>
    %swap3A = arith.constant 0 : index
    %swap3A_11 = arith.constant 0 : index
    %swap3A_12 = vector.load %arg3[%swap3A, %swap3A_11] : memref<1024x64xf32, #tpu.memory_space<vmem>>, vector<1024x64xf32>
    tpu.vector_store %arg3[%swap3A, %swap3A_11], %add3A_10 {strides = array<i32>} : memref<1024x64xf32, #tpu.memory_space<vmem>>, vector<1024x64xf32>,
    %dot_general3A_13 = arith.constant dense<0.000000e+00> : vector<1024x64xf32>
    %dot_general3A_14 = tpu.matmul %get3A_1, %slice3A_6, %dot_general3A_13 {dimension_numbers = #tpu.dot_dimension_numbers<[1], [0], [0], [1], [0, 0, 1, 1], [], []>, precision = #tpu.contract_precision<fp32>, transpose_lhs_hint = false} : vector<1024x2xf32>, vector<2x64xf32>, vector<1024x64xf32> -> vector<1024x64xf32>
    %swap3A_15 = arith.constant 0 : index
    %swap3A_16 = arith.constant 0 : index
    %swap3A_17 = vector.load %arg4[%swap3A_15, %swap3A_16] : memref<1024x64xf32, #tpu.memory_space<vmem>>, vector<1024x64xf32>
    tpu.vector_store %arg4[%swap3A_15, %swap3A_16], %dot_general3A_14 {strides = array<i32>} : memref<1024x64xf32, #tpu.memory_space<vmem>>, vector<1024x64xf32>,
    return
  }
}

module attributes {stable_mosaic.version = 14 : i64} {
  func.func @_tail_body(%arg0: memref<2x1024x64xf32, #tpu.memory_space<vmem>>, %arg1: memref<64x1024xf32, #tpu.memory_space<vmem>>, %arg2: memref<1024xf32, #tpu.memory_space<vmem>>, %arg3: memref<1024x128xf32, #tpu.memory_space<vmem>>, %arg4: memref<128xf32, #tpu.memory_space<vmem>>, %arg5: memref<128x64xf32, #tpu.memory_space<vmem>>, %arg6: memref<64xf32, #tpu.memory_space<vmem>>, %arg7: memref<64x1xf32, #tpu.memory_space<vmem>>, %arg8: memref<1xf32, #tpu.memory_space<vmem>>, %arg9: memref<64x128xf32, #tpu.memory_space<vmem>>, %arg10: memref<128xf32, #tpu.memory_space<vmem>>, %arg11: memref<256x128xf32, #tpu.memory_space<vmem>>) attributes {dimension_semantics = [], scalar_prefetch = 0 : i64, scratch_operands = 0 : i64, tpu.core_type = #tpu.core_type<tc>} {
    %get3A = arith.constant 0 : index
    %get3A_0 = arith.constant 0 : index
    %get3A_1 = arith.constant 0 : index
    %get3A_2 = vector.load %arg0[%get3A, %get3A_0, %get3A_1] : memref<2x1024x64xf32, #tpu.memory_space<vmem>>, vector<1x1024x64xf32>
    %get3A_3 = vector.shape_cast %get3A_2 : vector<1x1024x64xf32> to vector<1024x64xf32>
    %get3A_4 = arith.constant 1 : index
    %get3A_5 = arith.constant 0 : index
    %get3A_6 = arith.constant 0 : index
    %get3A_7 = vector.load %arg0[%get3A_4, %get3A_5, %get3A_6] : memref<2x1024x64xf32, #tpu.memory_space<vmem>>, vector<1x1024x64xf32>
    %get3A_8 = vector.shape_cast %get3A_7 : vector<1x1024x64xf32> to vector<1024x64xf32>
    %add3A = arith.addf %get3A_3, %get3A_8 : vector<1024x64xf32>
    %iota3A = tpu.iota {dimensions = array<i32: 0>} : vector<1024x256xi32>
    %iota3A_9 = tpu.iota {dimensions = array<i32: 1>} : vector<1024x256xi32>
    %jit3A = arith.constant 4 : i32
    %div3A = vector.broadcast %jit3A : i32 to vector<1024x256xi32>
    %div3A_10 = arith.divsi %iota3A, %div3A : vector<1024x256xi32>
    %sign3A = arith.constant 0 : i32
    %sign3A_11 = vector.broadcast %sign3A : i32 to vector<1024x256xi32>
    %sign3A_12 = arith.cmpi sgt, %iota3A, %sign3A_11 : vector<1024x256xi32>
    %sign3A_13 = arith.extui %sign3A_12 : vector<1024x256xi1> to vector<1024x256xi32>
    %sign3A_14 = arith.constant 0 : i32
    %sign3A_15 = vector.broadcast %sign3A_14 : i32 to vector<1024x256xi32>
    %sign3A_16 = arith.cmpi slt, %iota3A, %sign3A_15 : vector<1024x256xi32>
    %sign3A_17 = arith.extui %sign3A_16 : vector<1024x256xi1> to vector<1024x256xi32>
    %sign3A_18 = arith.subi %sign3A_13, %sign3A_17 : vector<1024x256xi32>
    %sign3A_19 = arith.constant 0 : i32
    %sign3A_20 = arith.cmpi sgt, %jit3A, %sign3A_19 : i32
    %sign3A_21 = arith.extui %sign3A_20 : i1 to i32
    %sign3A_22 = arith.constant 0 : i32
    %sign3A_23 = arith.cmpi slt, %jit3A, %sign3A_22 : i32
    %sign3A_24 = arith.extui %sign3A_23 : i1 to i32
    %sign3A_25 = arith.subi %sign3A_21, %sign3A_24 : i32
    %ne3A = vector.broadcast %sign3A_25 : i32 to vector<1024x256xi32>
    %ne3A_26 = arith.cmpi ne, %sign3A_18, %ne3A : vector<1024x256xi32>
    %rem3A = vector.broadcast %jit3A : i32 to vector<1024x256xi32>
    %rem3A_27 = arith.remsi %iota3A, %rem3A : vector<1024x256xi32>
    %ne3A_28 = arith.constant 0 : i32
    %ne3A_29 = vector.broadcast %ne3A_28 : i32 to vector<1024x256xi32>
    %ne3A_30 = arith.cmpi ne, %rem3A_27, %ne3A_29 : vector<1024x256xi32>
    %and3A = arith.andi %ne3A_26, %ne3A_30 : vector<1024x256xi1>
    %sub3A = arith.constant 1 : i32
    %sub3A_31 = vector.broadcast %sub3A : i32 to vector<1024x256xi32>
    %sub3A_32 = arith.subi %div3A_10, %sub3A_31 : vector<1024x256xi32>
    %select_n3A = arith.select %and3A, %sub3A_32, %div3A_10 : vector<1024x256xi1>, vector<1024x256xi32>
    %eq3A = arith.cmpi eq, %select_n3A, %iota3A_9 : vector<1024x256xi32>
    %jit3A_33 = arith.constant 2.500000e-01 : f32
    %jit3A_34 = arith.constant 0.000000e+00 : f32
    %broadcast_in_dim3A = vector.broadcast %jit3A_33 : f32 to vector<1024x256xf32>
    %broadcast_in_dim3A_35 = vector.broadcast %jit3A_34 : f32 to vector<1024x256xf32>
    %select_n3A_36 = arith.select %eq3A, %broadcast_in_dim3A, %broadcast_in_dim3A_35 : vector<1024x256xi1>, vector<1024x256xf32>
    %get3A_37 = arith.constant 0 : index
    %get3A_38 = arith.constant 0 : index
    %get3A_39 = vector.load %arg1[%get3A_37, %get3A_38] : memref<64x1024xf32, #tpu.memory_space<vmem>>, vector<64x1024xf32>
    %dot_general3A = arith.constant dense<0.000000e+00> : vector<64x256xf32>
    %dot_general3A_40 = tpu.matmul %get3A_39, %select_n3A_36, %dot_general3A {dimension_numbers = #tpu.dot_dimension_numbers<[1], [0], [0], [1], [0, 0, 1, 1], [], []>, precision = #tpu.contract_precision<fp32>, transpose_lhs_hint = false} : vector<64x1024xf32>, vector<1024x256xf32>, vector<64x256xf32> -> vector<64x256xf32>
    %dot_general3A_41 = arith.constant dense<0.000000e+00> : vector<1024x256xf32>
    %dot_general3A_42 = tpu.matmul %add3A, %dot_general3A_40, %dot_general3A_41 {dimension_numbers = #tpu.dot_dimension_numbers<[1], [0], [0], [1], [0, 0, 1, 1], [], []>, precision = #tpu.contract_precision<fp32>, transpose_lhs_hint = false} : vector<1024x64xf32>, vector<64x256xf32>, vector<1024x256xf32> -> vector<1024x256xf32>
    %max3A = arith.constant 0.000000e+00 : f32
    %max3A_43 = vector.broadcast %max3A : f32 to vector<1024x256xf32>
    %max3A_44 = arith.maximumf %dot_general3A_42, %max3A_43 : vector<1024x256xf32>
    %get3A_45 = arith.constant 0 : index
    %get3A_46 = arith.constant 0 : index
    %get3A_47 = vector.load %arg3[%get3A_45, %get3A_46] : memref<1024x128xf32, #tpu.memory_space<vmem>>, vector<1024x128xf32>
    %dot_general3A_48 = arith.constant dense<0.000000e+00> : vector<256x128xf32>
    %dot_general3A_49 = tpu.matmul %max3A_44, %get3A_47, %dot_general3A_48 {dimension_numbers = #tpu.dot_dimension_numbers<[0], [0], [1], [1], [0, 1, 1, 1], [], []>, transpose_lhs_hint = false} : vector<1024x256xf32>, vector<1024x128xf32>, vector<256x128xf32> -> vector<256x128xf32>
    %get3A_50 = arith.constant 0 : index
    %get3A_51 = vector.load %arg4[%get3A_50] : memref<128xf32, #tpu.memory_space<vmem>>, vector<128xf32>
    %broadcast_in_dim3A_52 = vector.shape_cast %get3A_51 : vector<128xf32> to vector<1x128xf32>
    %add3A_53 = vector.broadcast %broadcast_in_dim3A_52 : vector<1x128xf32> to vector<256x128xf32>
    %add3A_54 = arith.addf %dot_general3A_49, %add3A_53 : vector<256x128xf32>
    %gt3A = arith.constant 0.000000e+00 : f32
    %gt3A_55 = vector.broadcast %gt3A : f32 to vector<256x128xf32>
    %gt3A_56 = arith.cmpf ogt, %add3A_54, %gt3A_55 : vector<256x128xf32>
    %mul3A = arith.constant 0.00999999977 : f32
    %mul3A_57 = vector.broadcast %mul3A : f32 to vector<256x128xf32>
    %mul3A_58 = arith.mulf %mul3A_57, %add3A_54 : vector<256x128xf32>
    %select_n3A_59 = arith.select %gt3A_56, %add3A_54, %mul3A_58 : vector<256x128xi1>, vector<256x128xf32>
    %get3A_60 = arith.constant 0 : index
    %get3A_61 = arith.constant 0 : index
    %get3A_62 = vector.load %arg5[%get3A_60, %get3A_61] : memref<128x64xf32, #tpu.memory_space<vmem>>, vector<128x64xf32>
    %dot_general3A_63 = arith.constant dense<0.000000e+00> : vector<256x64xf32>
    %dot_general3A_64 = tpu.matmul %select_n3A_59, %get3A_62, %dot_general3A_63 {dimension_numbers = #tpu.dot_dimension_numbers<[1], [0], [0], [1], [0, 0, 1, 1], [], []>, transpose_lhs_hint = false} : vector<256x128xf32>, vector<128x64xf32>, vector<256x64xf32> -> vector<256x64xf32>
    %get3A_65 = arith.constant 0 : index
    %get3A_66 = vector.load %arg6[%get3A_65] : memref<64xf32, #tpu.memory_space<vmem>>, vector<64xf32>
    %broadcast_in_dim3A_67 = vector.shape_cast %get3A_66 : vector<64xf32> to vector<1x64xf32>
    %add3A_68 = vector.broadcast %broadcast_in_dim3A_67 : vector<1x64xf32> to vector<256x64xf32>
    %add3A_69 = arith.addf %dot_general3A_64, %add3A_68 : vector<256x64xf32>
    %gt3A_70 = arith.constant 0.000000e+00 : f32
    %gt3A_71 = vector.broadcast %gt3A_70 : f32 to vector<256x64xf32>
    %gt3A_72 = arith.cmpf ogt, %add3A_69, %gt3A_71 : vector<256x64xf32>
    %mul3A_73 = arith.constant 0.00999999977 : f32
    %mul3A_74 = vector.broadcast %mul3A_73 : f32 to vector<256x64xf32>
    %mul3A_75 = arith.mulf %mul3A_74, %add3A_69 : vector<256x64xf32>
    %select_n3A_76 = arith.select %gt3A_72, %add3A_69, %mul3A_75 : vector<256x64xi1>, vector<256x64xf32>
    %get3A_77 = arith.constant 0 : index
    %get3A_78 = arith.constant 0 : index
    %get3A_79 = vector.load %arg7[%get3A_77, %get3A_78] : memref<64x1xf32, #tpu.memory_space<vmem>>, vector<64x1xf32>
    %dot_general3A_80 = arith.constant dense<0.000000e+00> : vector<256x1xf32>
    %dot_general3A_81 = tpu.matmul %select_n3A_76, %get3A_79, %dot_general3A_80 {dimension_numbers = #tpu.dot_dimension_numbers<[1], [0], [0], [1], [0, 0, 1, 1], [], []>, transpose_lhs_hint = false} : vector<256x64xf32>, vector<64x1xf32>, vector<256x1xf32> -> vector<256x1xf32>
    %get3A_82 = arith.constant 0 : index
    %get3A_83 = vector.load %arg8[%get3A_82] : memref<1xf32, #tpu.memory_space<vmem>>, vector<1xf32>
    %broadcast_in_dim3A_84 = vector.shape_cast %get3A_83 : vector<1xf32> to vector<1x1xf32>
    %add3A_85 = vector.broadcast %broadcast_in_dim3A_84 : vector<1x1xf32> to vector<256x1xf32>
    %add3A_86 = arith.addf %dot_general3A_81, %add3A_85 : vector<256x1xf32>
    %get3A_87 = arith.constant 0 : index
    %get3A_88 = arith.constant 0 : index
    %get3A_89 = vector.load %arg9[%get3A_87, %get3A_88] : memref<64x128xf32, #tpu.memory_space<vmem>>, vector<64x128xf32>
    %dot_general3A_90 = arith.constant dense<0.000000e+00> : vector<256x128xf32>
    %dot_general3A_91 = tpu.matmul %select_n3A_76, %get3A_89, %dot_general3A_90 {dimension_numbers = #tpu.dot_dimension_numbers<[1], [0], [0], [1], [0, 0, 1, 1], [], []>, transpose_lhs_hint = false} : vector<256x64xf32>, vector<64x128xf32>, vector<256x128xf32> -> vector<256x128xf32>
    %get3A_92 = arith.constant 0 : index
    %get3A_93 = vector.load %arg10[%get3A_92] : memref<128xf32, #tpu.memory_space<vmem>>, vector<128xf32>
    %broadcast_in_dim3A_94 = vector.shape_cast %get3A_93 : vector<128xf32> to vector<1x128xf32>
    %add3A_95 = vector.broadcast %broadcast_in_dim3A_94 : vector<1x128xf32> to vector<256x128xf32>
    %add3A_96 = arith.addf %dot_general3A_91, %add3A_95 : vector<256x128xf32>
    %iota3A_97 = tpu.iota {dimensions = array<i32: 0>} : vector<128x128xi32>
    %iota3A_98 = tpu.iota {dimensions = array<i32: 1>} : vector<128x128xi32>
    %jit3A_99 = arith.constant 16 : i32
    %div3A_100 = vector.broadcast %jit3A_99 : i32 to vector<128x128xi32>
    %div3A_101 = arith.divsi %iota3A_97, %div3A_100 : vector<128x128xi32>
    %sign3A_102 = arith.constant 0 : i32
    %sign3A_103 = vector.broadcast %sign3A_102 : i32 to vector<128x128xi32>
    %sign3A_104 = arith.cmpi sgt, %iota3A_97, %sign3A_103 : vector<128x128xi32>
    %sign3A_105 = arith.extui %sign3A_104 : vector<128x128xi1> to vector<128x128xi32>
    %sign3A_106 = arith.constant 0 : i32
    %sign3A_107 = vector.broadcast %sign3A_106 : i32 to vector<128x128xi32>
    %sign3A_108 = arith.cmpi slt, %iota3A_97, %sign3A_107 : vector<128x128xi32>
    %sign3A_109 = arith.extui %sign3A_108 : vector<128x128xi1> to vector<128x128xi32>
    %sign3A_110 = arith.subi %sign3A_105, %sign3A_109 : vector<128x128xi32>
    %sign3A_111 = arith.constant 0 : i32
    %sign3A_112 = arith.cmpi sgt, %jit3A_99, %sign3A_111 : i32
    %sign3A_113 = arith.extui %sign3A_112 : i1 to i32
    %sign3A_114 = arith.constant 0 : i32
    %sign3A_115 = arith.cmpi slt, %jit3A_99, %sign3A_114 : i32
    %sign3A_116 = arith.extui %sign3A_115 : i1 to i32
    %sign3A_117 = arith.subi %sign3A_113, %sign3A_116 : i32
    %ne3A_118 = vector.broadcast %sign3A_117 : i32 to vector<128x128xi32>
    %ne3A_119 = arith.cmpi ne, %sign3A_110, %ne3A_118 : vector<128x128xi32>
    %rem3A_120 = vector.broadcast %jit3A_99 : i32 to vector<128x128xi32>
    %rem3A_121 = arith.remsi %iota3A_97, %rem3A_120 : vector<128x128xi32>
    %ne3A_122 = arith.constant 0 : i32
    %ne3A_123 = vector.broadcast %ne3A_122 : i32 to vector<128x128xi32>
    %ne3A_124 = arith.cmpi ne, %rem3A_121, %ne3A_123 : vector<128x128xi32>
    %and3A_125 = arith.andi %ne3A_119, %ne3A_124 : vector<128x128xi1>
    %sub3A_126 = arith.constant 1 : i32
    %sub3A_127 = vector.broadcast %sub3A_126 : i32 to vector<128x128xi32>
    %sub3A_128 = arith.subi %div3A_101, %sub3A_127 : vector<128x128xi32>
    %select_n3A_129 = arith.select %and3A_125, %sub3A_128, %div3A_101 : vector<128x128xi1>, vector<128x128xi32>
    %jit3A_130 = arith.constant 16 : i32
    %div3A_131 = vector.broadcast %jit3A_130 : i32 to vector<128x128xi32>
    %div3A_132 = arith.divsi %iota3A_98, %div3A_131 : vector<128x128xi32>
    %sign3A_133 = arith.constant 0 : i32
    %sign3A_134 = vector.broadcast %sign3A_133 : i32 to vector<128x128xi32>
    %sign3A_135 = arith.cmpi sgt, %iota3A_98, %sign3A_134 : vector<128x128xi32>
    %sign3A_136 = arith.extui %sign3A_135 : vector<128x128xi1> to vector<128x128xi32>
    %sign3A_137 = arith.constant 0 : i32
    %sign3A_138 = vector.broadcast %sign3A_137 : i32 to vector<128x128xi32>
    %sign3A_139 = arith.cmpi slt, %iota3A_98, %sign3A_138 : vector<128x128xi32>
    %sign3A_140 = arith.extui %sign3A_139 : vector<128x128xi1> to vector<128x128xi32>
    %sign3A_141 = arith.subi %sign3A_136, %sign3A_140 : vector<128x128xi32>
    %sign3A_142 = arith.constant 0 : i32
    %sign3A_143 = arith.cmpi sgt, %jit3A_130, %sign3A_142 : i32
    %sign3A_144 = arith.extui %sign3A_143 : i1 to i32
    %sign3A_145 = arith.constant 0 : i32
    %sign3A_146 = arith.cmpi slt, %jit3A_130, %sign3A_145 : i32
    %sign3A_147 = arith.extui %sign3A_146 : i1 to i32
    %sign3A_148 = arith.subi %sign3A_144, %sign3A_147 : i32
    %ne3A_149 = vector.broadcast %sign3A_148 : i32 to vector<128x128xi32>
    %ne3A_150 = arith.cmpi ne, %sign3A_141, %ne3A_149 : vector<128x128xi32>
    %rem3A_151 = vector.broadcast %jit3A_130 : i32 to vector<128x128xi32>
    %rem3A_152 = arith.remsi %iota3A_98, %rem3A_151 : vector<128x128xi32>
    %ne3A_153 = arith.constant 0 : i32
    %ne3A_154 = vector.broadcast %ne3A_153 : i32 to vector<128x128xi32>
    %ne3A_155 = arith.cmpi ne, %rem3A_152, %ne3A_154 : vector<128x128xi32>
    %and3A_156 = arith.andi %ne3A_150, %ne3A_155 : vector<128x128xi1>
    %sub3A_157 = arith.constant 1 : i32
    %sub3A_158 = vector.broadcast %sub3A_157 : i32 to vector<128x128xi32>
    %sub3A_159 = arith.subi %div3A_132, %sub3A_158 : vector<128x128xi32>
    %select_n3A_160 = arith.select %and3A_156, %sub3A_159, %div3A_132 : vector<128x128xi1>, vector<128x128xi32>
    %eq3A_161 = arith.cmpi eq, %select_n3A_129, %select_n3A_160 : vector<128x128xi32>
    %jit3A_162 = arith.constant 6.250000e-02 : f32
    %jit3A_163 = arith.constant 0.000000e+00 : f32
    %broadcast_in_dim3A_164 = vector.broadcast %jit3A_162 : f32 to vector<128x128xf32>
    %broadcast_in_dim3A_165 = vector.broadcast %jit3A_163 : f32 to vector<128x128xf32>
    %select_n3A_166 = arith.select %eq3A_161, %broadcast_in_dim3A_164, %broadcast_in_dim3A_165 : vector<128x128xi1>, vector<128x128xf32>
    %dot_general3A_167 = arith.constant dense<0.000000e+00> : vector<256x128xf32>
    %dot_general3A_168 = tpu.matmul %add3A_96, %select_n3A_166, %dot_general3A_167 {dimension_numbers = #tpu.dot_dimension_numbers<[1], [0], [0], [1], [0, 0, 1, 1], [], []>, precision = #tpu.contract_precision<fp32>, transpose_lhs_hint = false} : vector<256x128xf32>, vector<128x128xf32>, vector<256x128xf32> -> vector<256x128xf32>
    %add3A_169 = vector.broadcast %add3A_86 : vector<256x1xf32> to vector<256x128xf32>
    %add3A_170 = arith.addf %add3A_169, %add3A_96 : vector<256x128xf32>
    %sub3A_171 = arith.subf %add3A_170, %dot_general3A_168 : vector<256x128xf32>
    %swap3A = arith.constant 0 : index
    %swap3A_172 = arith.constant 0 : index
    %swap3A_173 = vector.load %arg11[%swap3A, %swap3A_172] : memref<256x128xf32, #tpu.memory_space<vmem>>, vector<256x128xf32>
    tpu.vector_store %arg11[%swap3A, %swap3A_172], %sub3A_171 {strides = array<i32>} : memref<256x128xf32, #tpu.memory_space<vmem>>, vector<256x128xf32>,
    return
  }
}

</mosaic_0001>

<sc_bundles>
// kernel: kernel.5.cloned.1.call-start
scs
__scs_entry_jumppad:
0x0: {  	(pc) =	sbr.rel $0x88, $3  }
0x1: {  	(tag) =	ssettag $0x0;
	lr =	simm.s32 $0x1  }
0x2: {  	[smem:$0x3F93] =	sst lr;
	_ =	strace $0xD0000000  }
0x3: {  	_ = 	snop  }
0x4: {  	_ = 	snop  }
0x5: {  	_ = 	snop  }
0x6: {  	_ = 	snop  }
0x7: {  	_ = 	snop  }
__scs_overlays_trampoline_lowered:
0x8: {  	[smem:$0x3FA2] =	sst s0  }
0x9: {  	[smem:$0x3FA3] =	sst s1  }
0xa: {  	[smem:$0x3FA4] =	sst s2  }
0xb: {  	[smem:$0x3FA5] =	sst s3  }
0xc: {  	[smem:$0x3FA6] =	sst s4  }
0xd: {  	[smem:$0x3FA7] =	sst s5  }
0xe: {  	[smem:$0x3FA8] =	sst s6  }
0xf: {  	[smem:$0x3FA9] =	sst s7  }
0x10: {  	[smem:$0x3FAA] =	sst s8  }
0x11: {  	[smem:$0x3FAB] =	sst s9;
	s0 =	simm.s32 @!p0 $0x0  }
0x12: {  	s1 =	sld [smem:$0x3F91];
	s0 =	simm.s32 @p0 $0x1  }
0x13: {  	[smem:$0x3FAC] =	sst s0;
	s0 =	simm.s32 @!p1 $0x0  }
0x14: {  	s2 =	sld [smem:$0x3F90];
	s0 =	simm.s32 @p1 $0x1  }
0x15: {  	[smem:$0x3FAD] =	sst s0;
	s0 =	simm.s32 @!p2 $0x0  }
0x16: {  	s3 =	sld [smem:$0x3FDB];
	s0 =	simm.s32 @p2 $0x1  }
0x17: {  	s4 =	simm.s32 $0x1BF5;
	[smem:$0x3FAF] =	sst s0  }
0x18: {  	s0 =	sld [smem:$0x3F92];
	_ =	swait.ge [sflag:s4], $0x0  }
0x19: {  	s7 =	sld [smem:$0x3F93]  }
0x1a: {  	s8 =	sadd.s32 $0xFFFFE003, lr  }
0x1b: {  	s9 =	sadd.s32 $0xFFFFFEF7, lr;
	s5 =	simm.s32 $0xFFFFFFFF;
	p2 =	slt.u32 s8, $0xFFFFF086  }
0x1c: {  	p1 =	slt.u32 s9, $0xF7A;
	s5 =	simm.s32 @!p2 $0x0  }
0x1d: {  	s5 =	simm.s32 @p1 $0x1;
	p0 =	seq.s32 s7, s2  }
0x1e: {  	s7 =	smul.u32 @!p0 $0xF7A, s2;
	p2 =	seq.s32 @!p0 s5, $0x0  }
0x1f: {  	s9 =	smul.u32 $0xF7A, s1;
	s8 =	simm.s32 @!p0 $0x1BF5;
	p2 =	por !p2, p0  }
0x20: {  	[sflag:s8] =	ssyncset.s32 @!p0 $0xFFFFF086;
	s6 =	sadd.s32 @!p0 s3, s7;
	s7 =	simm.s32 @!p0 $0x108  }
0x21: {  	s3 =	sadd.s32 s3, s9;
	s6 =	sadd.s32 @!p0 $0x88, s6;
	s7 =	simm.s32 @p2 $0x1082  }
0x22: {  	[simem:s7], [sflag:s8] =	dma.local @!p0 [hbm:s6], $0xF7A  }
0x23: {  	s9 =	sor.u32 $0xD0000000, s2;
	s6 =	simm.s32 $0x108;
	_ =	swait.ge @!p0 [sflag:s8], $0x0  }
0x24: {  	s3 =	sadd.s32 $0x88, s3;
	s6 =	simm.s32 @!p1 $0x1082;
	[sflag:s4] =	ssyncset.s32 $0xFFFFF086  }
0x25: {  	[simem:s6], [sflag:s4] =	dma.local [hbm:s3], $0xF7A  }
0x26: {  	[smem:$0x3F93] =	sst s1;
	(tag) =	ssettag s2;
	_ =	strace s9  }
0x27: {  	s1 =	sld [smem:$0x3FA3]  }
0x28: {  	s2 =	sld [smem:$0x3FA4]  }
0x29: {  	s4 =	sld [smem:$0x3FA6]  }
0x2a: {  	p0 =	seq.s32 s5, $0x0;
	s5 =	sld [smem:$0x3FA7]  }
0x2b: {  	s6 =	sld [smem:$0x3FA8]  }
0x2c: {  	s7 =	sld [smem:$0x3FA9]  }
0x2d: {  	s3 =	simm.s32 $0x108;
	s8 =	sld [smem:$0x3FAA]  }
0x2e: {  	s3 =	simm.s32 @!p0 $0x1082;
	s9 =	sld [smem:$0x3FAB]  }
0x2f: {  	lr =	sadd.s32 s0, s3;
	s0 =	sld [smem:$0x3FA2]  }
0x30: {  	s3 =	sld [smem:$0x3FA5]  }
0x31: {  	[smem:$0x3FAE] =	sst s10  }
0x32: {  	s10 =	sld [smem:$0x3FAC];
	_ =	sdelay $0x3  }
0x33: {  	p0 =	seq.s32 s10, $0x1;
	s10 =	sld [smem:$0x3FAE];
	_ =	sdelay $0x3  }
0x34: {  	[smem:$0x3FAE] =	sst s10  }
0x35: {  	s10 =	sld [smem:$0x3FAD];
	_ =	sdelay $0x3  }
0x36: {  	p1 =	seq.s32 s10, $0x1;
	s10 =	sld [smem:$0x3FAE];
	_ =	sdelay $0x3  }
0x37: {  	[smem:$0x3FAE] =	sst s10  }
0x38: {  	s10 =	sld [smem:$0x3FAF]  }
0x39: {  	_ = 	snop;
	(pc) =	sbr.ind lr, $3  }
0x3a: {  	_ = 	snop  }
0x3b: {  	_ = 	snop  }
0x3c: {  	p2 =	seq.s32 s10, $0x1;
	s10 =	sld [smem:$0x3FAE]  }
0x3d: {  	_ =	shalt  }
0x3e: {  	_ =	shalt  }
0x3f: {  	_ =	shalt  }
0x40: {  	_ =	shalt  }
0x41: {  	_ =	shalt  }
0x42: {  	_ =	shalt  }
0x43: {  	_ =	shalt  }
0x44: {  	_ =	shalt  }
0x45: {  	_ =	shalt  }
0x46: {  	_ =	shalt  }
0x47: {  	_ =	shalt  }
0x48: {  	_ =	shalt  }
0x49: {  	_ =	shalt  }
0x4a: {  	_ =	shalt  }
0x4b: {  	_ =	shalt  }
0x4c: {  	_ =	shalt  }
0x4d: {  	_ =	shalt  }
0x4e: {  	_ =	shalt  }
0x4f: {  	_ =	shalt  }
0x50: {  	_ =	shalt  }
0x51: {  	_ =	shalt  }
0x52: {  	_ =	shalt  }
0x53: {  	_ =	shalt  }
0x54: {  	_ =	shalt  }
0x55: {  	_ =	shalt  }
0x56: {  	_ =	shalt  }
0x57: {  	_ =	shalt  }
0x58: {  	_ =	shalt  }
0x59: {  	_ =	shalt  }
0x5a: {  	_ =	shalt  }
0x5b: {  	_ =	shalt  }
0x5c: {  	_ =	shalt  }
0x5d: {  	_ =	shalt  }
0x5e: {  	_ =	shalt  }
0x5f: {  	_ =	shalt  }
0x60: {  	_ =	shalt  }
0x61: {  	_ =	shalt  }
0x62: {  	_ =	shalt  }
0x63: {  	_ =	shalt  }
0x64: {  	_ =	shalt  }
0x65: {  	_ =	shalt  }
0x66: {  	_ =	shalt  }
0x67: {  	_ =	shalt  }
0x68: {  	_ =	shalt  }
0x69: {  	_ =	shalt  }
0x6a: {  	_ =	shalt  }
0x6b: {  	_ =	shalt  }
0x6c: {  	_ =	shalt  }
0x6d: {  	_ =	shalt  }
0x6e: {  	_ =	shalt  }
0x6f: {  	_ =	shalt  }
0x70: {  	_ =	shalt  }
0x71: {  	_ =	shalt  }
0x72: {  	_ =	shalt  }
0x73: {  	_ =	shalt  }
0x74: {  	_ =	shalt  }
0x75: {  	_ =	shalt  }
0x76: {  	_ =	shalt  }
0x77: {  	_ =	shalt  }
0x78: {  	_ =	shalt  }
0x79: {  	_ =	shalt  }
0x7a: {  	_ =	shalt  }
0x7b: {  	_ =	shalt  }
0x7c: {  	_ =	shalt  }
0x7d: {  	_ =	shalt  }
0x7e: {  	_ =	shalt  }
0x7f: {  	_ =	shalt  }
0x80: {  	_ =	shalt  }
0x81: {  	_ =	shalt  }
0x82: {  	_ =	shalt  }
0x83: {  	_ =	shalt  }
0x84: {  	_ =	shalt  }
0x85: {  	_ =	shalt  }
0x86: {  	_ =	shalt  }
0x87: {  	_ =	shalt  }
.Lfunc_end0:
.L_simem_size_0:
called_computation_lowered:
.L_overlay_start_0:
0x88: {  	s2 =	sld [smem:$0x3FD9]  }
0x89: {  	s3 =	sld [smem:$0x3FFE];
	_ =	sdelay $0x1  }
0x8a: {  	s1 =	srdreg.scid  }
0x8b: {  	s0 =	sand.u32 $0x1, s1  }
0x8c: {  	s16 =	sshll.u32 s0, $0xA;
	s2 =	sadd.s32 s3, s2  }
0x8d: {  	s2 =	sadd.s32 s2, s16  }
0x8e: {  	[smem:$0x3FBA] =	sst s2  }
0x8f: {  	_ = 	snop  }
0x90: {  	(tm) =	ssettm $0x1  }
0x91: {  	s17 =	sld [smem:$0x3FFB];
	_ =	sdelay $0x3  }
0x92: {  	_ =	strace s17  }
0x93: {  	s2 =	sld [smem:$0x3FFC];
	_ =	sdelay $0x3  }
0x94: {  	_ =	strace s2  }
0x95: {  	s2 =	sld [smem:$0x3FFD];
	_ =	sdelay $0x3  }
0x96: {  	_ =	strace s2  }
0x97: {  	_ =	strace $0x8FFFFFFF  }
0x98: {  	s18 =	sld [smem:$0x3FDB];
	_ =	sdelay $0x1  }
0x99: {  	s19 =	simm.s32 $_scs_section_size  }
0x9a: {  	s4 =	simm.s32 $_size__tile_overlayer_lowered;
	s5 =	simm.s32 $_tile_overlayer_lowered  }
0x9b: {  	s22 =	simm.s32 $0x1BFF;
	s21 =	sshll.u32 s5, $0x1;
	s2 =	sadd.s32 s19, s18  }
0x9c: {  	s6 =	simm.s32 $0x0;
	s20 =	sshll.u32 s4, $0x1;
	s4 =	sadd.s32 s21, s2  }
0x9d: {  	[timem:s6], [sflag:s22] =	dma.local [hbm:s4], s20  }
0x9e: {  	_ =	swait.ge [sflag:s22], s20  }
0x9f: {  	s3 =	ssub.s32 $0x0, s20;
	[sflag:s22] =	ssyncset.done $0x0  }
0xa0: {  	[sflag:s22] =	ssyncadd.s32 s3;
	_ =	sdelay $0x1  }
0xa1: {  	s23 =	simm.s32 $0x1B8B  }
0xa2: {  	_ =	swait.ge [sflag:s23], $0x1  }
0xa3: {  	[sflag:s23] =	ssyncset.done $0x0  }
0xa4: {  	s25 =	simm.s32 $0x1B8E;
	s24 =	sld [smem:$0x3FFE];
	[sflag:s23] =	ssyncadd.s32 $0xFFFFFFFF  }
0xa5: {  	s26 =	simm.s32 $execute0_lowered;
	[smem:$0x3FD2] =	sst s25  }
0xa6: {  	s4 =	sshll.u32 s26, $0x1;
	_ =	strace $0x80000046;
	[dreg:$0x1] =	wrdreg $0xFFFFFFFF  }
0xa7: {  	s28 =	simm.s32 $_size_execute0_lowered;
	s2 =	sadd.s32 s2, s4;
	[dreg:$0x0] =	wrdreg $0x0  }
0xa8: {  	s4 =	sshll.u32 s28, $0x1;
	[dreg:$0x2] =	wrdreg s2  }
0xa9: {  	[dreg:$0x3] =	wrdreg s4  }
0xaa: {  	[dreg:$0x4] =	wrdreg $0xC0  }
0xab: {  	_ =	task [dreg:s6], $0x5FFFF  }
0xac: {  	[dreg:$0x1] =	wrdreg $0xFFFFFFFF  }
0xad: {  	[dreg:$0x0] =	wrdreg $0x60  }
0xae: {  	[dreg:$0x2] =	wrdreg s24  }
0xaf: {  	[dreg:$0x3] =	wrdreg $0xD8000  }
0xb0: {  	[dreg:$0x4] =	wrdreg $0x9  }
0xb1: {  	_ =	task.clear_ibuf [dreg:s6], $0x5FFFF;
	_ =	strace $0x90000046  }
0xb2: {  	s29 =	simm.s32 $0x9;
	_ =	strace $0x80000048  }
0xb3: {  	_ =	swait.ge [sflag:s29], $0x1  }
0xb4: {  	[sflag:s29] =	ssyncadd.s32 $0xFFFFFFFF  }
0xb5: {  	_ =	strace $0x90000048  }
0xb6: {  	_ =	sfence  }
0xb7: {  	s30 =	sld [smem:$0x0];
	_ =	sdelay $0x2  }
0xb8: {  	s31 =	sshll.u32 s1, $0xD;
	s1 =	sshrl.u32 s1, $0x2  }
0xb9: {  	s3 =	sand.u32 $0x4000, s31;
	s1 =	sadd.s32 s1, s30  }
0xba: {  	s0 =	sor.u32 s3, s0;
	s1 =	sshll.u32 s1, $0x11  }
0xbb: {  	s0 =	sor.u32 s1, s0  }
0xbc: {  	s0 =	sadd.s32 $0x8F2B, s0  }
0xbd: {  	[sflag:s0] =	ssyncadd.remote.s32 $0x1  }
0xbe: {  	_ =	sfence.sel $0xFFFF  }
0xbf: {  	[dreg:$0x0] =	wrdreg $0xFFFFFFFF;
	(pc) =	sbr.abs _section_cstart, $3  }
0xc0: {  	[dreg:$0x1] =	wrdreg $0xFFFFFFFF  }
0xc1: {  	_ =	task.clear_ibuf [dreg:s6], $0x2FFFF;
	_ =	strace $0x9FFFFFFF  }
0xc2: {  	(tm) =	ssettm $0x7FFFFFFF  }
0xc3: {  	_ =	shalt  }
tec
execute0_lowered:
.L_overlay_start_1:
0x0: {  	(tag) =	ssettag $0x1  }
0x1: {  	s0 =	rddreg [dreg:$0x0]  }
0x2: {  	s1 =	rddreg [dreg:$0x1]  }
0x3: {  	s2 =	simm.s32 $0x0;
	s3 =	srdreg.scid;
	s8 =	stileid.u32  }
0x4: {  	s12 =	simm.s32 $0x4;
	s14 =	simm.s32 $0x80;
	s15 =	simm.s32 $0x800  }
0x5: {  	s16 =	simm.s32 $0x6800;
	s17 =	simm.s32 $0x2800;
	s19 =	simm.s32 $0x8800  }
0x6: {  	s20 =	simm.s32 $0x1;
	s21 =	simm.s32 $0x2;
	s23 =	simm.s32 $0x4800  }
0x7: {  	s25 =	simm.s32 $0xA800;
	s26 =	simm.s32 $0x3;
	s28 =	simm.s32 $0x180  }
0x8: {  	s30 =	simm.s32 $0x200;
	s18 =	simm.s32 $0x300;
	s29 =	simm.s32 $0x380  }
0x9: {  	s11 =	simm.s32 $0x0;
	[smem:$0x7FF] =	sst s2;
	s4 =	sadd.s32 $0x3E00, s0  }
0xa: {  	s3 =	sand.u32 $0x1, s3;
	s5 =	sadd.s32 $0x1E00, s0;
	s6 =	sshll.u32 s8, $0xC  }
0xb: {  	s8 =	sshll.u32 s8, $0x8;
	_ =	strace $0x80000047;
	s7 =	sshll.u32 s3, $0x10  }
0xc: {  	s9 =	sshll.u32 s3, $0x7;
	s3 =	ssub.s32 $0x2, s3;
	s7 =	sor.u32 s6, s7  }
0xd: {  	s8 =	sor.u32 s9, s8;
	s31 =	sshrl.u32 s3, $0x1;
	s6 =	sadd.s32 s6, s1  }
0xe: {  	s7 =	sshrl.u32 s7, $0x3;
	s8 =	sadd.s32 s8, s0;
	s3 =	ssub.s32 s3, s31  }
0xf: {  	s0 =	sadd.s32 s7, s0;
	s7 =	sadd.s32 $0x6E00, s8;
	s8 =	sadd.s32 $0x5E00, s8  }
0x10: {  	v0 =	vimm.f32 $0.0e+00;
	s10 =	smax.u32 s3, $0x1;
	s9 =	sadd.s32 $0x7E00, s0;
	s0 =	simm.s32 $0x280  }
.LBB2_1:
0x11: {  	s3 =	simm.s32 $0xC840  }
0x12: {  	[tilespmem:s3+$0xFFFFFFC0] =	vst v0  }
0x13: {  	[tilespmem:s3+$0x30] =	vst v0  }
0x14: {  	[tilespmem:s3+$0x20] =	vst v0  }
0x15: {  	[tilespmem:s3+$0x10] =	vst v0  }
0x16: {  	[tilespmem:s3+$0x0] =	vst v0  }
0x17: {  	[tilespmem:s3+$0xFFFFFFF0] =	vst v0  }
0x18: {  	s13 =	simm.s32 $0x0;
	[tilespmem:s3+$0xFFFFFFE0] =	vst v0  }
.LBB2_2:
0x19: {  	s13 =	sadd.s32 $0x2, s13;
	[tilespmem:s3+$0xFFFFFFD0] =	vst v0;
	s3 =	sadd.s32 $0x80, s3  }
0x1a: {  	[tilespmem:s3+$0xFFFFFFC0] =	vst v0;
	p0 =	slt.u32 s13, $0x3E  }
0x1b: {  	[tilespmem:s3+$0x30] =	vst v0  }
.Ltmp0:
0x1c: {  	[tilespmem:s3+$0x20] =	vst v0;
	(pc) =	sbr.rel @p0 .LBB2_2-.Ltmp0, $4  }
0x1d: {  	[tilespmem:s3+$0x10] =	vst v0  }
0x1e: {  	[tilespmem:s3+$0x0] =	vst v0  }
0x1f: {  	[tilespmem:s3+$0xFFFFFFF0] =	vst v0  }
0x20: {  	[tilespmem:s3+$0xFFFFFFE0] =	vst v0  }
0x21: {  	[tilespmem:s3+$0xFFFFFFD0] =	vst v0;
	s13 =	simm.s32 $0xC800  }
0x22: {  	[spmem:s6] =	stream.linear.scatter [tilespmem:s13], [sflag:$0x4], $0x1000, $0x38;
	[tilespmem:$0xE800] =	vst v63  }
0x23: {  	_ =	swait.ge [sflag:s12], $0x1000  }
0x24: {  	[sflag:s12] =	ssyncset.done $0x0  }
0x25: {  	[sflag:s12] =	ssyncadd.s32 $0xFFFFF000  }
0x26: {  	[bflag:$0x0] =	sbarrier.arrive $0xFFFF  }
0x27: {  	[tilespmem:s2], [sflag:$0x4] =	stream.linear.gather [hbm4b:s7+s2], $0x400, $0x38;
	[tilespmem:$0xE800] =	vst v63  }
0x28: {  	_ =	swait.ge [sflag:s12], $0x400  }
0x29: {  	[sflag:s12] =	ssyncset.done $0x0  }
0x2a: {  	s22 =	simm.s32 $0x400;
	[sflag:s12] =	ssyncadd.s32 $0xFFFFFC00  }
0x2b: {  	[tilespmem:s22], [sflag:$0x4] =	stream.linear.gather [hbm4b:s8+s2], $0x400, $0x38;
	[tilespmem:$0xE800] =	vst v63  }
0x2c: {  	_ =	swait.ge [sflag:s12], $0x400  }
0x2d: {  	[sflag:s12] =	ssyncset.done $0x0  }
0x2e: {  	[sflag:s12] =	ssyncadd.s32 $0xFFFFFC00  }
0x2f: {  	[tilespmem:s15], [sflag:$0x1] =	stream.indirect.gather [hbm4b:s4+s14], $0x40, s2, s14, $0xb8;
	[tilespmem:$0xE800] =	vst v63  }
0x30: {  	_ = 	snop  }
0x31: {  	[tilespmem:s16], [sflag:$0x2] =	stream.indirect.gather [hbm4b:s5+s14], $0x40, s22, s14, $0xb8;
	[tilespmem:$0xE800] =	vst v63  }
0x32: {  	_ = 	snop  }
0x33: {  	[tilespmem:s17], [sflag:$0x1] =	stream.indirect.gather [hbm4b:s4+s14], $0x40, s14, s14, $0xb8;
	[tilespmem:$0xE800] =	vst v63  }
0x34: {  	s24 =	simm.s32 $0x480  }
0x35: {  	[tilespmem:s19], [sflag:$0x2] =	stream.indirect.gather [hbm4b:s5+s14], $0x40, s24, s14, $0xb8;
	[tilespmem:$0xE800] =	vst v63  }
0x36: {  	_ =	swait.ge [sflag:s20], $0x2000  }
0x37: {  	[sflag:s20] =	ssyncset.done $0x0  }
0x38: {  	[sflag:s20] =	ssyncadd.s32 $0xFFFFE000  }
0x39: {  	_ =	swait.ge [sflag:s21], $0x2000  }
0x3a: {  	[sflag:s21] =	ssyncset.done $0x0  }
0x3b: {  	s24 =	simm.s32 $0x880;
	[sflag:s21] =	ssyncadd.s32 $0xFFFFE000  }
0x3c: {  	s31 =	simm.s32 $0x6880;
	v1 =	vld [tilespmem:s24+$0x40]  }
0x3d: {  	v2 =	vld [tilespmem:s31+$0x40]  }
0x3e: {  	v3 =	vld [tilespmem:s31+$0xFFFFFF80]  }
0x3f: {  	v4 =	vld [tilespmem:s24+$0xFFFFFFC0]  }
0x40: {  	v5 =	vld [tilespmem:s31+$0xFFFFFFC0]  }
0x41: {  	v6 =	vld [tilespmem:s31+$0x0]  }
0x42: {  	v1 =	vadd.f32 v2, v1;
	v2 =	vld [tilespmem:s24+$0x0]  }
0x43: {  	v7 =	vld [tilespmem:s24+$0xFFFFFF80]  }
0x44: {  	v1 =	vmax.f32 v1, $0.0e+00  }
0x45: {  	v4 =	vadd.f32 v5, v4;
	[tilespmem:s24+$0x40] =	vst v1;
	v1 =	vld [tilespmem:s24+$0x50]  }
0x46: {  	v8 =	vld [tilespmem:s31+$0x50]  }
0x47: {  	v9 =	vld [tilespmem:s24+$0xFFFFFFD0];
	v4 =	vmax.f32 v4, $0.0e+00;
	v2 =	vadd.f32 v6, v2  }
0x48: {  	v5 =	vld [tilespmem:s24+$0xFFFFFF90];
	v3 =	vadd.f32 v3, v7;
	[tilespmem:s24+$0xFFFFFFC0] =	vst v4  }
0x49: {  	v6 =	vld [tilespmem:s31+$0xFFFFFFD0];
	v2 =	vmax.f32 v2, $0.0e+00  }
0x4a: {  	v3 =	vmax.f32 v3, $0.0e+00;
	v4 =	vld [tilespmem:s24+$0x10];
	[tilespmem:s24+$0x0] =	vst v2  }
0x4b: {  	[tilespmem:s24+$0xFFFFFF80] =	vst v3;
	v1 =	vadd.f32 v8, v1;
	v2 =	vld [tilespmem:s31+$0x10]  }
0x4c: {  	v3 =	vld [tilespmem:s31+$0xFFFFFF90]  }
0x4d: {  	v1 =	vmax.f32 v1, $0.0e+00  }
0x4e: {  	v6 =	vadd.f32 v6, v9;
	[tilespmem:s24+$0x50] =	vst v1;
	v1 =	vld [tilespmem:s24+$0x60]  }
0x4f: {  	v8 =	vld [tilespmem:s31+$0x60]  }
0x50: {  	v10 =	vld [tilespmem:s24+$0x20];
	v6 =	vmax.f32 v6, $0.0e+00;
	v2 =	vadd.f32 v2, v4  }
0x51: {  	v3 =	vadd.f32 v3, v5;
	v9 =	vld [tilespmem:s24+$0xFFFFFFE0];
	[tilespmem:s24+$0xFFFFFFD0] =	vst v6  }
0x52: {  	v4 =	vld [tilespmem:s31+$0xFFFFFFE0];
	v2 =	vmax.f32 v2, $0.0e+00  }
0x53: {  	v7 =	vld [tilespmem:s24+$0xFFFFFFA0];
	v3 =	vmax.f32 v3, $0.0e+00;
	[tilespmem:s24+$0x10] =	vst v2  }
0x54: {  	[tilespmem:s24+$0xFFFFFF90] =	vst v3;
	v1 =	vadd.f32 v8, v1;
	v2 =	vld [tilespmem:s31+$0x20]  }
0x55: {  	v6 =	vld [tilespmem:s31+$0xFFFFFFA0]  }
0x56: {  	v3 =	vmax.f32 v1, $0.0e+00;
	v1 =	vld [tilespmem:s24+$0xFFFFFFB0]  }
0x57: {  	v4 =	vadd.f32 v4, v9;
	[tilespmem:s24+$0x60] =	vst v3;
	v3 =	vld [tilespmem:s24+$0x70]  }
0x58: {  	v5 =	vld [tilespmem:s31+$0x70]  }
0x59: {  	v8 =	vmax.f32 v4, $0.0e+00;
	v4 =	vld [tilespmem:s24+$0xFFFFFFF0];
	v9 =	vadd.f32 v2, v10  }
0x5a: {  	v7 =	vadd.f32 v6, v7;
	[tilespmem:s24+$0xFFFFFFE0] =	vst v8;
	v2 =	vld [tilespmem:s24+$0x30]  }
0x5b: {  	s3 =	simm.s32 $0x0;
	s13 =	simm.s32 $0x6880;
	s22 =	simm.s32 $0x980;
	v6 =	vld [tilespmem:s31+$0xFFFFFFF0];
	v8 =	vmax.f32 v9, $0.0e+00  }
.LBB2_4:
0x5c: {  	v9 =	vld [tilespmem:s22+$0x40];
	v7 =	vmax.f32 v7, $0.0e+00;
	[tilespmem:s24+$0x20] =	vst v8;
	s31 =	sadd.s32 $0x100, s31  }
0x5d: {  	s3 =	sadd.s32 $0x4, s3;
	v8 =	vld [tilespmem:s31+$0x40];
	[tilespmem:s24+$0xFFFFFFA0] =	vst v7;
	v3 =	vadd.f32 v5, v3  }
0x5e: {  	p0 =	slt.u32 s3, $0x7C;
	v5 =	vld [tilespmem:s31+$0xFFFFFF80]  }
0x5f: {  	v7 =	vld [tilespmem:s22+$0xFFFFFFC0];
	v3 =	vmax.f32 v3, $0.0e+00  }
0x60: {  	v10 =	vld [tilespmem:s31+$0xFFFFFFC0];
	v4 =	vadd.f32 v6, v4;
	[tilespmem:s24+$0x70] =	vst v3  }
0x61: {  	v3 =	vld [tilespmem:s22+$0x0]  }
0x62: {  	v6 =	vld [tilespmem:s31+$0x0];
	v8 =	vadd.f32 v8, v9;
	v4 =	vmax.f32 v4, $0.0e+00  }
0x63: {  	v9 =	vld [tilespmem:s22+$0xFFFFFF80];
	[tilespmem:s24+$0xFFFFFFF0] =	vst v4  }
0x64: {  	v4 =	vld [tilespmem:s22+$0xFFFFFF90];
	v8 =	vmax.f32 v8, $0.0e+00  }
0x65: {  	v7 =	vadd.f32 v10, v7;
	[tilespmem:s22+$0x40] =	vst v8;
	v8 =	vld [tilespmem:s22+$0x50]  }
0x66: {  	v10 =	vld [tilespmem:s31+$0x50]  }
0x67: {  	v7 =	vmax.f32 v7, $0.0e+00;
	v11 =	vld [tilespmem:s22+$0xFFFFFFD0];
	v3 =	vadd.f32 v6, v3  }
0x68: {  	v5 =	vadd.f32 v5, v9;
	[tilespmem:s22+$0xFFFFFFC0] =	vst v7;
	v6 =	vld [tilespmem:s22+$0x10]  }
0x69: {  	v7 =	vld [tilespmem:s31+$0xFFFFFFD0];
	v3 =	vmax.f32 v3, $0.0e+00  }
0x6a: {  	v5 =	vmax.f32 v5, $0.0e+00;
	v9 =	vld [tilespmem:s22+$0xFFFFFFA0];
	[tilespmem:s22+$0x0] =	vst v3  }
0x6b: {  	[tilespmem:s22+$0xFFFFFF80] =	vst v5;
	v3 =	vld [tilespmem:s31+$0x10];
	v5 =	vadd.f32 v10, v8  }
0x6c: {  	v8 =	vld [tilespmem:s31+$0xFFFFFF90]  }
0x6d: {  	v10 =	vld [tilespmem:s22+$0xFFFFFFE0];
	v5 =	vmax.f32 v5, $0.0e+00  }
0x6e: {  	v7 =	vadd.f32 v7, v11;
	[tilespmem:s22+$0x50] =	vst v5;
	v5 =	vld [tilespmem:s22+$0x60]  }
0x6f: {  	v11 =	vld [tilespmem:s31+$0x60]  }
0x70: {  	v7 =	vmax.f32 v7, $0.0e+00;
	v3 =	vadd.f32 v3, v6;
	v6 =	vld [tilespmem:s22+$0x20]  }
0x71: {  	v4 =	vadd.f32 v8, v4;
	[tilespmem:s22+$0xFFFFFFD0] =	vst v7;
	v7 =	vld [tilespmem:s13+$0xFFFFFFB0]  }
0x72: {  	v8 =	vld [tilespmem:s31+$0xFFFFFFE0];
	v3 =	vmax.f32 v3, $0.0e+00  }
0x73: {  	v4 =	vmax.f32 v4, $0.0e+00;
	[tilespmem:s22+$0x10] =	vst v3;
	v12 =	vld [tilespmem:s13+$0x30];
	s13 =	smov.u32 s31  }
0x74: {  	[tilespmem:s22+$0xFFFFFF90] =	vst v4;
	v13 =	vld [tilespmem:s31+$0x20];
	v3 =	vadd.f32 v11, v5  }
0x75: {  	v11 =	vld [tilespmem:s31+$0xFFFFFFA0]  }
0x76: {  	v3 =	vmax.f32 v3, $0.0e+00;
	v4 =	vadd.f32 v7, v1;
	v1 =	vld [tilespmem:s22+$0xFFFFFFB0]  }
.Ltmp1:
0x77: {  	v7 =	vadd.f32 v8, v10;
	[tilespmem:s22+$0x60] =	vst v3;
	v3 =	vld [tilespmem:s22+$0x70];
	(pc) =	sbr.rel @p0 .LBB2_4-.Ltmp1, $4  }
0x78: {  	v5 =	vld [tilespmem:s31+$0x70];
	v8 =	vmax.f32 v4, $0.0e+00;
	v10 =	vadd.f32 v12, v2  }
0x79: {  	v2 =	vmax.f32 v7, $0.0e+00;
	v4 =	vld [tilespmem:s22+$0xFFFFFFF0];
	v12 =	vadd.f32 v13, v6;
	[tilespmem:s24+$0xFFFFFFB0] =	vst v8  }
0x7a: {  	v7 =	vadd.f32 v11, v9;
	[tilespmem:s22+$0xFFFFFFE0] =	vst v2;
	v2 =	vld [tilespmem:s22+$0x30];
	v9 =	vmax.f32 v10, $0.0e+00  }
0x7b: {  	v6 =	vld [tilespmem:s31+$0xFFFFFFF0];
	v8 =	vmax.f32 v12, $0.0e+00;
	[tilespmem:s24+$0x30] =	vst v9;
	s24 =	smov.u32 s22;
	s22 =	sadd.s32 $0x100, s22  }
0x7c: {  	v7 =	vmax.f32 v7, $0.0e+00  }
0x7d: {  	[tilespmem:s24+$0xFFFFFFA0] =	vst v7  }
0x7e: {  	[tilespmem:s24+$0x20] =	vst v8;
	v7 =	vld [tilespmem:s13+$0xFFFFFFB0]  }
0x7f: {  	v8 =	vld [tilespmem:s13+$0x30];
	_ =	sdelay $0x1  }
0x80: {  	v3 =	vadd.f32 v5, v3  }
0x81: {  	v4 =	vadd.f32 v6, v4  }
0x82: {  	v3 =	vmax.f32 v3, $0.0e+00;
	v1 =	vadd.f32 v7, v1  }
0x83: {  	[tilespmem:s24+$0x70] =	vst v3;
	v3 =	vmax.f32 v4, $0.0e+00;
	v2 =	vadd.f32 v8, v2  }
0x84: {  	[tilespmem:s24+$0xFFFFFFF0] =	vst v3;
	v1 =	vmax.f32 v1, $0.0e+00  }
0x85: {  	[tilespmem:s24+$0xFFFFFFB0] =	vst v1;
	v1 =	vmax.f32 v2, $0.0e+00  }
0x86: {  	[tilespmem:s24+$0x30] =	vst v1  }
0x87: {  	[spmem:s1] =	stream.indirect.scatter.add.f32 [tilespmem:s15], [sflag:$0x3], $0x40, s2, s14, $0xb8;
	[tilespmem:$0xE800] =	vst v63  }
0x88: {  	s3 =	simm.s32 $0x100  }
0x89: {  	[tilespmem:s23], [sflag:$0x1] =	stream.indirect.gather [hbm4b:s4+s14], $0x40, s3, s14, $0xb8;
	[tilespmem:$0xE800] =	vst v63  }
0x8a: {  	s24 =	simm.s32 $0x500  }
0x8b: {  	[tilespmem:s25], [sflag:$0x2] =	stream.indirect.gather [hbm4b:s5+s14], $0x40, s24, s14, $0xb8;
	[tilespmem:$0xE800] =	vst v63  }
0x8c: {  	_ =	swait.ge [sflag:s20], $0x2000  }
0x8d: {  	[sflag:s20] =	ssyncset.done $0x0  }
0x8e: {  	[sflag:s20] =	ssyncadd.s32 $0xFFFFE000  }
0x8f: {  	_ =	swait.ge [sflag:s21], $0x2000  }
0x90: {  	[sflag:s21] =	ssyncset.done $0x0  }
0x91: {  	s24 =	simm.s32 $0x28F0;
	[sflag:s21] =	ssyncadd.s32 $0xFFFFE000  }
0x92: {  	s31 =	simm.s32 $0x88F0;
	v1 =	vld [tilespmem:s24+$0xFFFFFFD0]  }
0x93: {  	v2 =	vld [tilespmem:s31+$0xFFFFFFD0]  }
0x94: {  	v3 =	vld [tilespmem:s31+$0xFFFFFF10]  }
0x95: {  	v4 =	vld [tilespmem:s24+$0xFFFFFF50]  }
0x96: {  	v5 =	vld [tilespmem:s31+$0xFFFFFF50]  }
0x97: {  	v6 =	vld [tilespmem:s31+$0xFFFFFF90]  }
0x98: {  	v1 =	vadd.f32 v2, v1;
	v2 =	vld [tilespmem:s24+$0xFFFFFF90]  }
0x99: {  	v7 =	vld [tilespmem:s24+$0xFFFFFF10]  }
0x9a: {  	v1 =	vmax.f32 v1, $0.0e+00  }
0x9b: {  	v4 =	vadd.f32 v5, v4;
	[tilespmem:s24+$0xFFFFFFD0] =	vst v1;
	v1 =	vld [tilespmem:s24+$0xFFFFFFE0]  }
0x9c: {  	v8 =	vld [tilespmem:s31+$0xFFFFFFE0]  }
0x9d: {  	v9 =	vld [tilespmem:s24+$0xFFFFFF60];
	v4 =	vmax.f32 v4, $0.0e+00;
	v2 =	vadd.f32 v6, v2  }
0x9e: {  	v5 =	vld [tilespmem:s24+$0xFFFFFF20];
	v3 =	vadd.f32 v3, v7;
	[tilespmem:s24+$0xFFFFFF50] =	vst v4  }
0x9f: {  	v6 =	vld [tilespmem:s31+$0xFFFFFF60];
	v2 =	vmax.f32 v2, $0.0e+00  }
0xa0: {  	v3 =	vmax.f32 v3, $0.0e+00;
	v4 =	vld [tilespmem:s24+$0xFFFFFFA0];
	[tilespmem:s24+$0xFFFFFF90] =	vst v2  }
0xa1: {  	[tilespmem:s24+$0xFFFFFF10] =	vst v3;
	v1 =	vadd.f32 v8, v1;
	v2 =	vld [tilespmem:s31+$0xFFFFFFA0]  }
0xa2: {  	v3 =	vld [tilespmem:s31+$0xFFFFFF20]  }
0xa3: {  	v1 =	vmax.f32 v1, $0.0e+00  }
0xa4: {  	v6 =	vadd.f32 v6, v9;
	[tilespmem:s24+$0xFFFFFFE0] =	vst v1;
	v1 =	vld [tilespmem:s24+$0xFFFFFFF0]  }
0xa5: {  	v8 =	vld [tilespmem:s31+$0xFFFFFFF0]  }
0xa6: {  	v10 =	vld [tilespmem:s24+$0xFFFFFFB0];
	v6 =	vmax.f32 v6, $0.0e+00;
	v2 =	vadd.f32 v2, v4  }
0xa7: {  	v3 =	vadd.f32 v3, v5;
	v9 =	vld [tilespmem:s24+$0xFFFFFF70];
	[tilespmem:s24+$0xFFFFFF60] =	vst v6  }
0xa8: {  	v4 =	vld [tilespmem:s31+$0xFFFFFF70];
	v2 =	vmax.f32 v2, $0.0e+00  }
0xa9: {  	v7 =	vld [tilespmem:s24+$0xFFFFFF30];
	v3 =	vmax.f32 v3, $0.0e+00;
	[tilespmem:s24+$0xFFFFFFA0] =	vst v2  }
0xaa: {  	[tilespmem:s24+$0xFFFFFF20] =	vst v3;
	v1 =	vadd.f32 v8, v1;
	v2 =	vld [tilespmem:s31+$0xFFFFFFB0]  }
0xab: {  	v6 =	vld [tilespmem:s31+$0xFFFFFF30]  }
0xac: {  	v3 =	vmax.f32 v1, $0.0e+00;
	v1 =	vld [tilespmem:s24+$0xFFFFFF40]  }
0xad: {  	v4 =	vadd.f32 v4, v9;
	[tilespmem:s24+$0xFFFFFFF0] =	vst v3;
	v3 =	vld [tilespmem:s24+$0x0]  }
0xae: {  	v5 =	vld [tilespmem:s31+$0x0]  }
0xaf: {  	v8 =	vmax.f32 v4, $0.0e+00;
	v4 =	vld [tilespmem:s24+$0xFFFFFF80];
	v9 =	vadd.f32 v2, v10  }
0xb0: {  	v7 =	vadd.f32 v6, v7;
	[tilespmem:s24+$0xFFFFFF70] =	vst v8;
	v2 =	vld [tilespmem:s24+$0xFFFFFFC0]  }
0xb1: {  	s22 =	simm.s32 $0x29F0;
	s13 =	simm.s32 $0x88F0;
	s3 =	simm.s32 $0x0;
	v6 =	vld [tilespmem:s31+$0xFFFFFF80];
	v8 =	vmax.f32 v9, $0.0e+00  }
.LBB2_6:
0xb2: {  	v9 =	vld [tilespmem:s22+$0xFFFFFFD0];
	v7 =	vmax.f32 v7, $0.0e+00;
	[tilespmem:s24+$0xFFFFFFB0] =	vst v8;
	s31 =	sadd.s32 $0x100, s31  }
0xb3: {  	s3 =	sadd.s32 $0x4, s3;
	v8 =	vld [tilespmem:s31+$0xFFFFFFD0];
	[tilespmem:s24+$0xFFFFFF30] =	vst v7;
	v3 =	vadd.f32 v5, v3  }
0xb4: {  	p0 =	slt.u32 s3, $0x7C;
	v5 =	vld [tilespmem:s31+$0xFFFFFF10]  }
0xb5: {  	v7 =	vld [tilespmem:s22+$0xFFFFFF50];
	v3 =	vmax.f32 v3, $0.0e+00  }
0xb6: {  	v10 =	vld [tilespmem:s31+$0xFFFFFF50];
	v4 =	vadd.f32 v6, v4;
	[tilespmem:s24+$0x0] =	vst v3  }
0xb7: {  	v3 =	vld [tilespmem:s22+$0xFFFFFF90]  }
0xb8: {  	v6 =	vld [tilespmem:s31+$0xFFFFFF90];
	v8 =	vadd.f32 v8, v9;
	v4 =	vmax.f32 v4, $0.0e+00  }
0xb9: {  	v9 =	vld [tilespmem:s22+$0xFFFFFF10];
	[tilespmem:s24+$0xFFFFFF80] =	vst v4  }
0xba: {  	v4 =	vld [tilespmem:s22+$0xFFFFFF20];
	v8 =	vmax.f32 v8, $0.0e+00  }
0xbb: {  	v7 =	vadd.f32 v10, v7;
	[tilespmem:s22+$0xFFFFFFD0] =	vst v8;
	v8 =	vld [tilespmem:s22+$0xFFFFFFE0]  }
0xbc: {  	v10 =	vld [tilespmem:s31+$0xFFFFFFE0]  }
0xbd: {  	v7 =	vmax.f32 v7, $0.0e+00;
	v11 =	vld [tilespmem:s22+$0xFFFFFF60];
	v3 =	vadd.f32 v6, v3  }
0xbe: {  	v5 =	vadd.f32 v5, v9;
	[tilespmem:s22+$0xFFFFFF50] =	vst v7;
	v6 =	vld [tilespmem:s22+$0xFFFFFFA0]  }
0xbf: {  	v7 =	vld [tilespmem:s31+$0xFFFFFF60];
	v3 =	vmax.f32 v3, $0.0e+00  }
0xc0: {  	v5 =	vmax.f32 v5, $0.0e+00;
	v9 =	vld [tilespmem:s22+$0xFFFFFF30];
	[tilespmem:s22+$0xFFFFFF90] =	vst v3  }
0xc1: {  	[tilespmem:s22+$0xFFFFFF10] =	vst v5;
	v3 =	vld [tilespmem:s31+$0xFFFFFFA0];
	v5 =	vadd.f32 v10, v8  }
0xc2: {  	v8 =	vld [tilespmem:s31+$0xFFFFFF20]  }
0xc3: {  	v10 =	vld [tilespmem:s22+$0xFFFFFF70];
	v5 =	vmax.f32 v5, $0.0e+00  }
0xc4: {  	v7 =	vadd.f32 v7, v11;
	[tilespmem:s22+$0xFFFFFFE0] =	vst v5;
	v5 =	vld [tilespmem:s22+$0xFFFFFFF0]  }
0xc5: {  	v11 =	vld [tilespmem:s31+$0xFFFFFFF0]  }
0xc6: {  	v7 =	vmax.f32 v7, $0.0e+00;
	v3 =	vadd.f32 v3, v6;
	v6 =	vld [tilespmem:s22+$0xFFFFFFB0]  }
0xc7: {  	v4 =	vadd.f32 v8, v4;
	[tilespmem:s22+$0xFFFFFF60] =	vst v7;
	v7 =	vld [tilespmem:s13+$0xFFFFFF40]  }
0xc8: {  	v8 =	vld [tilespmem:s31+$0xFFFFFF70];
	v3 =	vmax.f32 v3, $0.0e+00  }
0xc9: {  	v4 =	vmax.f32 v4, $0.0e+00;
	[tilespmem:s22+$0xFFFFFFA0] =	vst v3;
	v12 =	vld [tilespmem:s13+$0xFFFFFFC0];
	s13 =	smov.u32 s31  }
0xca: {  	[tilespmem:s22+$0xFFFFFF20] =	vst v4;
	v13 =	vld [tilespmem:s31+$0xFFFFFFB0];
	v3 =	vadd.f32 v11, v5  }
0xcb: {  	v11 =	vld [tilespmem:s31+$0xFFFFFF30]  }
0xcc: {  	v3 =	vmax.f32 v3, $0.0e+00;
	v4 =	vadd.f32 v7, v1;
	v1 =	vld [tilespmem:s22+$0xFFFFFF40]  }
.Ltmp2:
0xcd: {  	v7 =	vadd.f32 v8, v10;
	[tilespmem:s22+$0xFFFFFFF0] =	vst v3;
	v3 =	vld [tilespmem:s22+$0x0];
	(pc) =	sbr.rel @p0 .LBB2_6-.Ltmp2, $4  }
0xce: {  	v5 =	vld [tilespmem:s31+$0x0];
	v8 =	vmax.f32 v4, $0.0e+00;
	v10 =	vadd.f32 v12, v2  }
0xcf: {  	v2 =	vmax.f32 v7, $0.0e+00;
	v4 =	vld [tilespmem:s22+$0xFFFFFF80];
	v12 =	vadd.f32 v13, v6;
	[tilespmem:s24+$0xFFFFFF40] =	vst v8  }
0xd0: {  	v7 =	vadd.f32 v11, v9;
	[tilespmem:s22+$0xFFFFFF70] =	vst v2;
	v2 =	vld [tilespmem:s22+$0xFFFFFFC0];
	v9 =	vmax.f32 v10, $0.0e+00  }
0xd1: {  	v6 =	vld [tilespmem:s31+$0xFFFFFF80];
	v8 =	vmax.f32 v12, $0.0e+00;
	[tilespmem:s24+$0xFFFFFFC0] =	vst v9;
	s24 =	smov.u32 s22;
	s22 =	sadd.s32 $0x100, s22  }
0xd2: {  	v7 =	vmax.f32 v7, $0.0e+00  }
0xd3: {  	[tilespmem:s24+$0xFFFFFF30] =	vst v7  }
0xd4: {  	[tilespmem:s24+$0xFFFFFFB0] =	vst v8;
	v7 =	vld [tilespmem:s13+$0xFFFFFF40]  }
0xd5: {  	v8 =	vld [tilespmem:s13+$0xFFFFFFC0];
	_ =	sdelay $0x1  }
0xd6: {  	v3 =	vadd.f32 v5, v3  }
0xd7: {  	v4 =	vadd.f32 v6, v4  }
0xd8: {  	v3 =	vmax.f32 v3, $0.0e+00;
	v1 =	vadd.f32 v7, v1  }
0xd9: {  	[tilespmem:s24+$0x0] =	vst v3;
	v3 =	vmax.f32 v4, $0.0e+00;
	v2 =	vadd.f32 v8, v2  }
0xda: {  	[tilespmem:s24+$0xFFFFFF80] =	vst v3;
	v1 =	vmax.f32 v1, $0.0e+00  }
0xdb: {  	[tilespmem:s24+$0xFFFFFF40] =	vst v1;
	v1 =	vmax.f32 v2, $0.0e+00  }
0xdc: {  	[tilespmem:s24+$0xFFFFFFC0] =	vst v1  }
0xdd: {  	[spmem:s1] =	stream.indirect.scatter.add.f32 [tilespmem:s17], [sflag:$0x3], $0x40, s14, s14, $0xb8;
	[tilespmem:$0xE800] =	vst v63  }
0xde: {  	_ =	swait.ge [sflag:s26], $0x2000  }
0xdf: {  	[sflag:s26] =	ssyncset.done $0x0  }
0xe0: {  	[sflag:s26] =	ssyncadd.s32 $0xFFFFE000  }
0xe1: {  	[tilespmem:s15], [sflag:$0x1] =	stream.indirect.gather [hbm4b:s4+s14], $0x40, s28, s14, $0xb8;
	[tilespmem:$0xE800] =	vst v63  }
0xe2: {  	s3 =	simm.s32 $0x580  }
0xe3: {  	[tilespmem:s16], [sflag:$0x2] =	stream.indirect.gather [hbm4b:s5+s14], $0x40, s3, s14, $0xb8;
	[tilespmem:$0xE800] =	vst v63  }
0xe4: {  	_ =	swait.ge [sflag:s20], $0x2000  }
0xe5: {  	[sflag:s20] =	ssyncset.done $0x0  }
0xe6: {  	[sflag:s20] =	ssyncadd.s32 $0xFFFFE000  }
0xe7: {  	_ =	swait.ge [sflag:s21], $0x2000  }
0xe8: {  	[sflag:s21] =	ssyncset.done $0x0  }
0xe9: {  	s24 =	simm.s32 $0x0;
	[sflag:s21] =	ssyncadd.s32 $0xFFFFE000  }
0xea: {  	v1 =	vld [tilespmem:s24+$0x48F0]  }
0xeb: {  	v2 =	vld [tilespmem:s24+$0xA8F0]  }
0xec: {  	v3 =	vld [tilespmem:s24+$0x4800]  }
0xed: {  	v4 =	vld [tilespmem:s24+$0xA800]  }
0xee: {  	v5 =	vld [tilespmem:s24+$0x4810]  }
0xef: {  	v6 =	vld [tilespmem:s24+$0xA810]  }
0xf0: {  	v7 =	vld [tilespmem:s24+$0x4820]  }
0xf1: {  	v8 =	vld [tilespmem:s24+$0xA820]  }
0xf2: {  	v9 =	vld [tilespmem:s24+$0x4830]  }
0xf3: {  	v10 =	vld [tilespmem:s24+$0xA830]  }
0xf4: {  	v11 =	vld [tilespmem:s24+$0x4840]  }
0xf5: {  	v12 =	vld [tilespmem:s24+$0xA840]  }
0xf6: {  	v13 =	vld [tilespmem:s24+$0x4850]  }
0xf7: {  	v14 =	vld [tilespmem:s24+$0xA850]  }
0xf8: {  	v15 =	vld [tilespmem:s24+$0x4860]  }
0xf9: {  	v16 =	vld [tilespmem:s24+$0xA860]  }
0xfa: {  	v17 =	vld [tilespmem:s24+$0x4870]  }
0xfb: {  	v60 =	vld [tilespmem:s24+$0x48A0];
	v1 =	vadd.f32 v2, v1  }
0xfc: {  	v2 =	vld [tilespmem:s24+$0xA870];
	v3 =	vadd.f32 v4, v3  }
0xfd: {  	v4 =	vld [tilespmem:s24+$0x4880];
	v5 =	vadd.f32 v6, v5;
	v1 =	vmax.f32 v1, $0.0e+00  }
0xfe: {  	v6 =	vld [tilespmem:s24+$0xA880];
	[tilespmem:s24+$0x48F0] =	vst v1;
	v1 =	vmax.f32 v3, $0.0e+00;
	v3 =	vadd.f32 v8, v7  }
0xff: {  	v7 =	vld [tilespmem:s24+$0x4890];
	[tilespmem:s24+$0x4800] =	vst v1;
	v1 =	vmax.f32 v5, $0.0e+00;
	v5 =	vadd.f32 v10, v9  }
0x100: {  	v8 =	vld [tilespmem:s24+$0xA890];
	[tilespmem:s24+$0x4810] =	vst v1;
	v1 =	vmax.f32 v3, $0.0e+00;
	v3 =	vadd.f32 v12, v11  }
0x101: {  	v61 =	vld [tilespmem:s24+$0xA8A0];
	[tilespmem:s24+$0x4820] =	vst v1;
	v1 =	vmax.f32 v5, $0.0e+00;
	v5 =	vadd.f32 v14, v13  }
0x102: {  	v62 =	vld [tilespmem:s24+$0x48B0];
	[tilespmem:s24+$0x4830] =	vst v1;
	v1 =	vmax.f32 v3, $0.0e+00;
	v3 =	vadd.f32 v16, v15  }
0x103: {  	v63 =	vld [tilespmem:s24+$0xA8B0];
	v2 =	vadd.f32 v2, v17;
	[tilespmem:s24+$0x4840] =	vst v1;
	v1 =	vmax.f32 v5, $0.0e+00  }
0x104: {  	v4 =	vadd.f32 v6, v4;
	[tilespmem:s24+$0x4850] =	vst v1;
	v3 =	vmax.f32 v3, $0.0e+00;
	v1 =	vld [tilespmem:s24+$0x48C0]  }
0x105: {  	v2 =	vmax.f32 v2, $0.0e+00;
	v5 =	vadd.f32 v8, v7;
	[tilespmem:s24+$0x4860] =	vst v3;
	v3 =	vld [tilespmem:s24+$0xA8C0]  }
0x106: {  	v6 =	vadd.f32 v61, v60;
	v4 =	vmax.f32 v4, $0.0e+00;
	[tilespmem:s24+$0x4870] =	vst v2;
	v2 =	vld [tilespmem:s24+$0x48D0]  }
0x107: {  	[tilespmem:s24+$0x4880] =	vst v4;
	v4 =	vmax.f32 v5, $0.0e+00;
	v5 =	vld [tilespmem:s24+$0xA8D0]  }
0x108: {  	s13 =	simm.s32 $0x400;
	s3 =	simm.s32 $0x0;
	v7 =	vmax.f32 v6, $0.0e+00;
	v6 =	vadd.f32 v63, v62;
	[tilespmem:s24+$0x4890] =	vst v4;
	v4 =	vld [tilespmem:s24+$0x48E0]  }
.LBB2_8:
0x109: {  	s22 =	sshra.s32 s13, $0x2;
	[tilespmem:s24+$0x48A0] =	vst v7;
	v7 =	vld [tilespmem:s24+$0xA8E0]  }
0x10a: {  	s3 =	sadd.s32 $0x4, s3;
	v8 =	vld [tilespmem:s22+$0x48F0];
	v6 =	vmax.f32 v6, $0.0e+00;
	v1 =	vadd.f32 v3, v1  }
0x10b: {  	p0 =	slt.u32 s3, $0x7C;
	v3 =	vld [tilespmem:s22+$0xA8F0];
	[tilespmem:s24+$0x48B0] =	vst v6  }
0x10c: {  	v6 =	vld [tilespmem:s22+$0x4800];
	v1 =	vmax.f32 v1, $0.0e+00;
	v2 =	vadd.f32 v5, v2  }
0x10d: {  	v5 =	vld [tilespmem:s22+$0xA800];
	[tilespmem:s24+$0x48C0] =	vst v1  }
0x10e: {  	v1 =	vld [tilespmem:s22+$0x4810];
	v2 =	vmax.f32 v2, $0.0e+00;
	v4 =	vadd.f32 v7, v4  }
0x10f: {  	v7 =	vld [tilespmem:s22+$0xA810];
	[tilespmem:s24+$0x48D0] =	vst v2  }
0x110: {  	v2 =	vld [tilespmem:s22+$0x4820];
	v3 =	vadd.f32 v3, v8;
	v4 =	vmax.f32 v4, $0.0e+00  }
0x111: {  	v8 =	vld [tilespmem:s22+$0xA820];
	[tilespmem:s24+$0x48E0] =	vst v4;
	s24 =	smov.u32 s22  }
0x112: {  	v4 =	vadd.f32 v5, v6;
	v5 =	vld [tilespmem:s24+$0x4830];
	v3 =	vmax.f32 v3, $0.0e+00  }
0x113: {  	v6 =	vld [tilespmem:s24+$0xA830];
	[tilespmem:s24+$0x48F0] =	vst v3  }
0x114: {  	v3 =	vmax.f32 v4, $0.0e+00;
	v1 =	vadd.f32 v7, v1;
	v4 =	vld [tilespmem:s24+$0x4840]  }
0x115: {  	[tilespmem:s24+$0x4800] =	vst v3;
	v3 =	vld [tilespmem:s24+$0xA840]  }
0x116: {  	v1 =	vmax.f32 v1, $0.0e+00;
	v2 =	vadd.f32 v8, v2;
	v7 =	vld [tilespmem:s24+$0x4850]  }
0x117: {  	[tilespmem:s24+$0x4810] =	vst v1;
	v1 =	vld [tilespmem:s24+$0xA850]  }
0x118: {  	v2 =	vmax.f32 v2, $0.0e+00;
	v5 =	vadd.f32 v6, v5;
	v6 =	vld [tilespmem:s24+$0x4860]  }
0x119: {  	[tilespmem:s24+$0x4820] =	vst v2;
	v2 =	vld [tilespmem:s24+$0xA860]  }
0x11a: {  	v5 =	vmax.f32 v5, $0.0e+00;
	v3 =	vadd.f32 v3, v4;
	v4 =	vld [tilespmem:s24+$0x4870]  }
0x11b: {  	[tilespmem:s24+$0x4830] =	vst v5;
	v5 =	vld [tilespmem:s24+$0xA870]  }
0x11c: {  	v3 =	vmax.f32 v3, $0.0e+00;
	v1 =	vadd.f32 v1, v7;
	v7 =	vld [tilespmem:s24+$0x4880]  }
0x11d: {  	[tilespmem:s24+$0x4840] =	vst v3;
	v3 =	vld [tilespmem:s24+$0xA880]  }
0x11e: {  	v1 =	vmax.f32 v1, $0.0e+00;
	v2 =	vadd.f32 v2, v6;
	v6 =	vld [tilespmem:s24+$0x4890]  }
0x11f: {  	[tilespmem:s24+$0x4850] =	vst v1;
	v1 =	vld [tilespmem:s24+$0xA890]  }
0x120: {  	v2 =	vmax.f32 v2, $0.0e+00;
	v4 =	vadd.f32 v5, v4;
	v5 =	vld [tilespmem:s24+$0x48A0]  }
0x121: {  	[tilespmem:s24+$0x4860] =	vst v2;
	v2 =	vld [tilespmem:s24+$0xA8A0]  }
0x122: {  	v4 =	vmax.f32 v4, $0.0e+00;
	v3 =	vadd.f32 v3, v7;
	v8 =	vld [tilespmem:s24+$0x48B0]  }
0x123: {  	[tilespmem:s24+$0x4870] =	vst v4;
	v4 =	vld [tilespmem:s24+$0xA8B0]  }
.Ltmp3:
0x124: {  	v3 =	vmax.f32 v3, $0.0e+00;
	v6 =	vadd.f32 v1, v6;
	v1 =	vld [tilespmem:s24+$0x48C0];
	(pc) =	sbr.rel @p0 .LBB2_8-.Ltmp3, $4  }
0x125: {  	[tilespmem:s24+$0x4880] =	vst v3;
	v3 =	vld [tilespmem:s24+$0xA8C0]  }
0x126: {  	v6 =	vmax.f32 v6, $0.0e+00;
	v7 =	vadd.f32 v2, v5;
	v2 =	vld [tilespmem:s24+$0x48D0]  }
0x127: {  	[tilespmem:s24+$0x4890] =	vst v6;
	v5 =	vld [tilespmem:s24+$0xA8D0]  }
0x128: {  	s13 =	sadd.s32 $0x400, s13;
	v7 =	vmax.f32 v7, $0.0e+00;
	v6 =	vadd.f32 v4, v8;
	v4 =	vld [tilespmem:s24+$0x48E0]  }
0x129: {  	v8 =	vld [tilespmem:s24+$0xA8E0];
	_ =	sdelay $0x2  }
0x12a: {  	v1 =	vadd.f32 v3, v1  }
0x12b: {  	[tilespmem:s24+$0x48A0] =	vst v7;
	v3 =	vmax.f32 v6, $0.0e+00;
	v2 =	vadd.f32 v5, v2  }
0x12c: {  	[tilespmem:s24+$0x48B0] =	vst v3;
	v1 =	vmax.f32 v1, $0.0e+00;
	v3 =	vadd.f32 v8, v4  }
0x12d: {  	[tilespmem:s24+$0x48C0] =	vst v1;
	v1 =	vmax.f32 v2, $0.0e+00  }
0x12e: {  	[tilespmem:s24+$0x48D0] =	vst v1;
	v1 =	vmax.f32 v3, $0.0e+00  }
0x12f: {  	s3 =	simm.s32 $0x100;
	[tilespmem:s24+$0x48E0] =	vst v1  }
0x130: {  	[spmem:s1] =	stream.indirect.scatter.add.f32 [tilespmem:s23], [sflag:$0x3], $0x40, s3, s14, $0xb8;
	[tilespmem:$0xE800] =	vst v63  }
0x131: {  	_ =	swait.ge [sflag:s26], $0x2000  }
0x132: {  	[sflag:s26] =	ssyncset.done $0x0  }
0x133: {  	[sflag:s26] =	ssyncadd.s32 $0xFFFFE000  }
0x134: {  	[tilespmem:s17], [sflag:$0x1] =	stream.indirect.gather [hbm4b:s4+s14], $0x40, s30, s14, $0xb8;
	[tilespmem:$0xE800] =	vst v63  }
0x135: {  	s24 =	simm.s32 $0x600  }
0x136: {  	[tilespmem:s19], [sflag:$0x2] =	stream.indirect.gather [hbm4b:s5+s14], $0x40, s24, s14, $0xb8;
	[tilespmem:$0xE800] =	vst v63  }
0x137: {  	_ =	swait.ge [sflag:s20], $0x2000  }
0x138: {  	[sflag:s20] =	ssyncset.done $0x0  }
0x139: {  	[sflag:s20] =	ssyncadd.s32 $0xFFFFE000  }
0x13a: {  	_ =	swait.ge [sflag:s21], $0x2000  }
0x13b: {  	[sflag:s21] =	ssyncset.done $0x0  }
0x13c: {  	s24 =	simm.s32 $0x880;
	[sflag:s21] =	ssyncadd.s32 $0xFFFFE000  }
0x13d: {  	s31 =	simm.s32 $0x6880;
	v1 =	vld [tilespmem:s24+$0x40]  }
0x13e: {  	v2 =	vld [tilespmem:s31+$0x40]  }
0x13f: {  	v3 =	vld [tilespmem:s31+$0xFFFFFF80]  }
0x140: {  	v4 =	vld [tilespmem:s24+$0xFFFFFFC0]  }
0x141: {  	v5 =	vld [tilespmem:s31+$0xFFFFFFC0]  }
0x142: {  	v6 =	vld [tilespmem:s31+$0x0]  }
0x143: {  	v1 =	vadd.f32 v2, v1;
	v2 =	vld [tilespmem:s24+$0x0]  }
0x144: {  	v7 =	vld [tilespmem:s24+$0xFFFFFF80]  }
0x145: {  	v1 =	vmax.f32 v1, $0.0e+00  }
0x146: {  	v4 =	vadd.f32 v5, v4;
	[tilespmem:s24+$0x40] =	vst v1;
	v1 =	vld [tilespmem:s24+$0x50]  }
0x147: {  	v8 =	vld [tilespmem:s31+$0x50]  }
0x148: {  	v9 =	vld [tilespmem:s24+$0xFFFFFFD0];
	v4 =	vmax.f32 v4, $0.0e+00;
	v2 =	vadd.f32 v6, v2  }
0x149: {  	v5 =	vld [tilespmem:s24+$0xFFFFFF90];
	v3 =	vadd.f32 v3, v7;
	[tilespmem:s24+$0xFFFFFFC0] =	vst v4  }
0x14a: {  	v6 =	vld [tilespmem:s31+$0xFFFFFFD0];
	v2 =	vmax.f32 v2, $0.0e+00  }
0x14b: {  	v3 =	vmax.f32 v3, $0.0e+00;
	v4 =	vld [tilespmem:s24+$0x10];
	[tilespmem:s24+$0x0] =	vst v2  }
0x14c: {  	[tilespmem:s24+$0xFFFFFF80] =	vst v3;
	v1 =	vadd.f32 v8, v1;
	v2 =	vld [tilespmem:s31+$0x10]  }
0x14d: {  	v3 =	vld [tilespmem:s31+$0xFFFFFF90]  }
0x14e: {  	v1 =	vmax.f32 v1, $0.0e+00  }
0x14f: {  	v6 =	vadd.f32 v6, v9;
	[tilespmem:s24+$0x50] =	vst v1;
	v1 =	vld [tilespmem:s24+$0x60]  }
0x150: {  	v8 =	vld [tilespmem:s31+$0x60]  }
0x151: {  	v10 =	vld [tilespmem:s24+$0x20];
	v6 =	vmax.f32 v6, $0.0e+00;
	v2 =	vadd.f32 v2, v4  }
0x152: {  	v3 =	vadd.f32 v3, v5;
	v9 =	vld [tilespmem:s24+$0xFFFFFFE0];
	[tilespmem:s24+$0xFFFFFFD0] =	vst v6  }
0x153: {  	v4 =	vld [tilespmem:s31+$0xFFFFFFE0];
	v2 =	vmax.f32 v2, $0.0e+00  }
0x154: {  	v7 =	vld [tilespmem:s24+$0xFFFFFFA0];
	v3 =	vmax.f32 v3, $0.0e+00;
	[tilespmem:s24+$0x10] =	vst v2  }
0x155: {  	[tilespmem:s24+$0xFFFFFF90] =	vst v3;
	v1 =	vadd.f32 v8, v1;
	v2 =	vld [tilespmem:s31+$0x20]  }
0x156: {  	v6 =	vld [tilespmem:s31+$0xFFFFFFA0]  }
0x157: {  	v3 =	vmax.f32 v1, $0.0e+00;
	v1 =	vld [tilespmem:s24+$0xFFFFFFB0]  }
0x158: {  	v4 =	vadd.f32 v4, v9;
	[tilespmem:s24+$0x60] =	vst v3;
	v3 =	vld [tilespmem:s24+$0x70]  }
0x159: {  	v5 =	vld [tilespmem:s31+$0x70]  }
0x15a: {  	v8 =	vmax.f32 v4, $0.0e+00;
	v4 =	vld [tilespmem:s24+$0xFFFFFFF0];
	v9 =	vadd.f32 v2, v10  }
0x15b: {  	v7 =	vadd.f32 v6, v7;
	[tilespmem:s24+$0xFFFFFFE0] =	vst v8;
	v2 =	vld [tilespmem:s24+$0x30]  }
0x15c: {  	s22 =	simm.s32 $0x980;
	s13 =	simm.s32 $0x6880;
	s3 =	simm.s32 $0x0;
	v6 =	vld [tilespmem:s31+$0xFFFFFFF0];
	v8 =	vmax.f32 v9, $0.0e+00  }
.LBB2_10:
0x15d: {  	v9 =	vld [tilespmem:s22+$0x40];
	v7 =	vmax.f32 v7, $0.0e+00;
	[tilespmem:s24+$0x20] =	vst v8;
	s31 =	sadd.s32 $0x100, s31  }
0x15e: {  	s3 =	sadd.s32 $0x4, s3;
	v8 =	vld [tilespmem:s31+$0x40];
	[tilespmem:s24+$0xFFFFFFA0] =	vst v7;
	v3 =	vadd.f32 v5, v3  }
0x15f: {  	p0 =	slt.u32 s3, $0x7C;
	v5 =	vld [tilespmem:s31+$0xFFFFFF80]  }
0x160: {  	v7 =	vld [tilespmem:s22+$0xFFFFFFC0];
	v3 =	vmax.f32 v3, $0.0e+00  }
0x161: {  	v10 =	vld [tilespmem:s31+$0xFFFFFFC0];
	v4 =	vadd.f32 v6, v4;
	[tilespmem:s24+$0x70] =	vst v3  }
0x162: {  	v3 =	vld [tilespmem:s22+$0x0]  }
0x163: {  	v6 =	vld [tilespmem:s31+$0x0];
	v8 =	vadd.f32 v8, v9;
	v4 =	vmax.f32 v4, $0.0e+00  }
0x164: {  	v9 =	vld [tilespmem:s22+$0xFFFFFF80];
	[tilespmem:s24+$0xFFFFFFF0] =	vst v4  }
0x165: {  	v4 =	vld [tilespmem:s22+$0xFFFFFF90];
	v8 =	vmax.f32 v8, $0.0e+00  }
0x166: {  	v7 =	vadd.f32 v10, v7;
	[tilespmem:s22+$0x40] =	vst v8;
	v8 =	vld [tilespmem:s22+$0x50]  }
0x167: {  	v10 =	vld [tilespmem:s31+$0x50]  }
0x168: {  	v7 =	vmax.f32 v7, $0.0e+00;
	v11 =	vld [tilespmem:s22+$0xFFFFFFD0];
	v3 =	vadd.f32 v6, v3  }
0x169: {  	v5 =	vadd.f32 v5, v9;
	[tilespmem:s22+$0xFFFFFFC0] =	vst v7;
	v6 =	vld [tilespmem:s22+$0x10]  }
0x16a: {  	v7 =	vld [tilespmem:s31+$0xFFFFFFD0];
	v3 =	vmax.f32 v3, $0.0e+00  }
0x16b: {  	v5 =	vmax.f32 v5, $0.0e+00;
	v9 =	vld [tilespmem:s22+$0xFFFFFFA0];
	[tilespmem:s22+$0x0] =	vst v3  }
0x16c: {  	[tilespmem:s22+$0xFFFFFF80] =	vst v5;
	v3 =	vld [tilespmem:s31+$0x10];
	v5 =	vadd.f32 v10, v8  }
0x16d: {  	v8 =	vld [tilespmem:s31+$0xFFFFFF90]  }
0x16e: {  	v10 =	vld [tilespmem:s22+$0xFFFFFFE0];
	v5 =	vmax.f32 v5, $0.0e+00  }
0x16f: {  	v7 =	vadd.f32 v7, v11;
	[tilespmem:s22+$0x50] =	vst v5;
	v5 =	vld [tilespmem:s22+$0x60]  }
0x170: {  	v11 =	vld [tilespmem:s31+$0x60]  }
0x171: {  	v7 =	vmax.f32 v7, $0.0e+00;
	v3 =	vadd.f32 v3, v6;
	v6 =	vld [tilespmem:s22+$0x20]  }
0x172: {  	v4 =	vadd.f32 v8, v4;
	[tilespmem:s22+$0xFFFFFFD0] =	vst v7;
	v7 =	vld [tilespmem:s13+$0xFFFFFFB0]  }
0x173: {  	v8 =	vld [tilespmem:s31+$0xFFFFFFE0];
	v3 =	vmax.f32 v3, $0.0e+00  }
0x174: {  	v4 =	vmax.f32 v4, $0.0e+00;
	[tilespmem:s22+$0x10] =	vst v3;
	v12 =	vld [tilespmem:s13+$0x30];
	s13 =	smov.u32 s31  }
0x175: {  	[tilespmem:s22+$0xFFFFFF90] =	vst v4;
	v13 =	vld [tilespmem:s31+$0x20];
	v3 =	vadd.f32 v11, v5  }
0x176: {  	v11 =	vld [tilespmem:s31+$0xFFFFFFA0]  }
0x177: {  	v3 =	vmax.f32 v3, $0.0e+00;
	v4 =	vadd.f32 v7, v1;
	v1 =	vld [tilespmem:s22+$0xFFFFFFB0]  }
.Ltmp4:
0x178: {  	v7 =	vadd.f32 v8, v10;
	[tilespmem:s22+$0x60] =	vst v3;
	v3 =	vld [tilespmem:s22+$0x70];
	(pc) =	sbr.rel @p0 .LBB2_10-.Ltmp4, $4  }
0x179: {  	v5 =	vld [tilespmem:s31+$0x70];
	v8 =	vmax.f32 v4, $0.0e+00;
	v10 =	vadd.f32 v12, v2  }
0x17a: {  	v2 =	vmax.f32 v7, $0.0e+00;
	v4 =	vld [tilespmem:s22+$0xFFFFFFF0];
	v12 =	vadd.f32 v13, v6;
	[tilespmem:s24+$0xFFFFFFB0] =	vst v8  }
0x17b: {  	v7 =	vadd.f32 v11, v9;
	[tilespmem:s22+$0xFFFFFFE0] =	vst v2;
	v2 =	vld [tilespmem:s22+$0x30];
	v9 =	vmax.f32 v10, $0.0e+00  }
0x17c: {  	v6 =	vld [tilespmem:s31+$0xFFFFFFF0];
	v8 =	vmax.f32 v12, $0.0e+00;
	[tilespmem:s24+$0x30] =	vst v9;
	s24 =	smov.u32 s22;
	s22 =	sadd.s32 $0x100, s22  }
0x17d: {  	v7 =	vmax.f32 v7, $0.0e+00  }
0x17e: {  	[tilespmem:s24+$0xFFFFFFA0] =	vst v7  }
0x17f: {  	[tilespmem:s24+$0x20] =	vst v8;
	v7 =	vld [tilespmem:s13+$0xFFFFFFB0]  }
0x180: {  	v8 =	vld [tilespmem:s13+$0x30];
	_ =	sdelay $0x1  }
0x181: {  	v3 =	vadd.f32 v5, v3  }
0x182: {  	v4 =	vadd.f32 v6, v4  }
0x183: {  	v3 =	vmax.f32 v3, $0.0e+00;
	v1 =	vadd.f32 v7, v1  }
0x184: {  	[tilespmem:s24+$0x70] =	vst v3;
	v3 =	vmax.f32 v4, $0.0e+00;
	v2 =	vadd.f32 v8, v2  }
0x185: {  	[tilespmem:s24+$0xFFFFFFF0] =	vst v3;
	v1 =	vmax.f32 v1, $0.0e+00  }
0x186: {  	[tilespmem:s24+$0xFFFFFFB0] =	vst v1;
	v1 =	vmax.f32 v2, $0.0e+00  }
0x187: {  	[tilespmem:s24+$0x30] =	vst v1  }
0x188: {  	[spmem:s1] =	stream.indirect.scatter.add.f32 [tilespmem:s15], [sflag:$0x3], $0x40, s28, s14, $0xb8;
	[tilespmem:$0xE800] =	vst v63  }
0x189: {  	_ =	swait.ge [sflag:s26], $0x2000  }
0x18a: {  	[sflag:s26] =	ssyncset.done $0x0  }
0x18b: {  	[sflag:s26] =	ssyncadd.s32 $0xFFFFE000  }
0x18c: {  	[tilespmem:s23], [sflag:$0x1] =	stream.indirect.gather [hbm4b:s4+s14], $0x40, s0, s14, $0xb8;
	[tilespmem:$0xE800] =	vst v63  }
0x18d: {  	s3 =	simm.s32 $0x680  }
0x18e: {  	[tilespmem:s25], [sflag:$0x2] =	stream.indirect.gather [hbm4b:s5+s14], $0x40, s3, s14, $0xb8;
	[tilespmem:$0xE800] =	vst v63  }
0x18f: {  	_ =	swait.ge [sflag:s20], $0x2000  }
0x190: {  	[sflag:s20] =	ssyncset.done $0x0  }
0x191: {  	[sflag:s20] =	ssyncadd.s32 $0xFFFFE000  }
0x192: {  	_ =	swait.ge [sflag:s21], $0x2000  }
0x193: {  	[sflag:s21] =	ssyncset.done $0x0  }
0x194: {  	s24 =	simm.s32 $0x28F0;
	[sflag:s21] =	ssyncadd.s32 $0xFFFFE000  }
0x195: {  	s31 =	simm.s32 $0x88F0;
	v1 =	vld [tilespmem:s24+$0xFFFFFFD0]  }
0x196: {  	v2 =	vld [tilespmem:s31+$0xFFFFFFD0]  }
0x197: {  	v3 =	vld [tilespmem:s31+$0xFFFFFF10]  }
0x198: {  	v4 =	vld [tilespmem:s24+$0xFFFFFF50]  }
0x199: {  	v5 =	vld [tilespmem:s31+$0xFFFFFF50]  }
0x19a: {  	v6 =	vld [tilespmem:s31+$0xFFFFFF90]  }
0x19b: {  	v1 =	vadd.f32 v2, v1;
	v2 =	vld [tilespmem:s24+$0xFFFFFF90]  }
0x19c: {  	v7 =	vld [tilespmem:s24+$0xFFFFFF10]  }
0x19d: {  	v1 =	vmax.f32 v1, $0.0e+00  }
0x19e: {  	v4 =	vadd.f32 v5, v4;
	[tilespmem:s24+$0xFFFFFFD0] =	vst v1;
	v1 =	vld [tilespmem:s24+$0xFFFFFFE0]  }
0x19f: {  	v8 =	vld [tilespmem:s31+$0xFFFFFFE0]  }
0x1a0: {  	v9 =	vld [tilespmem:s24+$0xFFFFFF60];
	v4 =	vmax.f32 v4, $0.0e+00;
	v2 =	vadd.f32 v6, v2  }
0x1a1: {  	v5 =	vld [tilespmem:s24+$0xFFFFFF20];
	v3 =	vadd.f32 v3, v7;
	[tilespmem:s24+$0xFFFFFF50] =	vst v4  }
0x1a2: {  	v6 =	vld [tilespmem:s31+$0xFFFFFF60];
	v2 =	vmax.f32 v2, $0.0e+00  }
0x1a3: {  	v3 =	vmax.f32 v3, $0.0e+00;
	v4 =	vld [tilespmem:s24+$0xFFFFFFA0];
	[tilespmem:s24+$0xFFFFFF90] =	vst v2  }
0x1a4: {  	[tilespmem:s24+$0xFFFFFF10] =	vst v3;
	v1 =	vadd.f32 v8, v1;
	v2 =	vld [tilespmem:s31+$0xFFFFFFA0]  }
0x1a5: {  	v3 =	vld [tilespmem:s31+$0xFFFFFF20]  }
0x1a6: {  	v1 =	vmax.f32 v1, $0.0e+00  }
0x1a7: {  	v6 =	vadd.f32 v6, v9;
	[tilespmem:s24+$0xFFFFFFE0] =	vst v1;
	v1 =	vld [tilespmem:s24+$0xFFFFFFF0]  }
0x1a8: {  	v8 =	vld [tilespmem:s31+$0xFFFFFFF0]  }
0x1a9: {  	v10 =	vld [tilespmem:s24+$0xFFFFFFB0];
	v6 =	vmax.f32 v6, $0.0e+00;
	v2 =	vadd.f32 v2, v4  }
0x1aa: {  	v3 =	vadd.f32 v3, v5;
	v9 =	vld [tilespmem:s24+$0xFFFFFF70];
	[tilespmem:s24+$0xFFFFFF60] =	vst v6  }
0x1ab: {  	v4 =	vld [tilespmem:s31+$0xFFFFFF70];
	v2 =	vmax.f32 v2, $0.0e+00  }
0x1ac: {  	v7 =	vld [tilespmem:s24+$0xFFFFFF30];
	v3 =	vmax.f32 v3, $0.0e+00;
	[tilespmem:s24+$0xFFFFFFA0] =	vst v2  }
0x1ad: {  	[tilespmem:s24+$0xFFFFFF20] =	vst v3;
	v1 =	vadd.f32 v8, v1;
	v2 =	vld [tilespmem:s31+$0xFFFFFFB0]  }
0x1ae: {  	v6 =	vld [tilespmem:s31+$0xFFFFFF30]  }
0x1af: {  	v3 =	vmax.f32 v1, $0.0e+00;
	v1 =	vld [tilespmem:s24+$0xFFFFFF40]  }
0x1b0: {  	v4 =	vadd.f32 v4, v9;
	[tilespmem:s24+$0xFFFFFFF0] =	vst v3;
	v3 =	vld [tilespmem:s24+$0x0]  }
0x1b1: {  	v5 =	vld [tilespmem:s31+$0x0]  }
0x1b2: {  	v8 =	vmax.f32 v4, $0.0e+00;
	v4 =	vld [tilespmem:s24+$0xFFFFFF80];
	v9 =	vadd.f32 v2, v10  }
0x1b3: {  	v7 =	vadd.f32 v6, v7;
	[tilespmem:s24+$0xFFFFFF70] =	vst v8;
	v2 =	vld [tilespmem:s24+$0xFFFFFFC0]  }
0x1b4: {  	s22 =	simm.s32 $0x29F0;
	s13 =	simm.s32 $0x88F0;
	s3 =	simm.s32 $0x0;
	v6 =	vld [tilespmem:s31+$0xFFFFFF80];
	v8 =	vmax.f32 v9, $0.0e+00  }
.LBB2_12:
0x1b5: {  	v9 =	vld [tilespmem:s22+$0xFFFFFFD0];
	v7 =	vmax.f32 v7, $0.0e+00;
	[tilespmem:s24+$0xFFFFFFB0] =	vst v8;
	s31 =	sadd.s32 $0x100, s31  }
0x1b6: {  	s3 =	sadd.s32 $0x4, s3;
	v8 =	vld [tilespmem:s31+$0xFFFFFFD0];
	[tilespmem:s24+$0xFFFFFF30] =	vst v7;
	v3 =	vadd.f32 v5, v3  }
0x1b7: {  	p0 =	slt.u32 s3, $0x7C;
	v5 =	vld [tilespmem:s31+$0xFFFFFF10]  }
0x1b8: {  	v7 =	vld [tilespmem:s22+$0xFFFFFF50];
	v3 =	vmax.f32 v3, $0.0e+00  }
0x1b9: {  	v10 =	vld [tilespmem:s31+$0xFFFFFF50];
	v4 =	vadd.f32 v6, v4;
	[tilespmem:s24+$0x0] =	vst v3  }
0x1ba: {  	v3 =	vld [tilespmem:s22+$0xFFFFFF90]  }
0x1bb: {  	v6 =	vld [tilespmem:s31+$0xFFFFFF90];
	v8 =	vadd.f32 v8, v9;
	v4 =	vmax.f32 v4, $0.0e+00  }
0x1bc: {  	v9 =	vld [tilespmem:s22+$0xFFFFFF10];
	[tilespmem:s24+$0xFFFFFF80] =	vst v4  }
0x1bd: {  	v4 =	vld [tilespmem:s22+$0xFFFFFF20];
	v8 =	vmax.f32 v8, $0.0e+00  }
0x1be: {  	v7 =	vadd.f32 v10, v7;
	[tilespmem:s22+$0xFFFFFFD0] =	vst v8;
	v8 =	vld [tilespmem:s22+$0xFFFFFFE0]  }
0x1bf: {  	v10 =	vld [tilespmem:s31+$0xFFFFFFE0]  }
0x1c0: {  	v7 =	vmax.f32 v7, $0.0e+00;
	v11 =	vld [tilespmem:s22+$0xFFFFFF60];
	v3 =	vadd.f32 v6, v3  }
0x1c1: {  	v5 =	vadd.f32 v5, v9;
	[tilespmem:s22+$0xFFFFFF50] =	vst v7;
	v6 =	vld [tilespmem:s22+$0xFFFFFFA0]  }
0x1c2: {  	v7 =	vld [tilespmem:s31+$0xFFFFFF60];
	v3 =	vmax.f32 v3, $0.0e+00  }
0x1c3: {  	v5 =	vmax.f32 v5, $0.0e+00;
	v9 =	vld [tilespmem:s22+$0xFFFFFF30];
	[tilespmem:s22+$0xFFFFFF90] =	vst v3  }
0x1c4: {  	[tilespmem:s22+$0xFFFFFF10] =	vst v5;
	v3 =	vld [tilespmem:s31+$0xFFFFFFA0];
	v5 =	vadd.f32 v10, v8  }
0x1c5: {  	v8 =	vld [tilespmem:s31+$0xFFFFFF20]  }
0x1c6: {  	v10 =	vld [tilespmem:s22+$0xFFFFFF70];
	v5 =	vmax.f32 v5, $0.0e+00  }
0x1c7: {  	v7 =	vadd.f32 v7, v11;
	[tilespmem:s22+$0xFFFFFFE0] =	vst v5;
	v5 =	vld [tilespmem:s22+$0xFFFFFFF0]  }
0x1c8: {  	v11 =	vld [tilespmem:s31+$0xFFFFFFF0]  }
0x1c9: {  	v7 =	vmax.f32 v7, $0.0e+00;
	v3 =	vadd.f32 v3, v6;
	v6 =	vld [tilespmem:s22+$0xFFFFFFB0]  }
0x1ca: {  	v4 =	vadd.f32 v8, v4;
	[tilespmem:s22+$0xFFFFFF60] =	vst v7;
	v7 =	vld [tilespmem:s13+$0xFFFFFF40]  }
0x1cb: {  	v8 =	vld [tilespmem:s31+$0xFFFFFF70];
	v3 =	vmax.f32 v3, $0.0e+00  }
0x1cc: {  	v4 =	vmax.f32 v4, $0.0e+00;
	[tilespmem:s22+$0xFFFFFFA0] =	vst v3;
	v12 =	vld [tilespmem:s13+$0xFFFFFFC0];
	s13 =	smov.u32 s31  }
0x1cd: {  	[tilespmem:s22+$0xFFFFFF20] =	vst v4;
	v13 =	vld [tilespmem:s31+$0xFFFFFFB0];
	v3 =	vadd.f32 v11, v5  }
0x1ce: {  	v11 =	vld [tilespmem:s31+$0xFFFFFF30]  }
0x1cf: {  	v3 =	vmax.f32 v3, $0.0e+00;
	v4 =	vadd.f32 v7, v1;
	v1 =	vld [tilespmem:s22+$0xFFFFFF40]  }
.Ltmp5:
0x1d0: {  	v7 =	vadd.f32 v8, v10;
	[tilespmem:s22+$0xFFFFFFF0] =	vst v3;
	v3 =	vld [tilespmem:s22+$0x0];
	(pc) =	sbr.rel @p0 .LBB2_12-.Ltmp5, $4  }
0x1d1: {  	v5 =	vld [tilespmem:s31+$0x0];
	v8 =	vmax.f32 v4, $0.0e+00;
	v10 =	vadd.f32 v12, v2  }
0x1d2: {  	v2 =	vmax.f32 v7, $0.0e+00;
	v4 =	vld [tilespmem:s22+$0xFFFFFF80];
	v12 =	vadd.f32 v13, v6;
	[tilespmem:s24+$0xFFFFFF40] =	vst v8  }
0x1d3: {  	v7 =	vadd.f32 v11, v9;
	[tilespmem:s22+$0xFFFFFF70] =	vst v2;
	v2 =	vld [tilespmem:s22+$0xFFFFFFC0];
	v9 =	vmax.f32 v10, $0.0e+00  }
0x1d4: {  	v6 =	vld [tilespmem:s31+$0xFFFFFF80];
	v8 =	vmax.f32 v12, $0.0e+00;
	[tilespmem:s24+$0xFFFFFFC0] =	vst v9;
	s24 =	smov.u32 s22;
	s22 =	sadd.s32 $0x100, s22  }
0x1d5: {  	v7 =	vmax.f32 v7, $0.0e+00  }
0x1d6: {  	[tilespmem:s24+$0xFFFFFF30] =	vst v7  }
0x1d7: {  	[tilespmem:s24+$0xFFFFFFB0] =	vst v8;
	v7 =	vld [tilespmem:s13+$0xFFFFFF40]  }
0x1d8: {  	v8 =	vld [tilespmem:s13+$0xFFFFFFC0];
	_ =	sdelay $0x1  }
0x1d9: {  	v3 =	vadd.f32 v5, v3  }
0x1da: {  	v4 =	vadd.f32 v6, v4  }
0x1db: {  	v3 =	vmax.f32 v3, $0.0e+00;
	v1 =	vadd.f32 v7, v1  }
0x1dc: {  	[tilespmem:s24+$0x0] =	vst v3;
	v3 =	vmax.f32 v4, $0.0e+00;
	v2 =	vadd.f32 v8, v2  }
0x1dd: {  	[tilespmem:s24+$0xFFFFFF80] =	vst v3;
	v1 =	vmax.f32 v1, $0.0e+00  }
0x1de: {  	[tilespmem:s24+$0xFFFFFF40] =	vst v1;
	v1 =	vmax.f32 v2, $0.0e+00  }
0x1df: {  	[tilespmem:s24+$0xFFFFFFC0] =	vst v1  }
0x1e0: {  	[spmem:s1] =	stream.indirect.scatter.add.f32 [tilespmem:s17], [sflag:$0x3], $0x40, s30, s14, $0xb8;
	[tilespmem:$0xE800] =	vst v63  }
0x1e1: {  	_ =	swait.ge [sflag:s26], $0x2000  }
0x1e2: {  	[sflag:s26] =	ssyncset.done $0x0  }
0x1e3: {  	[sflag:s26] =	ssyncadd.s32 $0xFFFFE000  }
0x1e4: {  	[tilespmem:s15], [sflag:$0x1] =	stream.indirect.gather [hbm4b:s4+s14], $0x40, s18, s14, $0xb8;
	[tilespmem:$0xE800] =	vst v63  }
0x1e5: {  	s3 =	simm.s32 $0x700  }
0x1e6: {  	[tilespmem:s16], [sflag:$0x2] =	stream.indirect.gather [hbm4b:s5+s14], $0x40, s3, s14, $0xb8;
	[tilespmem:$0xE800] =	vst v63  }
0x1e7: {  	_ =	swait.ge [sflag:s20], $0x2000  }
0x1e8: {  	[sflag:s20] =	ssyncset.done $0x0  }
0x1e9: {  	[sflag:s20] =	ssyncadd.s32 $0xFFFFE000  }
0x1ea: {  	_ =	swait.ge [sflag:s21], $0x2000  }
0x1eb: {  	[sflag:s21] =	ssyncset.done $0x0  }
0x1ec: {  	s24 =	simm.s32 $0x0;
	[sflag:s21] =	ssyncadd.s32 $0xFFFFE000  }
0x1ed: {  	v1 =	vld [tilespmem:s24+$0x48F0]  }
0x1ee: {  	v2 =	vld [tilespmem:s24+$0xA8F0]  }
0x1ef: {  	v3 =	vld [tilespmem:s24+$0x4800]  }
0x1f0: {  	v4 =	vld [tilespmem:s24+$0xA800]  }
0x1f1: {  	v5 =	vld [tilespmem:s24+$0x4810]  }
0x1f2: {  	v6 =	vld [tilespmem:s24+$0xA810]  }
0x1f3: {  	v7 =	vld [tilespmem:s24+$0x4820]  }
0x1f4: {  	v8 =	vld [tilespmem:s24+$0xA820]  }
0x1f5: {  	v9 =	vld [tilespmem:s24+$0x4830]  }
0x1f6: {  	v10 =	vld [tilespmem:s24+$0xA830]  }
0x1f7: {  	v11 =	vld [tilespmem:s24+$0x4840]  }
0x1f8: {  	v12 =	vld [tilespmem:s24+$0xA840]  }
0x1f9: {  	v13 =	vld [tilespmem:s24+$0x4850]  }
0x1fa: {  	v14 =	vld [tilespmem:s24+$0xA850]  }
0x1fb: {  	v15 =	vld [tilespmem:s24+$0x4860]  }
0x1fc: {  	v16 =	vld [tilespmem:s24+$0xA860]  }
0x1fd: {  	v17 =	vld [tilespmem:s24+$0x4870]  }
0x1fe: {  	v60 =	vld [tilespmem:s24+$0x48A0];
	v1 =	vadd.f32 v2, v1  }
0x1ff: {  	v2 =	vld [tilespmem:s24+$0xA870];
	v3 =	vadd.f32 v4, v3  }
0x200: {  	v4 =	vld [tilespmem:s24+$0x4880];
	v5 =	vadd.f32 v6, v5;
	v1 =	vmax.f32 v1, $0.0e+00  }
0x201: {  	v6 =	vld [tilespmem:s24+$0xA880];
	[tilespmem:s24+$0x48F0] =	vst v1;
	v1 =	vmax.f32 v3, $0.0e+00;
	v3 =	vadd.f32 v8, v7  }
0x202: {  	v7 =	vld [tilespmem:s24+$0x4890];
	[tilespmem:s24+$0x4800] =	vst v1;
	v1 =	vmax.f32 v5, $0.0e+00;
	v5 =	vadd.f32 v10, v9  }
0x203: {  	v8 =	vld [tilespmem:s24+$0xA890];
	[tilespmem:s24+$0x4810] =	vst v1;
	v1 =	vmax.f32 v3, $0.0e+00;
	v3 =	vadd.f32 v12, v11  }
0x204: {  	v61 =	vld [tilespmem:s24+$0xA8A0];
	[tilespmem:s24+$0x4820] =	vst v1;
	v1 =	vmax.f32 v5, $0.0e+00;
	v5 =	vadd.f32 v14, v13  }
0x205: {  	v62 =	vld [tilespmem:s24+$0x48B0];
	[tilespmem:s24+$0x4830] =	vst v1;
	v1 =	vmax.f32 v3, $0.0e+00;
	v3 =	vadd.f32 v16, v15  }
0x206: {  	v63 =	vld [tilespmem:s24+$0xA8B0];
	v2 =	vadd.f32 v2, v17;
	[tilespmem:s24+$0x4840] =	vst v1;
	v1 =	vmax.f32 v5, $0.0e+00  }
0x207: {  	v4 =	vadd.f32 v6, v4;
	[tilespmem:s24+$0x4850] =	vst v1;
	v3 =	vmax.f32 v3, $0.0e+00;
	v1 =	vld [tilespmem:s24+$0x48C0]  }
0x208: {  	v2 =	vmax.f32 v2, $0.0e+00;
	v5 =	vadd.f32 v8, v7;
	[tilespmem:s24+$0x4860] =	vst v3;
	v3 =	vld [tilespmem:s24+$0xA8C0]  }
0x209: {  	v6 =	vadd.f32 v61, v60;
	v4 =	vmax.f32 v4, $0.0e+00;
	[tilespmem:s24+$0x4870] =	vst v2;
	v2 =	vld [tilespmem:s24+$0x48D0]  }
0x20a: {  	[tilespmem:s24+$0x4880] =	vst v4;
	v4 =	vmax.f32 v5, $0.0e+00;
	v5 =	vld [tilespmem:s24+$0xA8D0]  }
0x20b: {  	s13 =	simm.s32 $0x400;
	s3 =	simm.s32 $0x0;
	v7 =	vmax.f32 v6, $0.0e+00;
	v6 =	vadd.f32 v63, v62;
	[tilespmem:s24+$0x4890] =	vst v4;
	v4 =	vld [tilespmem:s24+$0x48E0]  }
.LBB2_14:
0x20c: {  	s22 =	sshra.s32 s13, $0x2;
	[tilespmem:s24+$0x48A0] =	vst v7;
	v7 =	vld [tilespmem:s24+$0xA8E0]  }
0x20d: {  	s3 =	sadd.s32 $0x4, s3;
	v8 =	vld [tilespmem:s22+$0x48F0];
	v6 =	vmax.f32 v6, $0.0e+00;
	v1 =	vadd.f32 v3, v1  }
0x20e: {  	p0 =	slt.u32 s3, $0x7C;
	v3 =	vld [tilespmem:s22+$0xA8F0];
	[tilespmem:s24+$0x48B0] =	vst v6  }
0x20f: {  	v6 =	vld [tilespmem:s22+$0x4800];
	v1 =	vmax.f32 v1, $0.0e+00;
	v2 =	vadd.f32 v5, v2  }
0x210: {  	v5 =	vld [tilespmem:s22+$0xA800];
	[tilespmem:s24+$0x48C0] =	vst v1  }
0x211: {  	v1 =	vld [tilespmem:s22+$0x4810];
	v2 =	vmax.f32 v2, $0.0e+00;
	v4 =	vadd.f32 v7, v4  }
0x212: {  	v7 =	vld [tilespmem:s22+$0xA810];
	[tilespmem:s24+$0x48D0] =	vst v2  }
0x213: {  	v2 =	vld [tilespmem:s22+$0x4820];
	v3 =	vadd.f32 v3, v8;
	v4 =	vmax.f32 v4, $0.0e+00  }
0x214: {  	v8 =	vld [tilespmem:s22+$0xA820];
	[tilespmem:s24+$0x48E0] =	vst v4;
	s24 =	smov.u32 s22  }
0x215: {  	v4 =	vadd.f32 v5, v6;
	v5 =	vld [tilespmem:s24+$0x4830];
	v3 =	vmax.f32 v3, $0.0e+00  }
0x216: {  	v6 =	vld [tilespmem:s24+$0xA830];
	[tilespmem:s24+$0x48F0] =	vst v3  }
0x217: {  	v3 =	vmax.f32 v4, $0.0e+00;
	v1 =	vadd.f32 v7, v1;
	v4 =	vld [tilespmem:s24+$0x4840]  }
0x218: {  	[tilespmem:s24+$0x4800] =	vst v3;
	v3 =	vld [tilespmem:s24+$0xA840]  }
0x219: {  	v1 =	vmax.f32 v1, $0.0e+00;
	v2 =	vadd.f32 v8, v2;
	v7 =	vld [tilespmem:s24+$0x4850]  }
0x21a: {  	[tilespmem:s24+$0x4810] =	vst v1;
	v1 =	vld [tilespmem:s24+$0xA850]  }
0x21b: {  	v2 =	vmax.f32 v2, $0.0e+00;
	v5 =	vadd.f32 v6, v5;
	v6 =	vld [tilespmem:s24+$0x4860]  }
0x21c: {  	[tilespmem:s24+$0x4820] =	vst v2;
	v2 =	vld [tilespmem:s24+$0xA860]  }
0x21d: {  	v5 =	vmax.f32 v5, $0.0e+00;
	v3 =	vadd.f32 v3, v4;
	v4 =	vld [tilespmem:s24+$0x4870]  }
0x21e: {  	[tilespmem:s24+$0x4830] =	vst v5;
	v5 =	vld [tilespmem:s24+$0xA870]  }
0x21f: {  	v3 =	vmax.f32 v3, $0.0e+00;
	v1 =	vadd.f32 v1, v7;
	v7 =	vld [tilespmem:s24+$0x4880]  }
0x220: {  	[tilespmem:s24+$0x4840] =	vst v3;
	v3 =	vld [tilespmem:s24+$0xA880]  }
0x221: {  	v1 =	vmax.f32 v1, $0.0e+00;
	v2 =	vadd.f32 v2, v6;
	v6 =	vld [tilespmem:s24+$0x4890]  }
0x222: {  	[tilespmem:s24+$0x4850] =	vst v1;
	v1 =	vld [tilespmem:s24+$0xA890]  }
0x223: {  	v2 =	vmax.f32 v2, $0.0e+00;
	v4 =	vadd.f32 v5, v4;
	v5 =	vld [tilespmem:s24+$0x48A0]  }
0x224: {  	[tilespmem:s24+$0x4860] =	vst v2;
	v2 =	vld [tilespmem:s24+$0xA8A0]  }
0x225: {  	v4 =	vmax.f32 v4, $0.0e+00;
	v3 =	vadd.f32 v3, v7;
	v8 =	vld [tilespmem:s24+$0x48B0]  }
0x226: {  	[tilespmem:s24+$0x4870] =	vst v4;
	v4 =	vld [tilespmem:s24+$0xA8B0]  }
.Ltmp6:
0x227: {  	v3 =	vmax.f32 v3, $0.0e+00;
	v6 =	vadd.f32 v1, v6;
	v1 =	vld [tilespmem:s24+$0x48C0];
	(pc) =	sbr.rel @p0 .LBB2_14-.Ltmp6, $4  }
0x228: {  	[tilespmem:s24+$0x4880] =	vst v3;
	v3 =	vld [tilespmem:s24+$0xA8C0]  }
0x229: {  	v6 =	vmax.f32 v6, $0.0e+00;
	v7 =	vadd.f32 v2, v5;
	v2 =	vld [tilespmem:s24+$0x48D0]  }
0x22a: {  	[tilespmem:s24+$0x4890] =	vst v6;
	v5 =	vld [tilespmem:s24+$0xA8D0]  }
0x22b: {  	s13 =	sadd.s32 $0x400, s13;
	v7 =	vmax.f32 v7, $0.0e+00;
	v6 =	vadd.f32 v4, v8;
	v4 =	vld [tilespmem:s24+$0x48E0]  }
0x22c: {  	v8 =	vld [tilespmem:s24+$0xA8E0];
	_ =	sdelay $0x2  }
0x22d: {  	v1 =	vadd.f32 v3, v1  }
0x22e: {  	[tilespmem:s24+$0x48A0] =	vst v7;
	v3 =	vmax.f32 v6, $0.0e+00;
	v2 =	vadd.f32 v5, v2  }
0x22f: {  	[tilespmem:s24+$0x48B0] =	vst v3;
	v1 =	vmax.f32 v1, $0.0e+00;
	v3 =	vadd.f32 v8, v4  }
0x230: {  	[tilespmem:s24+$0x48C0] =	vst v1;
	v1 =	vmax.f32 v2, $0.0e+00  }
0x231: {  	[tilespmem:s24+$0x48D0] =	vst v1;
	v1 =	vmax.f32 v3, $0.0e+00  }
0x232: {  	[tilespmem:s24+$0x48E0] =	vst v1  }
0x233: {  	[spmem:s1] =	stream.indirect.scatter.add.f32 [tilespmem:s23], [sflag:$0x3], $0x40, s0, s14, $0xb8;
	[tilespmem:$0xE800] =	vst v63  }
0x234: {  	_ =	swait.ge [sflag:s26], $0x2000  }
0x235: {  	[sflag:s26] =	ssyncset.done $0x0  }
0x236: {  	[sflag:s26] =	ssyncadd.s32 $0xFFFFE000  }
0x237: {  	[tilespmem:s17], [sflag:$0x1] =	stream.indirect.gather [hbm4b:s4+s14], $0x40, s29, s14, $0xb8;
	[tilespmem:$0xE800] =	vst v63  }
0x238: {  	s3 =	simm.s32 $0x780  }
0x239: {  	[tilespmem:s19], [sflag:$0x2] =	stream.indirect.gather [hbm4b:s5+s14], $0x40, s3, s14, $0xb8;
	[tilespmem:$0xE800] =	vst v63  }
0x23a: {  	_ =	swait.ge [sflag:s20], $0x2000  }
0x23b: {  	[sflag:s20] =	ssyncset.done $0x0  }
0x23c: {  	[sflag:s20] =	ssyncadd.s32 $0xFFFFE000  }
0x23d: {  	_ =	swait.ge [sflag:s21], $0x2000  }
0x23e: {  	[sflag:s21] =	ssyncset.done $0x0  }
0x23f: {  	s24 =	simm.s32 $0x880;
	[sflag:s21] =	ssyncadd.s32 $0xFFFFE000  }
0x240: {  	s31 =	simm.s32 $0x6880;
	v1 =	vld [tilespmem:s24+$0x40]  }
0x241: {  	v2 =	vld [tilespmem:s31+$0x40]  }
0x242: {  	v3 =	vld [tilespmem:s31+$0xFFFFFF80]  }
0x243: {  	v4 =	vld [tilespmem:s24+$0xFFFFFFC0]  }
0x244: {  	v5 =	vld [tilespmem:s31+$0xFFFFFFC0]  }
0x245: {  	v6 =	vld [tilespmem:s31+$0x0]  }
0x246: {  	v1 =	vadd.f32 v2, v1;
	v2 =	vld [tilespmem:s24+$0x0]  }
0x247: {  	v7 =	vld [tilespmem:s24+$0xFFFFFF80]  }
0x248: {  	v1 =	vmax.f32 v1, $0.0e+00  }
0x249: {  	v4 =	vadd.f32 v5, v4;
	[tilespmem:s24+$0x40] =	vst v1;
	v1 =	vld [tilespmem:s24+$0x50]  }
0x24a: {  	v8 =	vld [tilespmem:s31+$0x50]  }
0x24b: {  	v9 =	vld [tilespmem:s24+$0xFFFFFFD0];
	v4 =	vmax.f32 v4, $0.0e+00;
	v2 =	vadd.f32 v6, v2  }
0x24c: {  	v5 =	vld [tilespmem:s24+$0xFFFFFF90];
	v3 =	vadd.f32 v3, v7;
	[tilespmem:s24+$0xFFFFFFC0] =	vst v4  }
0x24d: {  	v6 =	vld [tilespmem:s31+$0xFFFFFFD0];
	v2 =	vmax.f32 v2, $0.0e+00  }
0x24e: {  	v3 =	vmax.f32 v3, $0.0e+00;
	v4 =	vld [tilespmem:s24+$0x10];
	[tilespmem:s24+$0x0] =	vst v2  }
0x24f: {  	[tilespmem:s24+$0xFFFFFF80] =	vst v3;
	v1 =	vadd.f32 v8, v1;
	v2 =	vld [tilespmem:s31+$0x10]  }
0x250: {  	v3 =	vld [tilespmem:s31+$0xFFFFFF90]  }
0x251: {  	v1 =	vmax.f32 v1, $0.0e+00  }
0x252: {  	v6 =	vadd.f32 v6, v9;
	[tilespmem:s24+$0x50] =	vst v1;
	v1 =	vld [tilespmem:s24+$0x60]  }
0x253: {  	v8 =	vld [tilespmem:s31+$0x60]  }
0x254: {  	v10 =	vld [tilespmem:s24+$0x20];
	v6 =	vmax.f32 v6, $0.0e+00;
	v2 =	vadd.f32 v2, v4  }
0x255: {  	v3 =	vadd.f32 v3, v5;
	v9 =	vld [tilespmem:s24+$0xFFFFFFE0];
	[tilespmem:s24+$0xFFFFFFD0] =	vst v6  }
0x256: {  	v4 =	vld [tilespmem:s31+$0xFFFFFFE0];
	v2 =	vmax.f32 v2, $0.0e+00  }
0x257: {  	v7 =	vld [tilespmem:s24+$0xFFFFFFA0];
	v3 =	vmax.f32 v3, $0.0e+00;
	[tilespmem:s24+$0x10] =	vst v2  }
0x258: {  	[tilespmem:s24+$0xFFFFFF90] =	vst v3;
	v1 =	vadd.f32 v8, v1;
	v2 =	vld [tilespmem:s31+$0x20]  }
0x259: {  	v6 =	vld [tilespmem:s31+$0xFFFFFFA0]  }
0x25a: {  	v3 =	vmax.f32 v1, $0.0e+00;
	v1 =	vld [tilespmem:s24+$0xFFFFFFB0]  }
0x25b: {  	v4 =	vadd.f32 v4, v9;
	[tilespmem:s24+$0x60] =	vst v3;
	v3 =	vld [tilespmem:s24+$0x70]  }
0x25c: {  	v5 =	vld [tilespmem:s31+$0x70]  }
0x25d: {  	v8 =	vmax.f32 v4, $0.0e+00;
	v4 =	vld [tilespmem:s24+$0xFFFFFFF0];
	v9 =	vadd.f32 v2, v10  }
0x25e: {  	v7 =	vadd.f32 v6, v7;
	[tilespmem:s24+$0xFFFFFFE0] =	vst v8;
	v2 =	vld [tilespmem:s24+$0x30]  }
0x25f: {  	s22 =	simm.s32 $0x980;
	s13 =	simm.s32 $0x6880;
	s3 =	simm.s32 $0x0;
	v6 =	vld [tilespmem:s31+$0xFFFFFFF0];
	v8 =	vmax.f32 v9, $0.0e+00  }
.LBB2_16:
0x260: {  	v9 =	vld [tilespmem:s22+$0x40];
	v7 =	vmax.f32 v7, $0.0e+00;
	[tilespmem:s24+$0x20] =	vst v8;
	s31 =	sadd.s32 $0x100, s31  }
0x261: {  	s3 =	sadd.s32 $0x4, s3;
	v8 =	vld [tilespmem:s31+$0x40];
	[tilespmem:s24+$0xFFFFFFA0] =	vst v7;
	v3 =	vadd.f32 v5, v3  }
0x262: {  	p0 =	slt.u32 s3, $0x7C;
	v5 =	vld [tilespmem:s31+$0xFFFFFF80]  }
0x263: {  	v7 =	vld [tilespmem:s22+$0xFFFFFFC0];
	v3 =	vmax.f32 v3, $0.0e+00  }
0x264: {  	v10 =	vld [tilespmem:s31+$0xFFFFFFC0];
	v4 =	vadd.f32 v6, v4;
	[tilespmem:s24+$0x70] =	vst v3  }
0x265: {  	v3 =	vld [tilespmem:s22+$0x0]  }
0x266: {  	v6 =	vld [tilespmem:s31+$0x0];
	v8 =	vadd.f32 v8, v9;
	v4 =	vmax.f32 v4, $0.0e+00  }
0x267: {  	v9 =	vld [tilespmem:s22+$0xFFFFFF80];
	[tilespmem:s24+$0xFFFFFFF0] =	vst v4  }
0x268: {  	v4 =	vld [tilespmem:s22+$0xFFFFFF90];
	v8 =	vmax.f32 v8, $0.0e+00  }
0x269: {  	v7 =	vadd.f32 v10, v7;
	[tilespmem:s22+$0x40] =	vst v8;
	v8 =	vld [tilespmem:s22+$0x50]  }
0x26a: {  	v10 =	vld [tilespmem:s31+$0x50]  }
0x26b: {  	v7 =	vmax.f32 v7, $0.0e+00;
	v11 =	vld [tilespmem:s22+$0xFFFFFFD0];
	v3 =	vadd.f32 v6, v3  }
0x26c: {  	v5 =	vadd.f32 v5, v9;
	[tilespmem:s22+$0xFFFFFFC0] =	vst v7;
	v6 =	vld [tilespmem:s22+$0x10]  }
0x26d: {  	v7 =	vld [tilespmem:s31+$0xFFFFFFD0];
	v3 =	vmax.f32 v3, $0.0e+00  }
0x26e: {  	v5 =	vmax.f32 v5, $0.0e+00;
	v9 =	vld [tilespmem:s22+$0xFFFFFFA0];
	[tilespmem:s22+$0x0] =	vst v3  }
0x26f: {  	[tilespmem:s22+$0xFFFFFF80] =	vst v5;
	v3 =	vld [tilespmem:s31+$0x10];
	v5 =	vadd.f32 v10, v8  }
0x270: {  	v8 =	vld [tilespmem:s31+$0xFFFFFF90]  }
0x271: {  	v10 =	vld [tilespmem:s22+$0xFFFFFFE0];
	v5 =	vmax.f32 v5, $0.0e+00  }
0x272: {  	v7 =	vadd.f32 v7, v11;
	[tilespmem:s22+$0x50] =	vst v5;
	v5 =	vld [tilespmem:s22+$0x60]  }
0x273: {  	v11 =	vld [tilespmem:s31+$0x60]  }
0x274: {  	v7 =	vmax.f32 v7, $0.0e+00;
	v3 =	vadd.f32 v3, v6;
	v6 =	vld [tilespmem:s22+$0x20]  }
0x275: {  	v4 =	vadd.f32 v8, v4;
	[tilespmem:s22+$0xFFFFFFD0] =	vst v7;
	v7 =	vld [tilespmem:s13+$0xFFFFFFB0]  }
0x276: {  	v8 =	vld [tilespmem:s31+$0xFFFFFFE0];
	v3 =	vmax.f32 v3, $0.0e+00  }
0x277: {  	v4 =	vmax.f32 v4, $0.0e+00;
	[tilespmem:s22+$0x10] =	vst v3;
	v12 =	vld [tilespmem:s13+$0x30];
	s13 =	smov.u32 s31  }
0x278: {  	[tilespmem:s22+$0xFFFFFF90] =	vst v4;
	v13 =	vld [tilespmem:s31+$0x20];
	v3 =	vadd.f32 v11, v5  }
0x279: {  	v11 =	vld [tilespmem:s31+$0xFFFFFFA0]  }
0x27a: {  	v3 =	vmax.f32 v3, $0.0e+00;
	v4 =	vadd.f32 v7, v1;
	v1 =	vld [tilespmem:s22+$0xFFFFFFB0]  }
.Ltmp7:
0x27b: {  	v7 =	vadd.f32 v8, v10;
	[tilespmem:s22+$0x60] =	vst v3;
	v3 =	vld [tilespmem:s22+$0x70];
	(pc) =	sbr.rel @p0 .LBB2_16-.Ltmp7, $4  }
0x27c: {  	v5 =	vld [tilespmem:s31+$0x70];
	v8 =	vmax.f32 v4, $0.0e+00;
	v10 =	vadd.f32 v12, v2  }
0x27d: {  	v2 =	vmax.f32 v7, $0.0e+00;
	v4 =	vld [tilespmem:s22+$0xFFFFFFF0];
	v12 =	vadd.f32 v13, v6;
	[tilespmem:s24+$0xFFFFFFB0] =	vst v8  }
0x27e: {  	v7 =	vadd.f32 v11, v9;
	[tilespmem:s22+$0xFFFFFFE0] =	vst v2;
	v2 =	vld [tilespmem:s22+$0x30];
	v9 =	vmax.f32 v10, $0.0e+00  }
0x27f: {  	v6 =	vld [tilespmem:s31+$0xFFFFFFF0];
	v8 =	vmax.f32 v12, $0.0e+00;
	[tilespmem:s24+$0x30] =	vst v9;
	s24 =	smov.u32 s22;
	s22 =	sadd.s32 $0x100, s22  }
0x280: {  	v7 =	vmax.f32 v7, $0.0e+00  }
0x281: {  	[tilespmem:s24+$0xFFFFFFA0] =	vst v7  }
0x282: {  	[tilespmem:s24+$0x20] =	vst v8;
	v7 =	vld [tilespmem:s13+$0xFFFFFFB0]  }
0x283: {  	v8 =	vld [tilespmem:s13+$0x30];
	_ =	sdelay $0x1  }
0x284: {  	v3 =	vadd.f32 v5, v3  }
0x285: {  	v4 =	vadd.f32 v6, v4  }
0x286: {  	v3 =	vmax.f32 v3, $0.0e+00;
	v1 =	vadd.f32 v7, v1  }
0x287: {  	[tilespmem:s24+$0x70] =	vst v3;
	v3 =	vmax.f32 v4, $0.0e+00;
	v2 =	vadd.f32 v8, v2  }
0x288: {  	[tilespmem:s24+$0xFFFFFFF0] =	vst v3;
	v1 =	vmax.f32 v1, $0.0e+00  }
0x289: {  	[tilespmem:s24+$0xFFFFFFB0] =	vst v1;
	v1 =	vmax.f32 v2, $0.0e+00  }
0x28a: {  	[tilespmem:s24+$0x30] =	vst v1  }
0x28b: {  	[spmem:s1] =	stream.indirect.scatter.add.f32 [tilespmem:s15], [sflag:$0x3], $0x40, s18, s14, $0xb8;
	[tilespmem:$0xE800] =	vst v63  }
0x28c: {  	_ =	swait.ge [sflag:s20], $0x2000  }
0x28d: {  	[sflag:s20] =	ssyncset.done $0x0  }
0x28e: {  	[sflag:s20] =	ssyncadd.s32 $0xFFFFE000  }
0x28f: {  	_ =	swait.ge [sflag:s21], $0x2000  }
0x290: {  	[sflag:s21] =	ssyncset.done $0x0  }
0x291: {  	s24 =	simm.s32 $0x28F0;
	[sflag:s21] =	ssyncadd.s32 $0xFFFFE000  }
0x292: {  	s31 =	simm.s32 $0x88F0;
	v1 =	vld [tilespmem:s24+$0xFFFFFFD0]  }
0x293: {  	v2 =	vld [tilespmem:s31+$0xFFFFFFD0]  }
0x294: {  	v3 =	vld [tilespmem:s31+$0xFFFFFF10]  }
0x295: {  	v4 =	vld [tilespmem:s24+$0xFFFFFF50]  }
0x296: {  	v5 =	vld [tilespmem:s31+$0xFFFFFF50]  }
0x297: {  	v6 =	vld [tilespmem:s31+$0xFFFFFF90]  }
0x298: {  	v1 =	vadd.f32 v2, v1;
	v2 =	vld [tilespmem:s24+$0xFFFFFF90]  }
0x299: {  	v7 =	vld [tilespmem:s24+$0xFFFFFF10]  }
0x29a: {  	v1 =	vmax.f32 v1, $0.0e+00  }
0x29b: {  	v4 =	vadd.f32 v5, v4;
	[tilespmem:s24+$0xFFFFFFD0] =	vst v1;
	v1 =	vld [tilespmem:s24+$0xFFFFFFE0]  }
0x29c: {  	v8 =	vld [tilespmem:s31+$0xFFFFFFE0]  }
0x29d: {  	v9 =	vld [tilespmem:s24+$0xFFFFFF60];
	v4 =	vmax.f32 v4, $0.0e+00;
	v2 =	vadd.f32 v6, v2  }
0x29e: {  	v5 =	vld [tilespmem:s24+$0xFFFFFF20];
	v3 =	vadd.f32 v3, v7;
	[tilespmem:s24+$0xFFFFFF50] =	vst v4  }
0x29f: {  	v6 =	vld [tilespmem:s31+$0xFFFFFF60];
	v2 =	vmax.f32 v2, $0.0e+00  }
0x2a0: {  	v3 =	vmax.f32 v3, $0.0e+00;
	v4 =	vld [tilespmem:s24+$0xFFFFFFA0];
	[tilespmem:s24+$0xFFFFFF90] =	vst v2  }
0x2a1: {  	[tilespmem:s24+$0xFFFFFF10] =	vst v3;
	v1 =	vadd.f32 v8, v1;
	v2 =	vld [tilespmem:s31+$0xFFFFFFA0]  }
0x2a2: {  	v3 =	vld [tilespmem:s31+$0xFFFFFF20]  }
0x2a3: {  	v1 =	vmax.f32 v1, $0.0e+00  }
0x2a4: {  	v6 =	vadd.f32 v6, v9;
	[tilespmem:s24+$0xFFFFFFE0] =	vst v1;
	v1 =	vld [tilespmem:s24+$0xFFFFFFF0]  }
0x2a5: {  	v8 =	vld [tilespmem:s31+$0xFFFFFFF0]  }
0x2a6: {  	v10 =	vld [tilespmem:s24+$0xFFFFFFB0];
	v6 =	vmax.f32 v6, $0.0e+00;
	v2 =	vadd.f32 v2, v4  }
0x2a7: {  	v3 =	vadd.f32 v3, v5;
	v9 =	vld [tilespmem:s24+$0xFFFFFF70];
	[tilespmem:s24+$0xFFFFFF60] =	vst v6  }
0x2a8: {  	v4 =	vld [tilespmem:s31+$0xFFFFFF70];
	v2 =	vmax.f32 v2, $0.0e+00  }
0x2a9: {  	v7 =	vld [tilespmem:s24+$0xFFFFFF30];
	v3 =	vmax.f32 v3, $0.0e+00;
	[tilespmem:s24+$0xFFFFFFA0] =	vst v2  }
0x2aa: {  	[tilespmem:s24+$0xFFFFFF20] =	vst v3;
	v1 =	vadd.f32 v8, v1;
	v2 =	vld [tilespmem:s31+$0xFFFFFFB0]  }
0x2ab: {  	v6 =	vld [tilespmem:s31+$0xFFFFFF30]  }
0x2ac: {  	v3 =	vmax.f32 v1, $0.0e+00;
	v1 =	vld [tilespmem:s24+$0xFFFFFF40]  }
0x2ad: {  	v4 =	vadd.f32 v4, v9;
	[tilespmem:s24+$0xFFFFFFF0] =	vst v3;
	v3 =	vld [tilespmem:s24+$0x0]  }
0x2ae: {  	v5 =	vld [tilespmem:s31+$0x0]  }
0x2af: {  	v8 =	vmax.f32 v4, $0.0e+00;
	v4 =	vld [tilespmem:s24+$0xFFFFFF80];
	v9 =	vadd.f32 v2, v10  }
0x2b0: {  	v7 =	vadd.f32 v6, v7;
	[tilespmem:s24+$0xFFFFFF70] =	vst v8;
	v2 =	vld [tilespmem:s24+$0xFFFFFFC0]  }
0x2b1: {  	s3 =	simm.s32 $0x0;
	s22 =	simm.s32 $0x29F0;
	s13 =	simm.s32 $0x88F0;
	v6 =	vld [tilespmem:s31+$0xFFFFFF80];
	v8 =	vmax.f32 v9, $0.0e+00  }
.LBB2_18:
0x2b2: {  	v9 =	vld [tilespmem:s22+$0xFFFFFFD0];
	v7 =	vmax.f32 v7, $0.0e+00;
	[tilespmem:s24+$0xFFFFFFB0] =	vst v8;
	s31 =	sadd.s32 $0x100, s31  }
0x2b3: {  	s3 =	sadd.s32 $0x4, s3;
	v8 =	vld [tilespmem:s31+$0xFFFFFFD0];
	[tilespmem:s24+$0xFFFFFF30] =	vst v7;
	v3 =	vadd.f32 v5, v3  }
0x2b4: {  	p0 =	slt.u32 s3, $0x7C;
	v5 =	vld [tilespmem:s31+$0xFFFFFF10]  }
0x2b5: {  	v7 =	vld [tilespmem:s22+$0xFFFFFF50];
	v3 =	vmax.f32 v3, $0.0e+00  }
0x2b6: {  	v10 =	vld [tilespmem:s31+$0xFFFFFF50];
	v4 =	vadd.f32 v6, v4;
	[tilespmem:s24+$0x0] =	vst v3  }
0x2b7: {  	v3 =	vld [tilespmem:s22+$0xFFFFFF90]  }
0x2b8: {  	v6 =	vld [tilespmem:s31+$0xFFFFFF90];
	v8 =	vadd.f32 v8, v9;
	v4 =	vmax.f32 v4, $0.0e+00  }
0x2b9: {  	v9 =	vld [tilespmem:s22+$0xFFFFFF10];
	[tilespmem:s24+$0xFFFFFF80] =	vst v4  }
0x2ba: {  	v4 =	vld [tilespmem:s22+$0xFFFFFF20];
	v8 =	vmax.f32 v8, $0.0e+00  }
0x2bb: {  	v7 =	vadd.f32 v10, v7;
	[tilespmem:s22+$0xFFFFFFD0] =	vst v8;
	v8 =	vld [tilespmem:s22+$0xFFFFFFE0]  }
0x2bc: {  	v10 =	vld [tilespmem:s31+$0xFFFFFFE0]  }
0x2bd: {  	v7 =	vmax.f32 v7, $0.0e+00;
	v11 =	vld [tilespmem:s22+$0xFFFFFF60];
	v3 =	vadd.f32 v6, v3  }
0x2be: {  	v5 =	vadd.f32 v5, v9;
	[tilespmem:s22+$0xFFFFFF50] =	vst v7;
	v6 =	vld [tilespmem:s22+$0xFFFFFFA0]  }
0x2bf: {  	v7 =	vld [tilespmem:s31+$0xFFFFFF60];
	v3 =	vmax.f32 v3, $0.0e+00  }
0x2c0: {  	v5 =	vmax.f32 v5, $0.0e+00;
	v9 =	vld [tilespmem:s22+$0xFFFFFF30];
	[tilespmem:s22+$0xFFFFFF90] =	vst v3  }
0x2c1: {  	[tilespmem:s22+$0xFFFFFF10] =	vst v5;
	v3 =	vld [tilespmem:s31+$0xFFFFFFA0];
	v5 =	vadd.f32 v10, v8  }
0x2c2: {  	v8 =	vld [tilespmem:s31+$0xFFFFFF20]  }
0x2c3: {  	v10 =	vld [tilespmem:s22+$0xFFFFFF70];
	v5 =	vmax.f32 v5, $0.0e+00  }
0x2c4: {  	v7 =	vadd.f32 v7, v11;
	[tilespmem:s22+$0xFFFFFFE0] =	vst v5;
	v5 =	vld [tilespmem:s22+$0xFFFFFFF0]  }
0x2c5: {  	v11 =	vld [tilespmem:s31+$0xFFFFFFF0]  }
0x2c6: {  	v7 =	vmax.f32 v7, $0.0e+00;
	v3 =	vadd.f32 v3, v6;
	v6 =	vld [tilespmem:s22+$0xFFFFFFB0]  }
0x2c7: {  	v4 =	vadd.f32 v8, v4;
	[tilespmem:s22+$0xFFFFFF60] =	vst v7;
	v7 =	vld [tilespmem:s13+$0xFFFFFF40]  }
0x2c8: {  	v8 =	vld [tilespmem:s31+$0xFFFFFF70];
	v3 =	vmax.f32 v3, $0.0e+00  }
0x2c9: {  	v4 =	vmax.f32 v4, $0.0e+00;
	[tilespmem:s22+$0xFFFFFFA0] =	vst v3;
	v12 =	vld [tilespmem:s13+$0xFFFFFFC0];
	s13 =	smov.u32 s31  }
0x2ca: {  	[tilespmem:s22+$0xFFFFFF20] =	vst v4;
	v13 =	vld [tilespmem:s31+$0xFFFFFFB0];
	v3 =	vadd.f32 v11, v5  }
0x2cb: {  	v11 =	vld [tilespmem:s31+$0xFFFFFF30]  }
0x2cc: {  	v3 =	vmax.f32 v3, $0.0e+00;
	v4 =	vadd.f32 v7, v1;
	v1 =	vld [tilespmem:s22+$0xFFFFFF40]  }
.Ltmp8:
0x2cd: {  	v7 =	vadd.f32 v8, v10;
	[tilespmem:s22+$0xFFFFFFF0] =	vst v3;
	v3 =	vld [tilespmem:s22+$0x0];
	(pc) =	sbr.rel @p0 .LBB2_18-.Ltmp8, $4  }
0x2ce: {  	v5 =	vld [tilespmem:s31+$0x0];
	v8 =	vmax.f32 v4, $0.0e+00;
	v10 =	vadd.f32 v12, v2  }
0x2cf: {  	v2 =	vmax.f32 v7, $0.0e+00;
	v4 =	vld [tilespmem:s22+$0xFFFFFF80];
	v12 =	vadd.f32 v13, v6;
	[tilespmem:s24+$0xFFFFFF40] =	vst v8  }
0x2d0: {  	v7 =	vadd.f32 v11, v9;
	[tilespmem:s22+$0xFFFFFF70] =	vst v2;
	v2 =	vld [tilespmem:s22+$0xFFFFFFC0];
	v9 =	vmax.f32 v10, $0.0e+00  }
0x2d1: {  	v6 =	vld [tilespmem:s31+$0xFFFFFF80];
	v8 =	vmax.f32 v12, $0.0e+00;
	[tilespmem:s24+$0xFFFFFFC0] =	vst v9;
	s24 =	smov.u32 s22;
	s22 =	sadd.s32 $0x100, s22  }
0x2d2: {  	v7 =	vmax.f32 v7, $0.0e+00  }
0x2d3: {  	[tilespmem:s24+$0xFFFFFF30] =	vst v7  }
0x2d4: {  	[tilespmem:s24+$0xFFFFFFB0] =	vst v8;
	v7 =	vld [tilespmem:s13+$0xFFFFFF40]  }
0x2d5: {  	v8 =	vld [tilespmem:s13+$0xFFFFFFC0];
	_ =	sdelay $0x1  }
0x2d6: {  	v3 =	vadd.f32 v5, v3  }
0x2d7: {  	v4 =	vadd.f32 v6, v4  }
0x2d8: {  	v3 =	vmax.f32 v3, $0.0e+00;
	v1 =	vadd.f32 v7, v1  }
0x2d9: {  	[tilespmem:s24+$0x0] =	vst v3;
	v3 =	vmax.f32 v4, $0.0e+00;
	v2 =	vadd.f32 v8, v2  }
0x2da: {  	[tilespmem:s24+$0xFFFFFF80] =	vst v3;
	v1 =	vmax.f32 v1, $0.0e+00  }
0x2db: {  	[tilespmem:s24+$0xFFFFFF40] =	vst v1;
	v1 =	vmax.f32 v2, $0.0e+00  }
0x2dc: {  	[tilespmem:s24+$0xFFFFFFC0] =	vst v1  }
0x2dd: {  	[spmem:s1] =	stream.indirect.scatter.add.f32 [tilespmem:s17], [sflag:$0x3], $0x40, s29, s14, $0xb8;
	[tilespmem:$0xE800] =	vst v63  }
0x2de: {  	_ =	swait.ge [sflag:s26], $0x2000  }
0x2df: {  	[sflag:s26] =	ssyncset.done $0x0  }
0x2e0: {  	[sflag:s26] =	ssyncadd.s32 $0xFFFFE000  }
0x2e1: {  	_ =	swait.ge [sflag:s26], $0x2000  }
0x2e2: {  	[sflag:s26] =	ssyncset.done $0x0  }
0x2e3: {  	[sflag:s26] =	ssyncadd.s32 $0xFFFFE000  }
0x2e4: {  	s3 =	stileid.u32;
	_ =	swait.ge [sflag:s26], $0x2000  }
0x2e5: {  	s31 =	sshrl.u32 s6, $0x3;
	s11 =	sadd.s32 $0x1, s11;
	[sflag:s26] =	ssyncset.done $0x0  }
0x2e6: {  	s3 =	sshll.u32 s3, $0x6;
	p0 =	sne.s32 s11, s10;
	[sflag:s26] =	ssyncadd.s32 $0xFFFFE000  }
.Ltmp9:
0x2e7: {  	s3 =	sor.u32 $0x1C04, s3;
	[bflag:$0x0] =	sbarrier.arrive $0xFFFF;
	(pc) =	sbr.rel @p0 .LBB2_1-.Ltmp9, $4  }
0x2e8: {  	[hbm:s9], [sflag:s3] =	dma.local [spmem:s31], $0x200  }
0x2e9: {  	_ =	swait.ge [sflag:s12], $0x200  }
0x2ea: {  	[sflag:s12] =	ssyncset.done $0x0  }
0x2eb: {  	[sflag:s12] =	ssyncadd.s32 $0xFFFFFE00  }
0x2ec: {  	_ =	sfence.sel $0x180000  }
0x2ed: {  	[bflag:$0x0] =	sbarrier.arrive $0xFFFF  }
0x2ee: {  	_ =	strace $0x90000047  }
0x2ef: {  	s0 =	stileid.u32;
	[bflag:$0x2] =	sbarrier.arrive $0xFFFF  }
0x2f0: {  	p0 =	sne.s32 s0, $0x0;
	s0 =	rddreg [dreg:$0x2]  }
0x2f1: {  	s0 =	sadd.s32 @!p0 $0x100000, s0  }
0x2f2: {  	[sflag:s0] =	ssyncadd.tile.s32 @!p0 $0x1;
	_ =	shalt  }
.Lfunc_end2:
_tile_overlayer_lowered:
.L_overlay_start_2:
0x2f3: {  	(tag) =	ssettag $0x2  }
0x2f4: {  	s0 =	rddreg [dreg:$0x0];
	s2 =	stileid.u32  }
0x2f5: {  	s1 =	rddreg [dreg:$0x1];
	p0 =	sne.s32 s2, $0x0  }
0x2f6: {  	s3 =	rddreg [dreg:$0x2];
	[bflag:$0x3] =	sbarrier.arrive $0xFFFF;
	s2 =	simm.s32 @!p0 $0x1C04  }
0x2f7: {  	[timem:s3], [sflag:s2] =	dma.local @!p0 [hbm:s0], s1  }
0x2f8: {  	s0 =	simm.s32 @!p0 $0x4  }
0x2f9: {  	_ =	swait.ge @!p0 [sflag:s0], s1  }
0x2fa: {  	s1 =	ssub.s32 @!p0 $0x0, s1;
	[sflag:s0] =	ssyncset.done @!p0 $0x0  }
0x2fb: {  	[sflag:s0] =	ssyncadd.s32 @!p0 s1  }
0x2fc: {  	[bflag:$0x3] =	sbarrier.arrive $0xFFFF  }
0x2fd: {  	_ =	shalt  }

</sc_bundles>
